<compile_context>
chip_gen: v7x
topology: tpu7x:2x2x1
jax: 0.10.2.dev20260603
libtpu: 0.0.44.dev20260713+nightly
codegen_flags: <defaults>
</compile_context>

<pallas_src>
import functools

import jax
import jax.numpy as jnp
from jax import lax
from jax.experimental import pallas as pl
from jax.experimental.pallas import tpu as pltpu
from jax.experimental.pallas import tpu_sc as plsc

NC = 2
NS = 16
L = 16
NW = NC * NS
NROW = 16384
FEAT = 100
C = 8
P = 2
COLS_W = NROW // NW
COLS_P = COLS_W // P
NWIN = COLS_P // L
VROWS = 10
VCOLS = 20


def _sc_body(x_hbm, w_hbm, out_hbm, x_v0, x_v1, w_v, acc_v,
             hist_v, sem0, sem1):
    cid = lax.axis_index("c")
    sid = lax.axis_index("s")
    wid = cid * NS + sid
    cbase = wid * COLS_W
    sems = [sem0, sem1]
    bufs = [x_v0, x_v1]

    copies = [
        pltpu.async_copy(
            x_hbm.at[:, pl.ds(cbase + g * COLS_P, COLS_P)], bufs[g], sems[g])
        for g in range(P)
    ]
    pltpu.sync_copy(w_hbm, w_v)

    zero = jnp.zeros((L,), jnp.float32)
    for r in range(C * L):
        hist_v[pl.ds(r * L, L)] = zero

    ones = jnp.full((L,), 1.0, jnp.float32)
    lane = lax.iota(jnp.int32, L)
    woffs = [lane + jnp.int32((w % C) << 8) for w in range(NWIN)]

    for g in range(P):
        copies[g].wait()

        @plsc.parallel_loop(0, FEAT, unroll=2)
        def _scatter(r, buf=bufs[g]):
            for w in range(NWIN):
                idx = buf[r, pl.ds(w * L, L)]
                vidx = (idx << 4) | woffs[w]
                plsc.addupdate_scatter(hist_v, [vidx], ones)

    s = []
    for r in range(VROWS):
        v1 = w_v[r, pl.ds(0, L)]
        v2 = w_v[r, pl.ds(VCOLS - L, L)]
        tail = jnp.where(lane >= jnp.int32(2 * L - VCOLS), v2, 0.0)
        s.append(jnp.sum(v1) + jnp.sum(tail))

    accs = [jnp.zeros((L,), jnp.float32) for _ in range(4)]
    k = 0
    for c in range(C):
        for r in range(VROWS):
            row = hist_v[pl.ds(c * L * L + r * L, L)]
            accs[k % 4] = accs[k % 4] + row * s[r]
            k += 1
    acc = (accs[0] + accs[1]) + (accs[2] + accs[3])
    acc_v[...] = acc
    pltpu.sync_copy(acc_v, out_hbm.at[wid])


_sc_call = functools.partial(
    pl.kernel,
    out_type=jax.ShapeDtypeStruct((NW, L), jnp.float32),
    mesh=plsc.VectorSubcoreMesh(core_axis_name="c", subcore_axis_name="s"),
    compiler_params=pltpu.CompilerParams(
        needs_layout_passes=False, use_tc_tiling_on_sc=True),
    scratch_types=[
        pltpu.VMEM((FEAT, COLS_P), jnp.int32),
        pltpu.VMEM((FEAT, COLS_P), jnp.int32),
        pltpu.VMEM((VROWS, VCOLS), jnp.float32),
        pltpu.VMEM((L,), jnp.float32),
        pltpu.VMEM((C * L * L,), jnp.float32),
        pltpu.SemaphoreType.DMA,
        pltpu.SemaphoreType.DMA,
    ],
)


def kernel(x, weight):
    out = _sc_call(_sc_body)(x.T, weight)
    return out.sum()

# --- scband reference (transcript-rebuilt; emitter-appended) ---
"""Pipeline reference for scband-model-36739150250324 (READ-ONLY COPY).

The authoritative reference and input builder live on the scoring server;
editing this copy changes nothing except your own understanding.
"""

import jax, jax.numpy as jnp
import numpy as np


def setup_inputs(seed: int = 0) -> dict:
    key = jax.random.key(seed)
    k1, k2 = jax.random.split(key)
    x = jax.random.randint(k1, (16384, 100), 0, 10)
    weight = jax.random.normal(k2, (10, 20), dtype=jnp.float32)
    return {"x": x, "weight": weight}


def reference(x, weight):
    # torch.nn.Embedding lookup followed by global sum
    emb = jnp.take(weight, x, axis=0)  # [B, F, 20]
    return emb.sum()

if __name__ == "__main__":
    import jax
    _d = setup_inputs()
    print(jax.jit(kernel)(*tuple(_d.values())))

</pallas_src>

<mosaic_0001>
#map = affine_map<(d0, d1) -> (0, 0)>
module attributes {stable_mosaic.version = 14 : i64} {
  func.func @_sc_body(%arg0: i32, %arg1: i32, %arg2: memref<100x16384xi32, #tpu.memory_space<hbm>>, %arg3: memref<10x20xf32, #tpu.memory_space<hbm>>, %arg4: memref<32x16xf32, #tpu.memory_space<hbm>>, %arg5: memref<100x256xi32, #tpu.memory_space<vmem>>, %arg6: memref<100x256xi32, #tpu.memory_space<vmem>>, %arg7: memref<10x20xf32, #tpu.memory_space<vmem>>, %arg8: memref<16xf32, #tpu.memory_space<vmem>>, %arg9: memref<2048xf32, #tpu.memory_space<vmem>>, %arg10: memref<!tpu.dma_semaphore, #tpu.memory_space<semaphore_mem>>, %arg11: memref<!tpu.dma_semaphore, #tpu.memory_space<semaphore_mem>>) attributes {dimension_semantics = [#tpu.dimension_semantics<core_parallel>, #tpu.dimension_semantics<subcore_parallel>], iteration_bounds = array<i64: 2, 16>, scalar_prefetch = 0 : i64, scratch_operands = 7 : i64, tpu.core_type = #tpu.core_type<sc_vector_subcore>, window_params = [{transform_indices = #map}, {transform_indices = #map}, {transform_indices = #map}]} {
    %mul3A = arith.constant 16 : i32
    %mul3A_0 = arith.muli %arg0, %mul3A : i32
    %add3A = arith.addi %mul3A_0, %arg1 : i32
    %mul3A_1 = arith.constant 512 : i32
    %mul3A_2 = arith.muli %add3A, %mul3A_1 : i32
    %add3A_3 = arith.constant 0 : i32
    %add3A_4 = arith.addi %mul3A_2, %add3A_3 : i32
    %dma_start3A = arith.constant 0 : i32
    %dma_start3A_5 = tpu.memref_slice %arg2[%dma_start3A, %add3A_4] : memref<100x16384xi32, #tpu.memory_space<hbm>> -> memref<100x256xi32, #tpu.memory_space<hbm>>
    %dma_start3A_6 = arith.constant 0 : i32
    %dma_start3A_7 = tpu.memref_slice %arg2[%dma_start3A_6, %add3A_4] : memref<100x16384xi32, #tpu.memory_space<hbm>> -> memref<100x256xi32, #tpu.memory_space<hbm>>
    tpu.enqueue_dma source(%dma_start3A_7 : memref<100x256xi32, #tpu.memory_space<hbm>>) target(%arg5 : memref<100x256xi32, #tpu.memory_space<vmem>>) target_semaphore(%arg10 : memref<!tpu.dma_semaphore, #tpu.memory_space<semaphore_mem>>)
    %add3A_8 = arith.constant 256 : i32
    %add3A_9 = arith.addi %mul3A_2, %add3A_8 : i32
    %dma_start3A_10 = arith.constant 0 : i32
    %dma_start3A_11 = tpu.memref_slice %arg2[%dma_start3A_10, %add3A_9] : memref<100x16384xi32, #tpu.memory_space<hbm>> -> memref<100x256xi32, #tpu.memory_space<hbm>>
    %dma_start3A_12 = arith.constant 0 : i32
    %dma_start3A_13 = tpu.memref_slice %arg2[%dma_start3A_12, %add3A_9] : memref<100x16384xi32, #tpu.memory_space<hbm>> -> memref<100x256xi32, #tpu.memory_space<hbm>>
    tpu.enqueue_dma source(%dma_start3A_13 : memref<100x256xi32, #tpu.memory_space<hbm>>) target(%arg6 : memref<100x256xi32, #tpu.memory_space<vmem>>) target_semaphore(%arg11 : memref<!tpu.dma_semaphore, #tpu.memory_space<semaphore_mem>>)
    "tpu.region"() ({
      %run_scoped3A = tpu.sem_alloc : memref<!tpu.dma_semaphore, #tpu.memory_space<semaphore_mem>>
      tpu.enqueue_dma source(%arg3 : memref<10x20xf32, #tpu.memory_space<hbm>>) target(%arg7 : memref<10x20xf32, #tpu.memory_space<vmem>>) target_semaphore(%run_scoped3A : memref<!tpu.dma_semaphore, #tpu.memory_space<semaphore_mem>>)
      tpu.wait_dma2 semaphore(%run_scoped3A : memref<!tpu.dma_semaphore, #tpu.memory_space<semaphore_mem>>) src(%arg3 : memref<10x20xf32, #tpu.memory_space<hbm>>) dst(%arg7 : memref<10x20xf32, #tpu.memory_space<vmem>>)
      tpu.yield
    }) : () -> ()
    %broadcast_in_dim3A = arith.constant 0.000000e+00 : f32
    %broadcast_in_dim3A_14 = vector.broadcast %broadcast_in_dim3A : f32 to vector<16xf32>
    %swap3A = arith.constant 0 : index
    %swap3A_15 = tpu.vector_load %arg9[%swap3A] {strides = array<i32>} : memref<2048xf32, #tpu.memory_space<vmem>>, vector<16xf32>,
    tpu.vector_store %arg9[%swap3A], %broadcast_in_dim3A_14 {strides = array<i32>} : memref<2048xf32, #tpu.memory_space<vmem>>, vector<16xf32>,
    %swap3A_16 = arith.constant 16 : index
    %swap3A_17 = tpu.vector_load %arg9[%swap3A_16] {strides = array<i32>} : memref<2048xf32, #tpu.memory_space<vmem>>, vector<16xf32>,
    tpu.vector_store %arg9[%swap3A_16], %broadcast_in_dim3A_14 {strides = array<i32>} : memref<2048xf32, #tpu.memory_space<vmem>>, vector<16xf32>,
    %swap3A_18 = arith.constant 32 : index
    %swap3A_19 = tpu.vector_load %arg9[%swap3A_18] {strides = array<i32>} : memref<2048xf32, #tpu.memory_space<vmem>>, vector<16xf32>,
    tpu.vector_store %arg9[%swap3A_18], %broadcast_in_dim3A_14 {strides = array<i32>} : memref<2048xf32, #tpu.memory_space<vmem>>, vector<16xf32>,
    %swap3A_20 = arith.constant 48 : index
    %swap3A_21 = tpu.vector_load %arg9[%swap3A_20] {strides = array<i32>} : memref<2048xf32, #tpu.memory_space<vmem>>, vector<16xf32>,
    tpu.vector_store %arg9[%swap3A_20], %broadcast_in_dim3A_14 {strides = array<i32>} : memref<2048xf32, #tpu.memory_space<vmem>>, vector<16xf32>,
    %swap3A_22 = arith.constant 64 : index
    %swap3A_23 = tpu.vector_load %arg9[%swap3A_22] {strides = array<i32>} : memref<2048xf32, #tpu.memory_space<vmem>>, vector<16xf32>,
    tpu.vector_store %arg9[%swap3A_22], %broadcast_in_dim3A_14 {strides = array<i32>} : memref<2048xf32, #tpu.memory_space<vmem>>, vector<16xf32>,
    %swap3A_24 = arith.constant 80 : index
    %swap3A_25 = tpu.vector_load %arg9[%swap3A_24] {strides = array<i32>} : memref<2048xf32, #tpu.memory_space<vmem>>, vector<16xf32>,
    tpu.vector_store %arg9[%swap3A_24], %broadcast_in_dim3A_14 {strides = array<i32>} : memref<2048xf32, #tpu.memory_space<vmem>>, vector<16xf32>,
    %swap3A_26 = arith.constant 96 : index
    %swap3A_27 = tpu.vector_load %arg9[%swap3A_26] {strides = array<i32>} : memref<2048xf32, #tpu.memory_space<vmem>>, vector<16xf32>,
    tpu.vector_store %arg9[%swap3A_26], %broadcast_in_dim3A_14 {strides = array<i32>} : memref<2048xf32, #tpu.memory_space<vmem>>, vector<16xf32>,
    %swap3A_28 = arith.constant 112 : index
    %swap3A_29 = tpu.vector_load %arg9[%swap3A_28] {strides = array<i32>} : memref<2048xf32, #tpu.memory_space<vmem>>, vector<16xf32>,
    tpu.vector_store %arg9[%swap3A_28], %broadcast_in_dim3A_14 {strides = array<i32>} : memref<2048xf32, #tpu.memory_space<vmem>>, vector<16xf32>,
    %swap3A_30 = arith.constant 128 : index
    %swap3A_31 = tpu.vector_load %arg9[%swap3A_30] {strides = array<i32>} : memref<2048xf32, #tpu.memory_space<vmem>>, vector<16xf32>,
    tpu.vector_store %arg9[%swap3A_30], %broadcast_in_dim3A_14 {strides = array<i32>} : memref<2048xf32, #tpu.memory_space<vmem>>, vector<16xf32>,
    %swap3A_32 = arith.constant 144 : index
    %swap3A_33 = tpu.vector_load %arg9[%swap3A_32] {strides = array<i32>} : memref<2048xf32, #tpu.memory_space<vmem>>, vector<16xf32>,
    tpu.vector_store %arg9[%swap3A_32], %broadcast_in_dim3A_14 {strides = array<i32>} : memref<2048xf32, #tpu.memory_space<vmem>>, vector<16xf32>,
    %swap3A_34 = arith.constant 160 : index
    %swap3A_35 = tpu.vector_load %arg9[%swap3A_34] {strides = array<i32>} : memref<2048xf32, #tpu.memory_space<vmem>>, vector<16xf32>,
    tpu.vector_store %arg9[%swap3A_34], %broadcast_in_dim3A_14 {strides = array<i32>} : memref<2048xf32, #tpu.memory_space<vmem>>, vector<16xf32>,
    %swap3A_36 = arith.constant 176 : index
    %swap3A_37 = tpu.vector_load %arg9[%swap3A_36] {strides = array<i32>} : memref<2048xf32, #tpu.memory_space<vmem>>, vector<16xf32>,
    tpu.vector_store %arg9[%swap3A_36], %broadcast_in_dim3A_14 {strides = array<i32>} : memref<2048xf32, #tpu.memory_space<vmem>>, vector<16xf32>,
    %swap3A_38 = arith.constant 192 : index
    %swap3A_39 = tpu.vector_load %arg9[%swap3A_38] {strides = array<i32>} : memref<2048xf32, #tpu.memory_space<vmem>>, vector<16xf32>,
    tpu.vector_store %arg9[%swap3A_38], %broadcast_in_dim3A_14 {strides = array<i32>} : memref<2048xf32, #tpu.memory_space<vmem>>, vector<16xf32>,
    %swap3A_40 = arith.constant 208 : index
    %swap3A_41 = tpu.vector_load %arg9[%swap3A_40] {strides = array<i32>} : memref<2048xf32, #tpu.memory_space<vmem>>, vector<16xf32>,
    tpu.vector_store %arg9[%swap3A_40], %broadcast_in_dim3A_14 {strides = array<i32>} : memref<2048xf32, #tpu.memory_space<vmem>>, vector<16xf32>,
    %swap3A_42 = arith.constant 224 : index
    %swap3A_43 = tpu.vector_load %arg9[%swap3A_42] {strides = array<i32>} : memref<2048xf32, #tpu.memory_space<vmem>>, vector<16xf32>,
    tpu.vector_store %arg9[%swap3A_42], %broadcast_in_dim3A_14 {strides = array<i32>} : memref<2048xf32, #tpu.memory_space<vmem>>, vector<16xf32>,
    %swap3A_44 = arith.constant 240 : index
    %swap3A_45 = tpu.vector_load %arg9[%swap3A_44] {strides = array<i32>} : memref<2048xf32, #tpu.memory_space<vmem>>, vector<16xf32>,
    tpu.vector_store %arg9[%swap3A_44], %broadcast_in_dim3A_14 {strides = array<i32>} : memref<2048xf32, #tpu.memory_space<vmem>>, vector<16xf32>,
    %swap3A_46 = arith.constant 256 : index
    %swap3A_47 = tpu.vector_load %arg9[%swap3A_46] {strides = array<i32>} : memref<2048xf32, #tpu.memory_space<vmem>>, vector<16xf32>,
    tpu.vector_store %arg9[%swap3A_46], %broadcast_in_dim3A_14 {strides = array<i32>} : memref<2048xf32, #tpu.memory_space<vmem>>, vector<16xf32>,
    %swap3A_48 = arith.constant 272 : index
    %swap3A_49 = tpu.vector_load %arg9[%swap3A_48] {strides = array<i32>} : memref<2048xf32, #tpu.memory_space<vmem>>, vector<16xf32>,
    tpu.vector_store %arg9[%swap3A_48], %broadcast_in_dim3A_14 {strides = array<i32>} : memref<2048xf32, #tpu.memory_space<vmem>>, vector<16xf32>,
    %swap3A_50 = arith.constant 288 : index
    %swap3A_51 = tpu.vector_load %arg9[%swap3A_50] {strides = array<i32>} : memref<2048xf32, #tpu.memory_space<vmem>>, vector<16xf32>,
    tpu.vector_store %arg9[%swap3A_50], %broadcast_in_dim3A_14 {strides = array<i32>} : memref<2048xf32, #tpu.memory_space<vmem>>, vector<16xf32>,
    %swap3A_52 = arith.constant 304 : index
    %swap3A_53 = tpu.vector_load %arg9[%swap3A_52] {strides = array<i32>} : memref<2048xf32, #tpu.memory_space<vmem>>, vector<16xf32>,
    tpu.vector_store %arg9[%swap3A_52], %broadcast_in_dim3A_14 {strides = array<i32>} : memref<2048xf32, #tpu.memory_space<vmem>>, vector<16xf32>,
    %swap3A_54 = arith.constant 320 : index
    %swap3A_55 = tpu.vector_load %arg9[%swap3A_54] {strides = array<i32>} : memref<2048xf32, #tpu.memory_space<vmem>>, vector<16xf32>,
    tpu.vector_store %arg9[%swap3A_54], %broadcast_in_dim3A_14 {strides = array<i32>} : memref<2048xf32, #tpu.memory_space<vmem>>, vector<16xf32>,
    %swap3A_56 = arith.constant 336 : index
    %swap3A_57 = tpu.vector_load %arg9[%swap3A_56] {strides = array<i32>} : memref<2048xf32, #tpu.memory_space<vmem>>, vector<16xf32>,
    tpu.vector_store %arg9[%swap3A_56], %broadcast_in_dim3A_14 {strides = array<i32>} : memref<2048xf32, #tpu.memory_space<vmem>>, vector<16xf32>,
    %swap3A_58 = arith.constant 352 : index
    %swap3A_59 = tpu.vector_load %arg9[%swap3A_58] {strides = array<i32>} : memref<2048xf32, #tpu.memory_space<vmem>>, vector<16xf32>,
    tpu.vector_store %arg9[%swap3A_58], %broadcast_in_dim3A_14 {strides = array<i32>} : memref<2048xf32, #tpu.memory_space<vmem>>, vector<16xf32>,
    %swap3A_60 = arith.constant 368 : index
    %swap3A_61 = tpu.vector_load %arg9[%swap3A_60] {strides = array<i32>} : memref<2048xf32, #tpu.memory_space<vmem>>, vector<16xf32>,
    tpu.vector_store %arg9[%swap3A_60], %broadcast_in_dim3A_14 {strides = array<i32>} : memref<2048xf32, #tpu.memory_space<vmem>>, vector<16xf32>,
    %swap3A_62 = arith.constant 384 : index
    %swap3A_63 = tpu.vector_load %arg9[%swap3A_62] {strides = array<i32>} : memref<2048xf32, #tpu.memory_space<vmem>>, vector<16xf32>,
    tpu.vector_store %arg9[%swap3A_62], %broadcast_in_dim3A_14 {strides = array<i32>} : memref<2048xf32, #tpu.memory_space<vmem>>, vector<16xf32>,
    %swap3A_64 = arith.constant 400 : index
    %swap3A_65 = tpu.vector_load %arg9[%swap3A_64] {strides = array<i32>} : memref<2048xf32, #tpu.memory_space<vmem>>, vector<16xf32>,
    tpu.vector_store %arg9[%swap3A_64], %broadcast_in_dim3A_14 {strides = array<i32>} : memref<2048xf32, #tpu.memory_space<vmem>>, vector<16xf32>,
    %swap3A_66 = arith.constant 416 : index
    %swap3A_67 = tpu.vector_load %arg9[%swap3A_66] {strides = array<i32>} : memref<2048xf32, #tpu.memory_space<vmem>>, vector<16xf32>,
    tpu.vector_store %arg9[%swap3A_66], %broadcast_in_dim3A_14 {strides = array<i32>} : memref<2048xf32, #tpu.memory_space<vmem>>, vector<16xf32>,
    %swap3A_68 = arith.constant 432 : index
    %swap3A_69 = tpu.vector_load %arg9[%swap3A_68] {strides = array<i32>} : memref<2048xf32, #tpu.memory_space<vmem>>, vector<16xf32>,
    tpu.vector_store %arg9[%swap3A_68], %broadcast_in_dim3A_14 {strides = array<i32>} : memref<2048xf32, #tpu.memory_space<vmem>>, vector<16xf32>,
    %swap3A_70 = arith.constant 448 : index
    %swap3A_71 = tpu.vector_load %arg9[%swap3A_70] {strides = array<i32>} : memref<2048xf32, #tpu.memory_space<vmem>>, vector<16xf32>,
    tpu.vector_store %arg9[%swap3A_70], %broadcast_in_dim3A_14 {strides = array<i32>} : memref<2048xf32, #tpu.memory_space<vmem>>, vector<16xf32>,
    %swap3A_72 = arith.constant 464 : index
    %swap3A_73 = tpu.vector_load %arg9[%swap3A_72] {strides = array<i32>} : memref<2048xf32, #tpu.memory_space<vmem>>, vector<16xf32>,
    tpu.vector_store %arg9[%swap3A_72], %broadcast_in_dim3A_14 {strides = array<i32>} : memref<2048xf32, #tpu.memory_space<vmem>>, vector<16xf32>,
    %swap3A_74 = arith.constant 480 : index
    %swap3A_75 = tpu.vector_load %arg9[%swap3A_74] {strides = array<i32>} : memref<2048xf32, #tpu.memory_space<vmem>>, vector<16xf32>,
    tpu.vector_store %arg9[%swap3A_74], %broadcast_in_dim3A_14 {strides = array<i32>} : memref<2048xf32, #tpu.memory_space<vmem>>, vector<16xf32>,
    %swap3A_76 = arith.constant 496 : index
    %swap3A_77 = tpu.vector_load %arg9[%swap3A_76] {strides = array<i32>} : memref<2048xf32, #tpu.memory_space<vmem>>, vector<16xf32>,
    tpu.vector_store %arg9[%swap3A_76], %broadcast_in_dim3A_14 {strides = array<i32>} : memref<2048xf32, #tpu.memory_space<vmem>>, vector<16xf32>,
    %swap3A_78 = arith.constant 512 : index
    %swap3A_79 = tpu.vector_load %arg9[%swap3A_78] {strides = array<i32>} : memref<2048xf32, #tpu.memory_space<vmem>>, vector<16xf32>,
    tpu.vector_store %arg9[%swap3A_78], %broadcast_in_dim3A_14 {strides = array<i32>} : memref<2048xf32, #tpu.memory_space<vmem>>, vector<16xf32>,
    %swap3A_80 = arith.constant 528 : index
    %swap3A_81 = tpu.vector_load %arg9[%swap3A_80] {strides = array<i32>} : memref<2048xf32, #tpu.memory_space<vmem>>, vector<16xf32>,
    tpu.vector_store %arg9[%swap3A_80], %broadcast_in_dim3A_14 {strides = array<i32>} : memref<2048xf32, #tpu.memory_space<vmem>>, vector<16xf32>,
    %swap3A_82 = arith.constant 544 : index
    %swap3A_83 = tpu.vector_load %arg9[%swap3A_82] {strides = array<i32>} : memref<2048xf32, #tpu.memory_space<vmem>>, vector<16xf32>,
    tpu.vector_store %arg9[%swap3A_82], %broadcast_in_dim3A_14 {strides = array<i32>} : memref<2048xf32, #tpu.memory_space<vmem>>, vector<16xf32>,
    %swap3A_84 = arith.constant 560 : index
    %swap3A_85 = tpu.vector_load %arg9[%swap3A_84] {strides = array<i32>} : memref<2048xf32, #tpu.memory_space<vmem>>, vector<16xf32>,
    tpu.vector_store %arg9[%swap3A_84], %broadcast_in_dim3A_14 {strides = array<i32>} : memref<2048xf32, #tpu.memory_space<vmem>>, vector<16xf32>,
    %swap3A_86 = arith.constant 576 : index
    %swap3A_87 = tpu.vector_load %arg9[%swap3A_86] {strides = array<i32>} : memref<2048xf32, #tpu.memory_space<vmem>>, vector<16xf32>,
    tpu.vector_store %arg9[%swap3A_86], %broadcast_in_dim3A_14 {strides = array<i32>} : memref<2048xf32, #tpu.memory_space<vmem>>, vector<16xf32>,
    %swap3A_88 = arith.constant 592 : index
    %swap3A_89 = tpu.vector_load %arg9[%swap3A_88] {strides = array<i32>} : memref<2048xf32, #tpu.memory_space<vmem>>, vector<16xf32>,
    tpu.vector_store %arg9[%swap3A_88], %broadcast_in_dim3A_14 {strides = array<i32>} : memref<2048xf32, #tpu.memory_space<vmem>>, vector<16xf32>,
    %swap3A_90 = arith.constant 608 : index
    %swap3A_91 = tpu.vector_load %arg9[%swap3A_90] {strides = array<i32>} : memref<2048xf32, #tpu.memory_space<vmem>>, vector<16xf32>,
    tpu.vector_store %arg9[%swap3A_90], %broadcast_in_dim3A_14 {strides = array<i32>} : memref<2048xf32, #tpu.memory_space<vmem>>, vector<16xf32>,
    %swap3A_92 = arith.constant 624 : index
    %swap3A_93 = tpu.vector_load %arg9[%swap3A_92] {strides = array<i32>} : memref<2048xf32, #tpu.memory_space<vmem>>, vector<16xf32>,
    tpu.vector_store %arg9[%swap3A_92], %broadcast_in_dim3A_14 {strides = array<i32>} : memref<2048xf32, #tpu.memory_space<vmem>>, vector<16xf32>,
    %swap3A_94 = arith.constant 640 : index
    %swap3A_95 = tpu.vector_load %arg9[%swap3A_94] {strides = array<i32>} : memref<2048xf32, #tpu.memory_space<vmem>>, vector<16xf32>,
    tpu.vector_store %arg9[%swap3A_94], %broadcast_in_dim3A_14 {strides = array<i32>} : memref<2048xf32, #tpu.memory_space<vmem>>, vector<16xf32>,
    %swap3A_96 = arith.constant 656 : index
    %swap3A_97 = tpu.vector_load %arg9[%swap3A_96] {strides = array<i32>} : memref<2048xf32, #tpu.memory_space<vmem>>, vector<16xf32>,
    tpu.vector_store %arg9[%swap3A_96], %broadcast_in_dim3A_14 {strides = array<i32>} : memref<2048xf32, #tpu.memory_space<vmem>>, vector<16xf32>,
    %swap3A_98 = arith.constant 672 : index
    %swap3A_99 = tpu.vector_load %arg9[%swap3A_98] {strides = array<i32>} : memref<2048xf32, #tpu.memory_space<vmem>>, vector<16xf32>,
    tpu.vector_store %arg9[%swap3A_98], %broadcast_in_dim3A_14 {strides = array<i32>} : memref<2048xf32, #tpu.memory_space<vmem>>, vector<16xf32>,
    %swap3A_100 = arith.constant 688 : index
    %swap3A_101 = tpu.vector_load %arg9[%swap3A_100] {strides = array<i32>} : memref<2048xf32, #tpu.memory_space<vmem>>, vector<16xf32>,
    tpu.vector_store %arg9[%swap3A_100], %broadcast_in_dim3A_14 {strides = array<i32>} : memref<2048xf32, #tpu.memory_space<vmem>>, vector<16xf32>,
    %swap3A_102 = arith.constant 704 : index
    %swap3A_103 = tpu.vector_load %arg9[%swap3A_102] {strides = array<i32>} : memref<2048xf32, #tpu.memory_space<vmem>>, vector<16xf32>,
    tpu.vector_store %arg9[%swap3A_102], %broadcast_in_dim3A_14 {strides = array<i32>} : memref<2048xf32, #tpu.memory_space<vmem>>, vector<16xf32>,
    %swap3A_104 = arith.constant 720 : index
    %swap3A_105 = tpu.vector_load %arg9[%swap3A_104] {strides = array<i32>} : memref<2048xf32, #tpu.memory_space<vmem>>, vector<16xf32>,
    tpu.vector_store %arg9[%swap3A_104], %broadcast_in_dim3A_14 {strides = array<i32>} : memref<2048xf32, #tpu.memory_space<vmem>>, vector<16xf32>,
    %swap3A_106 = arith.constant 736 : index
    %swap3A_107 = tpu.vector_load %arg9[%swap3A_106] {strides = array<i32>} : memref<2048xf32, #tpu.memory_space<vmem>>, vector<16xf32>,
    tpu.vector_store %arg9[%swap3A_106], %broadcast_in_dim3A_14 {strides = array<i32>} : memref<2048xf32, #tpu.memory_space<vmem>>, vector<16xf32>,
    %swap3A_108 = arith.constant 752 : index
    %swap3A_109 = tpu.vector_load %arg9[%swap3A_108] {strides = array<i32>} : memref<2048xf32, #tpu.memory_space<vmem>>, vector<16xf32>,
    tpu.vector_store %arg9[%swap3A_108], %broadcast_in_dim3A_14 {strides = array<i32>} : memref<2048xf32, #tpu.memory_space<vmem>>, vector<16xf32>,
    %swap3A_110 = arith.constant 768 : index
    %swap3A_111 = tpu.vector_load %arg9[%swap3A_110] {strides = array<i32>} : memref<2048xf32, #tpu.memory_space<vmem>>, vector<16xf32>,
    tpu.vector_store %arg9[%swap3A_110], %broadcast_in_dim3A_14 {strides = array<i32>} : memref<2048xf32, #tpu.memory_space<vmem>>, vector<16xf32>,
    %swap3A_112 = arith.constant 784 : index
    %swap3A_113 = tpu.vector_load %arg9[%swap3A_112] {strides = array<i32>} : memref<2048xf32, #tpu.memory_space<vmem>>, vector<16xf32>,
    tpu.vector_store %arg9[%swap3A_112], %broadcast_in_dim3A_14 {strides = array<i32>} : memref<2048xf32, #tpu.memory_space<vmem>>, vector<16xf32>,
    %swap3A_114 = arith.constant 800 : index
    %swap3A_115 = tpu.vector_load %arg9[%swap3A_114] {strides = array<i32>} : memref<2048xf32, #tpu.memory_space<vmem>>, vector<16xf32>,
    tpu.vector_store %arg9[%swap3A_114], %broadcast_in_dim3A_14 {strides = array<i32>} : memref<2048xf32, #tpu.memory_space<vmem>>, vector<16xf32>,
    %swap3A_116 = arith.constant 816 : index
    %swap3A_117 = tpu.vector_load %arg9[%swap3A_116] {strides = array<i32>} : memref<2048xf32, #tpu.memory_space<vmem>>, vector<16xf32>,
    tpu.vector_store %arg9[%swap3A_116], %broadcast_in_dim3A_14 {strides = array<i32>} : memref<2048xf32, #tpu.memory_space<vmem>>, vector<16xf32>,
    %swap3A_118 = arith.constant 832 : index
    %swap3A_119 = tpu.vector_load %arg9[%swap3A_118] {strides = array<i32>} : memref<2048xf32, #tpu.memory_space<vmem>>, vector<16xf32>,
    tpu.vector_store %arg9[%swap3A_118], %broadcast_in_dim3A_14 {strides = array<i32>} : memref<2048xf32, #tpu.memory_space<vmem>>, vector<16xf32>,
    %swap3A_120 = arith.constant 848 : index
    %swap3A_121 = tpu.vector_load %arg9[%swap3A_120] {strides = array<i32>} : memref<2048xf32, #tpu.memory_space<vmem>>, vector<16xf32>,
    tpu.vector_store %arg9[%swap3A_120], %broadcast_in_dim3A_14 {strides = array<i32>} : memref<2048xf32, #tpu.memory_space<vmem>>, vector<16xf32>,
    %swap3A_122 = arith.constant 864 : index
    %swap3A_123 = tpu.vector_load %arg9[%swap3A_122] {strides = array<i32>} : memref<2048xf32, #tpu.memory_space<vmem>>, vector<16xf32>,
    tpu.vector_store %arg9[%swap3A_122], %broadcast_in_dim3A_14 {strides = array<i32>} : memref<2048xf32, #tpu.memory_space<vmem>>, vector<16xf32>,
    %swap3A_124 = arith.constant 880 : index
    %swap3A_125 = tpu.vector_load %arg9[%swap3A_124] {strides = array<i32>} : memref<2048xf32, #tpu.memory_space<vmem>>, vector<16xf32>,
    tpu.vector_store %arg9[%swap3A_124], %broadcast_in_dim3A_14 {strides = array<i32>} : memref<2048xf32, #tpu.memory_space<vmem>>, vector<16xf32>,
    %swap3A_126 = arith.constant 896 : index
    %swap3A_127 = tpu.vector_load %arg9[%swap3A_126] {strides = array<i32>} : memref<2048xf32, #tpu.memory_space<vmem>>, vector<16xf32>,
    tpu.vector_store %arg9[%swap3A_126], %broadcast_in_dim3A_14 {strides = array<i32>} : memref<2048xf32, #tpu.memory_space<vmem>>, vector<16xf32>,
    %swap3A_128 = arith.constant 912 : index
    %swap3A_129 = tpu.vector_load %arg9[%swap3A_128] {strides = array<i32>} : memref<2048xf32, #tpu.memory_space<vmem>>, vector<16xf32>,
    tpu.vector_store %arg9[%swap3A_128], %broadcast_in_dim3A_14 {strides = array<i32>} : memref<2048xf32, #tpu.memory_space<vmem>>, vector<16xf32>,
    %swap3A_130 = arith.constant 928 : index
    %swap3A_131 = tpu.vector_load %arg9[%swap3A_130] {strides = array<i32>} : memref<2048xf32, #tpu.memory_space<vmem>>, vector<16xf32>,
    tpu.vector_store %arg9[%swap3A_130], %broadcast_in_dim3A_14 {strides = array<i32>} : memref<2048xf32, #tpu.memory_space<vmem>>, vector<16xf32>,
    %swap3A_132 = arith.constant 944 : index
    %swap3A_133 = tpu.vector_load %arg9[%swap3A_132] {strides = array<i32>} : memref<2048xf32, #tpu.memory_space<vmem>>, vector<16xf32>,
    tpu.vector_store %arg9[%swap3A_132], %broadcast_in_dim3A_14 {strides = array<i32>} : memref<2048xf32, #tpu.memory_space<vmem>>, vector<16xf32>,
    %swap3A_134 = arith.constant 960 : index
    %swap3A_135 = tpu.vector_load %arg9[%swap3A_134] {strides = array<i32>} : memref<2048xf32, #tpu.memory_space<vmem>>, vector<16xf32>,
    tpu.vector_store %arg9[%swap3A_134], %broadcast_in_dim3A_14 {strides = array<i32>} : memref<2048xf32, #tpu.memory_space<vmem>>, vector<16xf32>,
    %swap3A_136 = arith.constant 976 : index
    %swap3A_137 = tpu.vector_load %arg9[%swap3A_136] {strides = array<i32>} : memref<2048xf32, #tpu.memory_space<vmem>>, vector<16xf32>,
    tpu.vector_store %arg9[%swap3A_136], %broadcast_in_dim3A_14 {strides = array<i32>} : memref<2048xf32, #tpu.memory_space<vmem>>, vector<16xf32>,
    %swap3A_138 = arith.constant 992 : index
    %swap3A_139 = tpu.vector_load %arg9[%swap3A_138] {strides = array<i32>} : memref<2048xf32, #tpu.memory_space<vmem>>, vector<16xf32>,
    tpu.vector_store %arg9[%swap3A_138], %broadcast_in_dim3A_14 {strides = array<i32>} : memref<2048xf32, #tpu.memory_space<vmem>>, vector<16xf32>,
    %swap3A_140 = arith.constant 1008 : index
    %swap3A_141 = tpu.vector_load %arg9[%swap3A_140] {strides = array<i32>} : memref<2048xf32, #tpu.memory_space<vmem>>, vector<16xf32>,
    tpu.vector_store %arg9[%swap3A_140], %broadcast_in_dim3A_14 {strides = array<i32>} : memref<2048xf32, #tpu.memory_space<vmem>>, vector<16xf32>,
    %swap3A_142 = arith.constant 1024 : index
    %swap3A_143 = tpu.vector_load %arg9[%swap3A_142] {strides = array<i32>} : memref<2048xf32, #tpu.memory_space<vmem>>, vector<16xf32>,
    tpu.vector_store %arg9[%swap3A_142], %broadcast_in_dim3A_14 {strides = array<i32>} : memref<2048xf32, #tpu.memory_space<vmem>>, vector<16xf32>,
    %swap3A_144 = arith.constant 1040 : index
    %swap3A_145 = tpu.vector_load %arg9[%swap3A_144] {strides = array<i32>} : memref<2048xf32, #tpu.memory_space<vmem>>, vector<16xf32>,
    tpu.vector_store %arg9[%swap3A_144], %broadcast_in_dim3A_14 {strides = array<i32>} : memref<2048xf32, #tpu.memory_space<vmem>>, vector<16xf32>,
    %swap3A_146 = arith.constant 1056 : index
    %swap3A_147 = tpu.vector_load %arg9[%swap3A_146] {strides = array<i32>} : memref<2048xf32, #tpu.memory_space<vmem>>, vector<16xf32>,
    tpu.vector_store %arg9[%swap3A_146], %broadcast_in_dim3A_14 {strides = array<i32>} : memref<2048xf32, #tpu.memory_space<vmem>>, vector<16xf32>,
    %swap3A_148 = arith.constant 1072 : index
    %swap3A_149 = tpu.vector_load %arg9[%swap3A_148] {strides = array<i32>} : memref<2048xf32, #tpu.memory_space<vmem>>, vector<16xf32>,
    tpu.vector_store %arg9[%swap3A_148], %broadcast_in_dim3A_14 {strides = array<i32>} : memref<2048xf32, #tpu.memory_space<vmem>>, vector<16xf32>,
    %swap3A_150 = arith.constant 1088 : index
    %swap3A_151 = tpu.vector_load %arg9[%swap3A_150] {strides = array<i32>} : memref<2048xf32, #tpu.memory_space<vmem>>, vector<16xf32>,
    tpu.vector_store %arg9[%swap3A_150], %broadcast_in_dim3A_14 {strides = array<i32>} : memref<2048xf32, #tpu.memory_space<vmem>>, vector<16xf32>,
    %swap3A_152 = arith.constant 1104 : index
    %swap3A_153 = tpu.vector_load %arg9[%swap3A_152] {strides = array<i32>} : memref<2048xf32, #tpu.memory_space<vmem>>, vector<16xf32>,
    tpu.vector_store %arg9[%swap3A_152], %broadcast_in_dim3A_14 {strides = array<i32>} : memref<2048xf32, #tpu.memory_space<vmem>>, vector<16xf32>,
    %swap3A_154 = arith.constant 1120 : index
    %swap3A_155 = tpu.vector_load %arg9[%swap3A_154] {strides = array<i32>} : memref<2048xf32, #tpu.memory_space<vmem>>, vector<16xf32>,
    tpu.vector_store %arg9[%swap3A_154], %broadcast_in_dim3A_14 {strides = array<i32>} : memref<2048xf32, #tpu.memory_space<vmem>>, vector<16xf32>,
    %swap3A_156 = arith.constant 1136 : index
    %swap3A_157 = tpu.vector_load %arg9[%swap3A_156] {strides = array<i32>} : memref<2048xf32, #tpu.memory_space<vmem>>, vector<16xf32>,
    tpu.vector_store %arg9[%swap3A_156], %broadcast_in_dim3A_14 {strides = array<i32>} : memref<2048xf32, #tpu.memory_space<vmem>>, vector<16xf32>,
    %swap3A_158 = arith.constant 1152 : index
    %swap3A_159 = tpu.vector_load %arg9[%swap3A_158] {strides = array<i32>} : memref<2048xf32, #tpu.memory_space<vmem>>, vector<16xf32>,
    tpu.vector_store %arg9[%swap3A_158], %broadcast_in_dim3A_14 {strides = array<i32>} : memref<2048xf32, #tpu.memory_space<vmem>>, vector<16xf32>,
    %swap3A_160 = arith.constant 1168 : index
    %swap3A_161 = tpu.vector_load %arg9[%swap3A_160] {strides = array<i32>} : memref<2048xf32, #tpu.memory_space<vmem>>, vector<16xf32>,
    tpu.vector_store %arg9[%swap3A_160], %broadcast_in_dim3A_14 {strides = array<i32>} : memref<2048xf32, #tpu.memory_space<vmem>>, vector<16xf32>,
    %swap3A_162 = arith.constant 1184 : index
    %swap3A_163 = tpu.vector_load %arg9[%swap3A_162] {strides = array<i32>} : memref<2048xf32, #tpu.memory_space<vmem>>, vector<16xf32>,
    tpu.vector_store %arg9[%swap3A_162], %broadcast_in_dim3A_14 {strides = array<i32>} : memref<2048xf32, #tpu.memory_space<vmem>>, vector<16xf32>,
    %swap3A_164 = arith.constant 1200 : index
    %swap3A_165 = tpu.vector_load %arg9[%swap3A_164] {strides = array<i32>} : memref<2048xf32, #tpu.memory_space<vmem>>, vector<16xf32>,
    tpu.vector_store %arg9[%swap3A_164], %broadcast_in_dim3A_14 {strides = array<i32>} : memref<2048xf32, #tpu.memory_space<vmem>>, vector<16xf32>,
    %swap3A_166 = arith.constant 1216 : index
    %swap3A_167 = tpu.vector_load %arg9[%swap3A_166] {strides = array<i32>} : memref<2048xf32, #tpu.memory_space<vmem>>, vector<16xf32>,
    tpu.vector_store %arg9[%swap3A_166], %broadcast_in_dim3A_14 {strides = array<i32>} : memref<2048xf32, #tpu.memory_space<vmem>>, vector<16xf32>,
    %swap3A_168 = arith.constant 1232 : index
    %swap3A_169 = tpu.vector_load %arg9[%swap3A_168] {strides = array<i32>} : memref<2048xf32, #tpu.memory_space<vmem>>, vector<16xf32>,
    tpu.vector_store %arg9[%swap3A_168], %broadcast_in_dim3A_14 {strides = array<i32>} : memref<2048xf32, #tpu.memory_space<vmem>>, vector<16xf32>,
    %swap3A_170 = arith.constant 1248 : index
    %swap3A_171 = tpu.vector_load %arg9[%swap3A_170] {strides = array<i32>} : memref<2048xf32, #tpu.memory_space<vmem>>, vector<16xf32>,
    tpu.vector_store %arg9[%swap3A_170], %broadcast_in_dim3A_14 {strides = array<i32>} : memref<2048xf32, #tpu.memory_space<vmem>>, vector<16xf32>,
    %swap3A_172 = arith.constant 1264 : index
    %swap3A_173 = tpu.vector_load %arg9[%swap3A_172] {strides = array<i32>} : memref<2048xf32, #tpu.memory_space<vmem>>, vector<16xf32>,
    tpu.vector_store %arg9[%swap3A_172], %broadcast_in_dim3A_14 {strides = array<i32>} : memref<2048xf32, #tpu.memory_space<vmem>>, vector<16xf32>,
    %swap3A_174 = arith.constant 1280 : index
    %swap3A_175 = tpu.vector_load %arg9[%swap3A_174] {strides = array<i32>} : memref<2048xf32, #tpu.memory_space<vmem>>, vector<16xf32>,
    tpu.vector_store %arg9[%swap3A_174], %broadcast_in_dim3A_14 {strides = array<i32>} : memref<2048xf32, #tpu.memory_space<vmem>>, vector<16xf32>,
    %swap3A_176 = arith.constant 1296 : index
    %swap3A_177 = tpu.vector_load %arg9[%swap3A_176] {strides = array<i32>} : memref<2048xf32, #tpu.memory_space<vmem>>, vector<16xf32>,
    tpu.vector_store %arg9[%swap3A_176], %broadcast_in_dim3A_14 {strides = array<i32>} : memref<2048xf32, #tpu.memory_space<vmem>>, vector<16xf32>,
    %swap3A_178 = arith.constant 1312 : index
    %swap3A_179 = tpu.vector_load %arg9[%swap3A_178] {strides = array<i32>} : memref<2048xf32, #tpu.memory_space<vmem>>, vector<16xf32>,
    tpu.vector_store %arg9[%swap3A_178], %broadcast_in_dim3A_14 {strides = array<i32>} : memref<2048xf32, #tpu.memory_space<vmem>>, vector<16xf32>,
    %swap3A_180 = arith.constant 1328 : index
    %swap3A_181 = tpu.vector_load %arg9[%swap3A_180] {strides = array<i32>} : memref<2048xf32, #tpu.memory_space<vmem>>, vector<16xf32>,
    tpu.vector_store %arg9[%swap3A_180], %broadcast_in_dim3A_14 {strides = array<i32>} : memref<2048xf32, #tpu.memory_space<vmem>>, vector<16xf32>,
    %swap3A_182 = arith.constant 1344 : index
    %swap3A_183 = tpu.vector_load %arg9[%swap3A_182] {strides = array<i32>} : memref<2048xf32, #tpu.memory_space<vmem>>, vector<16xf32>,
    tpu.vector_store %arg9[%swap3A_182], %broadcast_in_dim3A_14 {strides = array<i32>} : memref<2048xf32, #tpu.memory_space<vmem>>, vector<16xf32>,
    %swap3A_184 = arith.constant 1360 : index
    %swap3A_185 = tpu.vector_load %arg9[%swap3A_184] {strides = array<i32>} : memref<2048xf32, #tpu.memory_space<vmem>>, vector<16xf32>,
    tpu.vector_store %arg9[%swap3A_184], %broadcast_in_dim3A_14 {strides = array<i32>} : memref<2048xf32, #tpu.memory_space<vmem>>, vector<16xf32>,
    %swap3A_186 = arith.constant 1376 : index
    %swap3A_187 = tpu.vector_load %arg9[%swap3A_186] {strides = array<i32>} : memref<2048xf32, #tpu.memory_space<vmem>>, vector<16xf32>,
    tpu.vector_store %arg9[%swap3A_186], %broadcast_in_dim3A_14 {strides = array<i32>} : memref<2048xf32, #tpu.memory_space<vmem>>, vector<16xf32>,
    %swap3A_188 = arith.constant 1392 : index
    %swap3A_189 = tpu.vector_load %arg9[%swap3A_188] {strides = array<i32>} : memref<2048xf32, #tpu.memory_space<vmem>>, vector<16xf32>,
    tpu.vector_store %arg9[%swap3A_188], %broadcast_in_dim3A_14 {strides = array<i32>} : memref<2048xf32, #tpu.memory_space<vmem>>, vector<16xf32>,
    %swap3A_190 = arith.constant 1408 : index
    %swap3A_191 = tpu.vector_load %arg9[%swap3A_190] {strides = array<i32>} : memref<2048xf32, #tpu.memory_space<vmem>>, vector<16xf32>,
    tpu.vector_store %arg9[%swap3A_190], %broadcast_in_dim3A_14 {strides = array<i32>} : memref<2048xf32, #tpu.memory_space<vmem>>, vector<16xf32>,
    %swap3A_192 = arith.constant 1424 : index
    %swap3A_193 = tpu.vector_load %arg9[%swap3A_192] {strides = array<i32>} : memref<2048xf32, #tpu.memory_space<vmem>>, vector<16xf32>,
    tpu.vector_store %arg9[%swap3A_192], %broadcast_in_dim3A_14 {strides = array<i32>} : memref<2048xf32, #tpu.memory_space<vmem>>, vector<16xf32>,
    %swap3A_194 = arith.constant 1440 : index
    %swap3A_195 = tpu.vector_load %arg9[%swap3A_194] {strides = array<i32>} : memref<2048xf32, #tpu.memory_space<vmem>>, vector<16xf32>,
    tpu.vector_store %arg9[%swap3A_194], %broadcast_in_dim3A_14 {strides = array<i32>} : memref<2048xf32, #tpu.memory_space<vmem>>, vector<16xf32>,
    %swap3A_196 = arith.constant 1456 : index
    %swap3A_197 = tpu.vector_load %arg9[%swap3A_196] {strides = array<i32>} : memref<2048xf32, #tpu.memory_space<vmem>>, vector<16xf32>,
    tpu.vector_store %arg9[%swap3A_196], %broadcast_in_dim3A_14 {strides = array<i32>} : memref<2048xf32, #tpu.memory_space<vmem>>, vector<16xf32>,
    %swap3A_198 = arith.constant 1472 : index
    %swap3A_199 = tpu.vector_load %arg9[%swap3A_198] {strides = array<i32>} : memref<2048xf32, #tpu.memory_space<vmem>>, vector<16xf32>,
    tpu.vector_store %arg9[%swap3A_198], %broadcast_in_dim3A_14 {strides = array<i32>} : memref<2048xf32, #tpu.memory_space<vmem>>, vector<16xf32>,
    %swap3A_200 = arith.constant 1488 : index
    %swap3A_201 = tpu.vector_load %arg9[%swap3A_200] {strides = array<i32>} : memref<2048xf32, #tpu.memory_space<vmem>>, vector<16xf32>,
    tpu.vector_store %arg9[%swap3A_200], %broadcast_in_dim3A_14 {strides = array<i32>} : memref<2048xf32, #tpu.memory_space<vmem>>, vector<16xf32>,
    %swap3A_202 = arith.constant 1504 : index
    %swap3A_203 = tpu.vector_load %arg9[%swap3A_202] {strides = array<i32>} : memref<2048xf32, #tpu.memory_space<vmem>>, vector<16xf32>,
    tpu.vector_store %arg9[%swap3A_202], %broadcast_in_dim3A_14 {strides = array<i32>} : memref<2048xf32, #tpu.memory_space<vmem>>, vector<16xf32>,
    %swap3A_204 = arith.constant 1520 : index
    %swap3A_205 = tpu.vector_load %arg9[%swap3A_204] {strides = array<i32>} : memref<2048xf32, #tpu.memory_space<vmem>>, vector<16xf32>,
    tpu.vector_store %arg9[%swap3A_204], %broadcast_in_dim3A_14 {strides = array<i32>} : memref<2048xf32, #tpu.memory_space<vmem>>, vector<16xf32>,
    %swap3A_206 = arith.constant 1536 : index
    %swap3A_207 = tpu.vector_load %arg9[%swap3A_206] {strides = array<i32>} : memref<2048xf32, #tpu.memory_space<vmem>>, vector<16xf32>,
    tpu.vector_store %arg9[%swap3A_206], %broadcast_in_dim3A_14 {strides = array<i32>} : memref<2048xf32, #tpu.memory_space<vmem>>, vector<16xf32>,
    %swap3A_208 = arith.constant 1552 : index
    %swap3A_209 = tpu.vector_load %arg9[%swap3A_208] {strides = array<i32>} : memref<2048xf32, #tpu.memory_space<vmem>>, vector<16xf32>,
    tpu.vector_store %arg9[%swap3A_208], %broadcast_in_dim3A_14 {strides = array<i32>} : memref<2048xf32, #tpu.memory_space<vmem>>, vector<16xf32>,
    %swap3A_210 = arith.constant 1568 : index
    %swap3A_211 = tpu.vector_load %arg9[%swap3A_210] {strides = array<i32>} : memref<2048xf32, #tpu.memory_space<vmem>>, vector<16xf32>,
    tpu.vector_store %arg9[%swap3A_210], %broadcast_in_dim3A_14 {strides = array<i32>} : memref<2048xf32, #tpu.memory_space<vmem>>, vector<16xf32>,
    %swap3A_212 = arith.constant 1584 : index
    %swap3A_213 = tpu.vector_load %arg9[%swap3A_212] {strides = array<i32>} : memref<2048xf32, #tpu.memory_space<vmem>>, vector<16xf32>,
    tpu.vector_store %arg9[%swap3A_212], %broadcast_in_dim3A_14 {strides = array<i32>} : memref<2048xf32, #tpu.memory_space<vmem>>, vector<16xf32>,
    %swap3A_214 = arith.constant 1600 : index
    %swap3A_215 = tpu.vector_load %arg9[%swap3A_214] {strides = array<i32>} : memref<2048xf32, #tpu.memory_space<vmem>>, vector<16xf32>,
    tpu.vector_store %arg9[%swap3A_214], %broadcast_in_dim3A_14 {strides = array<i32>} : memref<2048xf32, #tpu.memory_space<vmem>>, vector<16xf32>,
    %swap3A_216 = arith.constant 1616 : index
    %swap3A_217 = tpu.vector_load %arg9[%swap3A_216] {strides = array<i32>} : memref<2048xf32, #tpu.memory_space<vmem>>, vector<16xf32>,
    tpu.vector_store %arg9[%swap3A_216], %broadcast_in_dim3A_14 {strides = array<i32>} : memref<2048xf32, #tpu.memory_space<vmem>>, vector<16xf32>,
    %swap3A_218 = arith.constant 1632 : index
    %swap3A_219 = tpu.vector_load %arg9[%swap3A_218] {strides = array<i32>} : memref<2048xf32, #tpu.memory_space<vmem>>, vector<16xf32>,
    tpu.vector_store %arg9[%swap3A_218], %broadcast_in_dim3A_14 {strides = array<i32>} : memref<2048xf32, #tpu.memory_space<vmem>>, vector<16xf32>,
    %swap3A_220 = arith.constant 1648 : index
    %swap3A_221 = tpu.vector_load %arg9[%swap3A_220] {strides = array<i32>} : memref<2048xf32, #tpu.memory_space<vmem>>, vector<16xf32>,
    tpu.vector_store %arg9[%swap3A_220], %broadcast_in_dim3A_14 {strides = array<i32>} : memref<2048xf32, #tpu.memory_space<vmem>>, vector<16xf32>,
    %swap3A_222 = arith.constant 1664 : index
    %swap3A_223 = tpu.vector_load %arg9[%swap3A_222] {strides = array<i32>} : memref<2048xf32, #tpu.memory_space<vmem>>, vector<16xf32>,
    tpu.vector_store %arg9[%swap3A_222], %broadcast_in_dim3A_14 {strides = array<i32>} : memref<2048xf32, #tpu.memory_space<vmem>>, vector<16xf32>,
    %swap3A_224 = arith.constant 1680 : index
    %swap3A_225 = tpu.vector_load %arg9[%swap3A_224] {strides = array<i32>} : memref<2048xf32, #tpu.memory_space<vmem>>, vector<16xf32>,
    tpu.vector_store %arg9[%swap3A_224], %broadcast_in_dim3A_14 {strides = array<i32>} : memref<2048xf32, #tpu.memory_space<vmem>>, vector<16xf32>,
    %swap3A_226 = arith.constant 1696 : index
    %swap3A_227 = tpu.vector_load %arg9[%swap3A_226] {strides = array<i32>} : memref<2048xf32, #tpu.memory_space<vmem>>, vector<16xf32>,
    tpu.vector_store %arg9[%swap3A_226], %broadcast_in_dim3A_14 {strides = array<i32>} : memref<2048xf32, #tpu.memory_space<vmem>>, vector<16xf32>,
    %swap3A_228 = arith.constant 1712 : index
    %swap3A_229 = tpu.vector_load %arg9[%swap3A_228] {strides = array<i32>} : memref<2048xf32, #tpu.memory_space<vmem>>, vector<16xf32>,
    tpu.vector_store %arg9[%swap3A_228], %broadcast_in_dim3A_14 {strides = array<i32>} : memref<2048xf32, #tpu.memory_space<vmem>>, vector<16xf32>,
    %swap3A_230 = arith.constant 1728 : index
    %swap3A_231 = tpu.vector_load %arg9[%swap3A_230] {strides = array<i32>} : memref<2048xf32, #tpu.memory_space<vmem>>, vector<16xf32>,
    tpu.vector_store %arg9[%swap3A_230], %broadcast_in_dim3A_14 {strides = array<i32>} : memref<2048xf32, #tpu.memory_space<vmem>>, vector<16xf32>,
    %swap3A_232 = arith.constant 1744 : index
    %swap3A_233 = tpu.vector_load %arg9[%swap3A_232] {strides = array<i32>} : memref<2048xf32, #tpu.memory_space<vmem>>, vector<16xf32>,
    tpu.vector_store %arg9[%swap3A_232], %broadcast_in_dim3A_14 {strides = array<i32>} : memref<2048xf32, #tpu.memory_space<vmem>>, vector<16xf32>,
    %swap3A_234 = arith.constant 1760 : index
    %swap3A_235 = tpu.vector_load %arg9[%swap3A_234] {strides = array<i32>} : memref<2048xf32, #tpu.memory_space<vmem>>, vector<16xf32>,
    tpu.vector_store %arg9[%swap3A_234], %broadcast_in_dim3A_14 {strides = array<i32>} : memref<2048xf32, #tpu.memory_space<vmem>>, vector<16xf32>,
    %swap3A_236 = arith.constant 1776 : index
    %swap3A_237 = tpu.vector_load %arg9[%swap3A_236] {strides = array<i32>} : memref<2048xf32, #tpu.memory_space<vmem>>, vector<16xf32>,
    tpu.vector_store %arg9[%swap3A_236], %broadcast_in_dim3A_14 {strides = array<i32>} : memref<2048xf32, #tpu.memory_space<vmem>>, vector<16xf32>,
    %swap3A_238 = arith.constant 1792 : index
    %swap3A_239 = tpu.vector_load %arg9[%swap3A_238] {strides = array<i32>} : memref<2048xf32, #tpu.memory_space<vmem>>, vector<16xf32>,
    tpu.vector_store %arg9[%swap3A_238], %broadcast_in_dim3A_14 {strides = array<i32>} : memref<2048xf32, #tpu.memory_space<vmem>>, vector<16xf32>,
    %swap3A_240 = arith.constant 1808 : index
    %swap3A_241 = tpu.vector_load %arg9[%swap3A_240] {strides = array<i32>} : memref<2048xf32, #tpu.memory_space<vmem>>, vector<16xf32>,
    tpu.vector_store %arg9[%swap3A_240], %broadcast_in_dim3A_14 {strides = array<i32>} : memref<2048xf32, #tpu.memory_space<vmem>>, vector<16xf32>,
    %swap3A_242 = arith.constant 1824 : index
    %swap3A_243 = tpu.vector_load %arg9[%swap3A_242] {strides = array<i32>} : memref<2048xf32, #tpu.memory_space<vmem>>, vector<16xf32>,
    tpu.vector_store %arg9[%swap3A_242], %broadcast_in_dim3A_14 {strides = array<i32>} : memref<2048xf32, #tpu.memory_space<vmem>>, vector<16xf32>,
    %swap3A_244 = arith.constant 1840 : index
    %swap3A_245 = tpu.vector_load %arg9[%swap3A_244] {strides = array<i32>} : memref<2048xf32, #tpu.memory_space<vmem>>, vector<16xf32>,
    tpu.vector_store %arg9[%swap3A_244], %broadcast_in_dim3A_14 {strides = array<i32>} : memref<2048xf32, #tpu.memory_space<vmem>>, vector<16xf32>,
    %swap3A_246 = arith.constant 1856 : index
    %swap3A_247 = tpu.vector_load %arg9[%swap3A_246] {strides = array<i32>} : memref<2048xf32, #tpu.memory_space<vmem>>, vector<16xf32>,
    tpu.vector_store %arg9[%swap3A_246], %broadcast_in_dim3A_14 {strides = array<i32>} : memref<2048xf32, #tpu.memory_space<vmem>>, vector<16xf32>,
    %swap3A_248 = arith.constant 1872 : index
    %swap3A_249 = tpu.vector_load %arg9[%swap3A_248] {strides = array<i32>} : memref<2048xf32, #tpu.memory_space<vmem>>, vector<16xf32>,
    tpu.vector_store %arg9[%swap3A_248], %broadcast_in_dim3A_14 {strides = array<i32>} : memref<2048xf32, #tpu.memory_space<vmem>>, vector<16xf32>,
    %swap3A_250 = arith.constant 1888 : index
    %swap3A_251 = tpu.vector_load %arg9[%swap3A_250] {strides = array<i32>} : memref<2048xf32, #tpu.memory_space<vmem>>, vector<16xf32>,
    tpu.vector_store %arg9[%swap3A_250], %broadcast_in_dim3A_14 {strides = array<i32>} : memref<2048xf32, #tpu.memory_space<vmem>>, vector<16xf32>,
    %swap3A_252 = arith.constant 1904 : index
    %swap3A_253 = tpu.vector_load %arg9[%swap3A_252] {strides = array<i32>} : memref<2048xf32, #tpu.memory_space<vmem>>, vector<16xf32>,
    tpu.vector_store %arg9[%swap3A_252], %broadcast_in_dim3A_14 {strides = array<i32>} : memref<2048xf32, #tpu.memory_space<vmem>>, vector<16xf32>,
    %swap3A_254 = arith.constant 1920 : index
    %swap3A_255 = tpu.vector_load %arg9[%swap3A_254] {strides = array<i32>} : memref<2048xf32, #tpu.memory_space<vmem>>, vector<16xf32>,
    tpu.vector_store %arg9[%swap3A_254], %broadcast_in_dim3A_14 {strides = array<i32>} : memref<2048xf32, #tpu.memory_space<vmem>>, vector<16xf32>,
    %swap3A_256 = arith.constant 1936 : index
    %swap3A_257 = tpu.vector_load %arg9[%swap3A_256] {strides = array<i32>} : memref<2048xf32, #tpu.memory_space<vmem>>, vector<16xf32>,
    tpu.vector_store %arg9[%swap3A_256], %broadcast_in_dim3A_14 {strides = array<i32>} : memref<2048xf32, #tpu.memory_space<vmem>>, vector<16xf32>,
    %swap3A_258 = arith.constant 1952 : index
    %swap3A_259 = tpu.vector_load %arg9[%swap3A_258] {strides = array<i32>} : memref<2048xf32, #tpu.memory_space<vmem>>, vector<16xf32>,
    tpu.vector_store %arg9[%swap3A_258], %broadcast_in_dim3A_14 {strides = array<i32>} : memref<2048xf32, #tpu.memory_space<vmem>>, vector<16xf32>,
    %swap3A_260 = arith.constant 1968 : index
    %swap3A_261 = tpu.vector_load %arg9[%swap3A_260] {strides = array<i32>} : memref<2048xf32, #tpu.memory_space<vmem>>, vector<16xf32>,
    tpu.vector_store %arg9[%swap3A_260], %broadcast_in_dim3A_14 {strides = array<i32>} : memref<2048xf32, #tpu.memory_space<vmem>>, vector<16xf32>,
    %swap3A_262 = arith.constant 1984 : index
    %swap3A_263 = tpu.vector_load %arg9[%swap3A_262] {strides = array<i32>} : memref<2048xf32, #tpu.memory_space<vmem>>, vector<16xf32>,
    tpu.vector_store %arg9[%swap3A_262], %broadcast_in_dim3A_14 {strides = array<i32>} : memref<2048xf32, #tpu.memory_space<vmem>>, vector<16xf32>,
    %swap3A_264 = arith.constant 2000 : index
    %swap3A_265 = tpu.vector_load %arg9[%swap3A_264] {strides = array<i32>} : memref<2048xf32, #tpu.memory_space<vmem>>, vector<16xf32>,
    tpu.vector_store %arg9[%swap3A_264], %broadcast_in_dim3A_14 {strides = array<i32>} : memref<2048xf32, #tpu.memory_space<vmem>>, vector<16xf32>,
    %swap3A_266 = arith.constant 2016 : index
    %swap3A_267 = tpu.vector_load %arg9[%swap3A_266] {strides = array<i32>} : memref<2048xf32, #tpu.memory_space<vmem>>, vector<16xf32>,
    tpu.vector_store %arg9[%swap3A_266], %broadcast_in_dim3A_14 {strides = array<i32>} : memref<2048xf32, #tpu.memory_space<vmem>>, vector<16xf32>,
    %swap3A_268 = arith.constant 2032 : index
    %swap3A_269 = tpu.vector_load %arg9[%swap3A_268] {strides = array<i32>} : memref<2048xf32, #tpu.memory_space<vmem>>, vector<16xf32>,
    tpu.vector_store %arg9[%swap3A_268], %broadcast_in_dim3A_14 {strides = array<i32>} : memref<2048xf32, #tpu.memory_space<vmem>>, vector<16xf32>,
    %broadcast_in_dim3A_270 = arith.constant 1.000000e+00 : f32
    %broadcast_in_dim3A_271 = vector.broadcast %broadcast_in_dim3A_270 : f32 to vector<16xf32>
    %iota3A = tpu.iota {dimensions = array<i32: 0>} : vector<16xi32>
    %add3A_272 = arith.constant 0 : i32
    %add3A_273 = vector.broadcast %add3A_272 : i32 to vector<16xi32>
    %add3A_274 = arith.addi %iota3A, %add3A_273 : vector<16xi32>
    %add3A_275 = arith.constant 256 : i32
    %add3A_276 = vector.broadcast %add3A_275 : i32 to vector<16xi32>
    %add3A_277 = arith.addi %iota3A, %add3A_276 : vector<16xi32>
    %add3A_278 = arith.constant 512 : i32
    %add3A_279 = vector.broadcast %add3A_278 : i32 to vector<16xi32>
    %add3A_280 = arith.addi %iota3A, %add3A_279 : vector<16xi32>
    %add3A_281 = arith.constant 768 : i32
    %add3A_282 = vector.broadcast %add3A_281 : i32 to vector<16xi32>
    %add3A_283 = arith.addi %iota3A, %add3A_282 : vector<16xi32>
    %add3A_284 = arith.constant 1024 : i32
    %add3A_285 = vector.broadcast %add3A_284 : i32 to vector<16xi32>
    %add3A_286 = arith.addi %iota3A, %add3A_285 : vector<16xi32>
    %add3A_287 = arith.constant 1280 : i32
    %add3A_288 = vector.broadcast %add3A_287 : i32 to vector<16xi32>
    %add3A_289 = arith.addi %iota3A, %add3A_288 : vector<16xi32>
    %add3A_290 = arith.constant 1536 : i32
    %add3A_291 = vector.broadcast %add3A_290 : i32 to vector<16xi32>
    %add3A_292 = arith.addi %iota3A, %add3A_291 : vector<16xi32>
    %add3A_293 = arith.constant 1792 : i32
    %add3A_294 = vector.broadcast %add3A_293 : i32 to vector<16xi32>
    %add3A_295 = arith.addi %iota3A, %add3A_294 : vector<16xi32>
    %add3A_296 = arith.constant 0 : i32
    %add3A_297 = vector.broadcast %add3A_296 : i32 to vector<16xi32>
    %add3A_298 = arith.addi %iota3A, %add3A_297 : vector<16xi32>
    %add3A_299 = arith.constant 256 : i32
    %add3A_300 = vector.broadcast %add3A_299 : i32 to vector<16xi32>
    %add3A_301 = arith.addi %iota3A, %add3A_300 : vector<16xi32>
    %add3A_302 = arith.constant 512 : i32
    %add3A_303 = vector.broadcast %add3A_302 : i32 to vector<16xi32>
    %add3A_304 = arith.addi %iota3A, %add3A_303 : vector<16xi32>
    %add3A_305 = arith.constant 768 : i32
    %add3A_306 = vector.broadcast %add3A_305 : i32 to vector<16xi32>
    %add3A_307 = arith.addi %iota3A, %add3A_306 : vector<16xi32>
    %add3A_308 = arith.constant 1024 : i32
    %add3A_309 = vector.broadcast %add3A_308 : i32 to vector<16xi32>
    %add3A_310 = arith.addi %iota3A, %add3A_309 : vector<16xi32>
    %add3A_311 = arith.constant 1280 : i32
    %add3A_312 = vector.broadcast %add3A_311 : i32 to vector<16xi32>
    %add3A_313 = arith.addi %iota3A, %add3A_312 : vector<16xi32>
    %add3A_314 = arith.constant 1536 : i32
    %add3A_315 = vector.broadcast %add3A_314 : i32 to vector<16xi32>
    %add3A_316 = arith.addi %iota3A, %add3A_315 : vector<16xi32>
    %add3A_317 = arith.constant 1792 : i32
    %add3A_318 = vector.broadcast %add3A_317 : i32 to vector<16xi32>
    %add3A_319 = arith.addi %iota3A, %add3A_318 : vector<16xi32>
    %dma_wait3A = arith.constant 0 : i32
    %dma_wait3A_320 = tpu.memref_slice %arg2[%dma_wait3A, %add3A_4] : memref<100x16384xi32, #tpu.memory_space<hbm>> -> memref<100x256xi32, #tpu.memory_space<hbm>>
    %dma_wait3A_321 = arith.constant 0 : i32
    %dma_wait3A_322 = tpu.memref_slice %arg2[%dma_wait3A_321, %add3A_4] : memref<100x16384xi32, #tpu.memory_space<hbm>> -> memref<100x256xi32, #tpu.memory_space<hbm>>
    tpu.wait_dma2 semaphore(%arg10 : memref<!tpu.dma_semaphore, #tpu.memory_space<semaphore_mem>>) src(%dma_wait3A_322 : memref<100x256xi32, #tpu.memory_space<hbm>>) dst(%arg5 : memref<100x256xi32, #tpu.memory_space<vmem>>)
    %parallel_loop3A = arith.constant 0 : i32
    %parallel_loop3A_323 = arith.constant 100 : i32
    %parallel_loop3A_324 = arith.constant 1 : i32
    scf.for %parallel_loop3A_970 = %parallel_loop3A to %parallel_loop3A_323 step %parallel_loop3A_324  : i32 {
      %parallel_loop3A_971 = arith.index_cast %parallel_loop3A_970 : i32 to index
      %parallel_loop3A_972 = arith.constant 0 : index
      %parallel_loop3A_973 = tpu.vector_load %arg5[%parallel_loop3A_971, %parallel_loop3A_972] {strides = array<i32>} : memref<100x256xi32, #tpu.memory_space<vmem>>, vector<16xi32>,
      %parallel_loop3A_974 = arith.constant 4 : i32
      %parallel_loop3A_975 = vector.broadcast %parallel_loop3A_974 : i32 to vector<16xi32>
      %parallel_loop3A_976 = arith.shli %parallel_loop3A_973, %parallel_loop3A_975 : vector<16xi32>
      %parallel_loop3A_977 = arith.ori %parallel_loop3A_976, %add3A_274 : vector<16xi32>
      tpu.vector_store_idx %arg9[%parallel_loop3A_977], %broadcast_in_dim3A_271 {add = true} : memref<2048xf32, #tpu.memory_space<vmem>>[vector<16xi32>], vector<16xf32>,
      %parallel_loop3A_978 = arith.index_cast %parallel_loop3A_970 : i32 to index
      %parallel_loop3A_979 = arith.constant 16 : index
      %parallel_loop3A_980 = tpu.vector_load %arg5[%parallel_loop3A_978, %parallel_loop3A_979] {strides = array<i32>} : memref<100x256xi32, #tpu.memory_space<vmem>>, vector<16xi32>,
      %parallel_loop3A_981 = arith.constant 4 : i32
      %parallel_loop3A_982 = vector.broadcast %parallel_loop3A_981 : i32 to vector<16xi32>
      %parallel_loop3A_983 = arith.shli %parallel_loop3A_980, %parallel_loop3A_982 : vector<16xi32>
      %parallel_loop3A_984 = arith.ori %parallel_loop3A_983, %add3A_277 : vector<16xi32>
      tpu.vector_store_idx %arg9[%parallel_loop3A_984], %broadcast_in_dim3A_271 {add = true} : memref<2048xf32, #tpu.memory_space<vmem>>[vector<16xi32>], vector<16xf32>,
      %parallel_loop3A_985 = arith.index_cast %parallel_loop3A_970 : i32 to index
      %parallel_loop3A_986 = arith.constant 32 : index
      %parallel_loop3A_987 = tpu.vector_load %arg5[%parallel_loop3A_985, %parallel_loop3A_986] {strides = array<i32>} : memref<100x256xi32, #tpu.memory_space<vmem>>, vector<16xi32>,
      %parallel_loop3A_988 = arith.constant 4 : i32
      %parallel_loop3A_989 = vector.broadcast %parallel_loop3A_988 : i32 to vector<16xi32>
      %parallel_loop3A_990 = arith.shli %parallel_loop3A_987, %parallel_loop3A_989 : vector<16xi32>
      %parallel_loop3A_991 = arith.ori %parallel_loop3A_990, %add3A_280 : vector<16xi32>
      tpu.vector_store_idx %arg9[%parallel_loop3A_991], %broadcast_in_dim3A_271 {add = true} : memref<2048xf32, #tpu.memory_space<vmem>>[vector<16xi32>], vector<16xf32>,
      %parallel_loop3A_992 = arith.index_cast %parallel_loop3A_970 : i32 to index
      %parallel_loop3A_993 = arith.constant 48 : index
      %parallel_loop3A_994 = tpu.vector_load %arg5[%parallel_loop3A_992, %parallel_loop3A_993] {strides = array<i32>} : memref<100x256xi32, #tpu.memory_space<vmem>>, vector<16xi32>,
      %parallel_loop3A_995 = arith.constant 4 : i32
      %parallel_loop3A_996 = vector.broadcast %parallel_loop3A_995 : i32 to vector<16xi32>
      %parallel_loop3A_997 = arith.shli %parallel_loop3A_994, %parallel_loop3A_996 : vector<16xi32>
      %parallel_loop3A_998 = arith.ori %parallel_loop3A_997, %add3A_283 : vector<16xi32>
      tpu.vector_store_idx %arg9[%parallel_loop3A_998], %broadcast_in_dim3A_271 {add = true} : memref<2048xf32, #tpu.memory_space<vmem>>[vector<16xi32>], vector<16xf32>,
      %parallel_loop3A_999 = arith.index_cast %parallel_loop3A_970 : i32 to index
      %parallel_loop3A_1000 = arith.constant 64 : index
      %parallel_loop3A_1001 = tpu.vector_load %arg5[%parallel_loop3A_999, %parallel_loop3A_1000] {strides = array<i32>} : memref<100x256xi32, #tpu.memory_space<vmem>>, vector<16xi32>,
      %parallel_loop3A_1002 = arith.constant 4 : i32
      %parallel_loop3A_1003 = vector.broadcast %parallel_loop3A_1002 : i32 to vector<16xi32>
      %parallel_loop3A_1004 = arith.shli %parallel_loop3A_1001, %parallel_loop3A_1003 : vector<16xi32>
      %parallel_loop3A_1005 = arith.ori %parallel_loop3A_1004, %add3A_286 : vector<16xi32>
      tpu.vector_store_idx %arg9[%parallel_loop3A_1005], %broadcast_in_dim3A_271 {add = true} : memref<2048xf32, #tpu.memory_space<vmem>>[vector<16xi32>], vector<16xf32>,
      %parallel_loop3A_1006 = arith.index_cast %parallel_loop3A_970 : i32 to index
      %parallel_loop3A_1007 = arith.constant 80 : index
      %parallel_loop3A_1008 = tpu.vector_load %arg5[%parallel_loop3A_1006, %parallel_loop3A_1007] {strides = array<i32>} : memref<100x256xi32, #tpu.memory_space<vmem>>, vector<16xi32>,
      %parallel_loop3A_1009 = arith.constant 4 : i32
      %parallel_loop3A_1010 = vector.broadcast %parallel_loop3A_1009 : i32 to vector<16xi32>
      %parallel_loop3A_1011 = arith.shli %parallel_loop3A_1008, %parallel_loop3A_1010 : vector<16xi32>
      %parallel_loop3A_1012 = arith.ori %parallel_loop3A_1011, %add3A_289 : vector<16xi32>
      tpu.vector_store_idx %arg9[%parallel_loop3A_1012], %broadcast_in_dim3A_271 {add = true} : memref<2048xf32, #tpu.memory_space<vmem>>[vector<16xi32>], vector<16xf32>,
      %parallel_loop3A_1013 = arith.index_cast %parallel_loop3A_970 : i32 to index
      %parallel_loop3A_1014 = arith.constant 96 : index
      %parallel_loop3A_1015 = tpu.vector_load %arg5[%parallel_loop3A_1013, %parallel_loop3A_1014] {strides = array<i32>} : memref<100x256xi32, #tpu.memory_space<vmem>>, vector<16xi32>,
      %parallel_loop3A_1016 = arith.constant 4 : i32
      %parallel_loop3A_1017 = vector.broadcast %parallel_loop3A_1016 : i32 to vector<16xi32>
      %parallel_loop3A_1018 = arith.shli %parallel_loop3A_1015, %parallel_loop3A_1017 : vector<16xi32>
      %parallel_loop3A_1019 = arith.ori %parallel_loop3A_1018, %add3A_292 : vector<16xi32>
      tpu.vector_store_idx %arg9[%parallel_loop3A_1019], %broadcast_in_dim3A_271 {add = true} : memref<2048xf32, #tpu.memory_space<vmem>>[vector<16xi32>], vector<16xf32>,
      %parallel_loop3A_1020 = arith.index_cast %parallel_loop3A_970 : i32 to index
      %parallel_loop3A_1021 = arith.constant 112 : index
      %parallel_loop3A_1022 = tpu.vector_load %arg5[%parallel_loop3A_1020, %parallel_loop3A_1021] {strides = array<i32>} : memref<100x256xi32, #tpu.memory_space<vmem>>, vector<16xi32>,
      %parallel_loop3A_1023 = arith.constant 4 : i32
      %parallel_loop3A_1024 = vector.broadcast %parallel_loop3A_1023 : i32 to vector<16xi32>
      %parallel_loop3A_1025 = arith.shli %parallel_loop3A_1022, %parallel_loop3A_1024 : vector<16xi32>
      %parallel_loop3A_1026 = arith.ori %parallel_loop3A_1025, %add3A_295 : vector<16xi32>
      tpu.vector_store_idx %arg9[%parallel_loop3A_1026], %broadcast_in_dim3A_271 {add = true} : memref<2048xf32, #tpu.memory_space<vmem>>[vector<16xi32>], vector<16xf32>,
      %parallel_loop3A_1027 = arith.index_cast %parallel_loop3A_970 : i32 to index
      %parallel_loop3A_1028 = arith.constant 128 : index
      %parallel_loop3A_1029 = tpu.vector_load %arg5[%parallel_loop3A_1027, %parallel_loop3A_1028] {strides = array<i32>} : memref<100x256xi32, #tpu.memory_space<vmem>>, vector<16xi32>,
      %parallel_loop3A_1030 = arith.constant 4 : i32
      %parallel_loop3A_1031 = vector.broadcast %parallel_loop3A_1030 : i32 to vector<16xi32>
      %parallel_loop3A_1032 = arith.shli %parallel_loop3A_1029, %parallel_loop3A_1031 : vector<16xi32>
      %parallel_loop3A_1033 = arith.ori %parallel_loop3A_1032, %add3A_298 : vector<16xi32>
      tpu.vector_store_idx %arg9[%parallel_loop3A_1033], %broadcast_in_dim3A_271 {add = true} : memref<2048xf32, #tpu.memory_space<vmem>>[vector<16xi32>], vector<16xf32>,
      %parallel_loop3A_1034 = arith.index_cast %parallel_loop3A_970 : i32 to index
      %parallel_loop3A_1035 = arith.constant 144 : index
      %parallel_loop3A_1036 = tpu.vector_load %arg5[%parallel_loop3A_1034, %parallel_loop3A_1035] {strides = array<i32>} : memref<100x256xi32, #tpu.memory_space<vmem>>, vector<16xi32>,
      %parallel_loop3A_1037 = arith.constant 4 : i32
      %parallel_loop3A_1038 = vector.broadcast %parallel_loop3A_1037 : i32 to vector<16xi32>
      %parallel_loop3A_1039 = arith.shli %parallel_loop3A_1036, %parallel_loop3A_1038 : vector<16xi32>
      %parallel_loop3A_1040 = arith.ori %parallel_loop3A_1039, %add3A_301 : vector<16xi32>
      tpu.vector_store_idx %arg9[%parallel_loop3A_1040], %broadcast_in_dim3A_271 {add = true} : memref<2048xf32, #tpu.memory_space<vmem>>[vector<16xi32>], vector<16xf32>,
      %parallel_loop3A_1041 = arith.index_cast %parallel_loop3A_970 : i32 to index
      %parallel_loop3A_1042 = arith.constant 160 : index
      %parallel_loop3A_1043 = tpu.vector_load %arg5[%parallel_loop3A_1041, %parallel_loop3A_1042] {strides = array<i32>} : memref<100x256xi32, #tpu.memory_space<vmem>>, vector<16xi32>,
      %parallel_loop3A_1044 = arith.constant 4 : i32
      %parallel_loop3A_1045 = vector.broadcast %parallel_loop3A_1044 : i32 to vector<16xi32>
      %parallel_loop3A_1046 = arith.shli %parallel_loop3A_1043, %parallel_loop3A_1045 : vector<16xi32>
      %parallel_loop3A_1047 = arith.ori %parallel_loop3A_1046, %add3A_304 : vector<16xi32>
      tpu.vector_store_idx %arg9[%parallel_loop3A_1047], %broadcast_in_dim3A_271 {add = true} : memref<2048xf32, #tpu.memory_space<vmem>>[vector<16xi32>], vector<16xf32>,
      %parallel_loop3A_1048 = arith.index_cast %parallel_loop3A_970 : i32 to index
      %parallel_loop3A_1049 = arith.constant 176 : index
      %parallel_loop3A_1050 = tpu.vector_load %arg5[%parallel_loop3A_1048, %parallel_loop3A_1049] {strides = array<i32>} : memref<100x256xi32, #tpu.memory_space<vmem>>, vector<16xi32>,
      %parallel_loop3A_1051 = arith.constant 4 : i32
      %parallel_loop3A_1052 = vector.broadcast %parallel_loop3A_1051 : i32 to vector<16xi32>
      %parallel_loop3A_1053 = arith.shli %parallel_loop3A_1050, %parallel_loop3A_1052 : vector<16xi32>
      %parallel_loop3A_1054 = arith.ori %parallel_loop3A_1053, %add3A_307 : vector<16xi32>
      tpu.vector_store_idx %arg9[%parallel_loop3A_1054], %broadcast_in_dim3A_271 {add = true} : memref<2048xf32, #tpu.memory_space<vmem>>[vector<16xi32>], vector<16xf32>,
      %parallel_loop3A_1055 = arith.index_cast %parallel_loop3A_970 : i32 to index
      %parallel_loop3A_1056 = arith.constant 192 : index
      %parallel_loop3A_1057 = tpu.vector_load %arg5[%parallel_loop3A_1055, %parallel_loop3A_1056] {strides = array<i32>} : memref<100x256xi32, #tpu.memory_space<vmem>>, vector<16xi32>,
      %parallel_loop3A_1058 = arith.constant 4 : i32
      %parallel_loop3A_1059 = vector.broadcast %parallel_loop3A_1058 : i32 to vector<16xi32>
      %parallel_loop3A_1060 = arith.shli %parallel_loop3A_1057, %parallel_loop3A_1059 : vector<16xi32>
      %parallel_loop3A_1061 = arith.ori %parallel_loop3A_1060, %add3A_310 : vector<16xi32>
      tpu.vector_store_idx %arg9[%parallel_loop3A_1061], %broadcast_in_dim3A_271 {add = true} : memref<2048xf32, #tpu.memory_space<vmem>>[vector<16xi32>], vector<16xf32>,
      %parallel_loop3A_1062 = arith.index_cast %parallel_loop3A_970 : i32 to index
      %parallel_loop3A_1063 = arith.constant 208 : index
      %parallel_loop3A_1064 = tpu.vector_load %arg5[%parallel_loop3A_1062, %parallel_loop3A_1063] {strides = array<i32>} : memref<100x256xi32, #tpu.memory_space<vmem>>, vector<16xi32>,
      %parallel_loop3A_1065 = arith.constant 4 : i32
      %parallel_loop3A_1066 = vector.broadcast %parallel_loop3A_1065 : i32 to vector<16xi32>
      %parallel_loop3A_1067 = arith.shli %parallel_loop3A_1064, %parallel_loop3A_1066 : vector<16xi32>
      %parallel_loop3A_1068 = arith.ori %parallel_loop3A_1067, %add3A_313 : vector<16xi32>
      tpu.vector_store_idx %arg9[%parallel_loop3A_1068], %broadcast_in_dim3A_271 {add = true} : memref<2048xf32, #tpu.memory_space<vmem>>[vector<16xi32>], vector<16xf32>,
      %parallel_loop3A_1069 = arith.index_cast %parallel_loop3A_970 : i32 to index
      %parallel_loop3A_1070 = arith.constant 224 : index
      %parallel_loop3A_1071 = tpu.vector_load %arg5[%parallel_loop3A_1069, %parallel_loop3A_1070] {strides = array<i32>} : memref<100x256xi32, #tpu.memory_space<vmem>>, vector<16xi32>,
      %parallel_loop3A_1072 = arith.constant 4 : i32
      %parallel_loop3A_1073 = vector.broadcast %parallel_loop3A_1072 : i32 to vector<16xi32>
      %parallel_loop3A_1074 = arith.shli %parallel_loop3A_1071, %parallel_loop3A_1073 : vector<16xi32>
      %parallel_loop3A_1075 = arith.ori %parallel_loop3A_1074, %add3A_316 : vector<16xi32>
      tpu.vector_store_idx %arg9[%parallel_loop3A_1075], %broadcast_in_dim3A_271 {add = true} : memref<2048xf32, #tpu.memory_space<vmem>>[vector<16xi32>], vector<16xf32>,
      %parallel_loop3A_1076 = arith.index_cast %parallel_loop3A_970 : i32 to index
      %parallel_loop3A_1077 = arith.constant 240 : index
      %parallel_loop3A_1078 = tpu.vector_load %arg5[%parallel_loop3A_1076, %parallel_loop3A_1077] {strides = array<i32>} : memref<100x256xi32, #tpu.memory_space<vmem>>, vector<16xi32>,
      %parallel_loop3A_1079 = arith.constant 4 : i32
      %parallel_loop3A_1080 = vector.broadcast %parallel_loop3A_1079 : i32 to vector<16xi32>
      %parallel_loop3A_1081 = arith.shli %parallel_loop3A_1078, %parallel_loop3A_1080 : vector<16xi32>
      %parallel_loop3A_1082 = arith.ori %parallel_loop3A_1081, %add3A_319 : vector<16xi32>
      tpu.vector_store_idx %arg9[%parallel_loop3A_1082], %broadcast_in_dim3A_271 {add = true} : memref<2048xf32, #tpu.memory_space<vmem>>[vector<16xi32>], vector<16xf32>,
    } {sc.loop_unroll_factor = 2 : i64, sc.parallel_access}
    %dma_wait3A_325 = arith.constant 0 : i32
    %dma_wait3A_326 = tpu.memref_slice %arg2[%dma_wait3A_325, %add3A_9] : memref<100x16384xi32, #tpu.memory_space<hbm>> -> memref<100x256xi32, #tpu.memory_space<hbm>>
    %dma_wait3A_327 = arith.constant 0 : i32
    %dma_wait3A_328 = tpu.memref_slice %arg2[%dma_wait3A_327, %add3A_9] : memref<100x16384xi32, #tpu.memory_space<hbm>> -> memref<100x256xi32, #tpu.memory_space<hbm>>
    tpu.wait_dma2 semaphore(%arg11 : memref<!tpu.dma_semaphore, #tpu.memory_space<semaphore_mem>>) src(%dma_wait3A_328 : memref<100x256xi32, #tpu.memory_space<hbm>>) dst(%arg6 : memref<100x256xi32, #tpu.memory_space<vmem>>)
    %parallel_loop3A_329 = arith.constant 0 : i32
    %parallel_loop3A_330 = arith.constant 100 : i32
    %parallel_loop3A_331 = arith.constant 1 : i32
    scf.for %parallel_loop3A_970 = %parallel_loop3A_329 to %parallel_loop3A_330 step %parallel_loop3A_331  : i32 {
      %parallel_loop3A_971 = arith.index_cast %parallel_loop3A_970 : i32 to index
      %parallel_loop3A_972 = arith.constant 0 : index
      %parallel_loop3A_973 = tpu.vector_load %arg6[%parallel_loop3A_971, %parallel_loop3A_972] {strides = array<i32>} : memref<100x256xi32, #tpu.memory_space<vmem>>, vector<16xi32>,
      %parallel_loop3A_974 = arith.constant 4 : i32
      %parallel_loop3A_975 = vector.broadcast %parallel_loop3A_974 : i32 to vector<16xi32>
      %parallel_loop3A_976 = arith.shli %parallel_loop3A_973, %parallel_loop3A_975 : vector<16xi32>
      %parallel_loop3A_977 = arith.ori %parallel_loop3A_976, %add3A_274 : vector<16xi32>
      tpu.vector_store_idx %arg9[%parallel_loop3A_977], %broadcast_in_dim3A_271 {add = true} : memref<2048xf32, #tpu.memory_space<vmem>>[vector<16xi32>], vector<16xf32>,
      %parallel_loop3A_978 = arith.index_cast %parallel_loop3A_970 : i32 to index
      %parallel_loop3A_979 = arith.constant 16 : index
      %parallel_loop3A_980 = tpu.vector_load %arg6[%parallel_loop3A_978, %parallel_loop3A_979] {strides = array<i32>} : memref<100x256xi32, #tpu.memory_space<vmem>>, vector<16xi32>,
      %parallel_loop3A_981 = arith.constant 4 : i32
      %parallel_loop3A_982 = vector.broadcast %parallel_loop3A_981 : i32 to vector<16xi32>
      %parallel_loop3A_983 = arith.shli %parallel_loop3A_980, %parallel_loop3A_982 : vector<16xi32>
      %parallel_loop3A_984 = arith.ori %parallel_loop3A_983, %add3A_277 : vector<16xi32>
      tpu.vector_store_idx %arg9[%parallel_loop3A_984], %broadcast_in_dim3A_271 {add = true} : memref<2048xf32, #tpu.memory_space<vmem>>[vector<16xi32>], vector<16xf32>,
      %parallel_loop3A_985 = arith.index_cast %parallel_loop3A_970 : i32 to index
      %parallel_loop3A_986 = arith.constant 32 : index
      %parallel_loop3A_987 = tpu.vector_load %arg6[%parallel_loop3A_985, %parallel_loop3A_986] {strides = array<i32>} : memref<100x256xi32, #tpu.memory_space<vmem>>, vector<16xi32>,
      %parallel_loop3A_988 = arith.constant 4 : i32
      %parallel_loop3A_989 = vector.broadcast %parallel_loop3A_988 : i32 to vector<16xi32>
      %parallel_loop3A_990 = arith.shli %parallel_loop3A_987, %parallel_loop3A_989 : vector<16xi32>
      %parallel_loop3A_991 = arith.ori %parallel_loop3A_990, %add3A_280 : vector<16xi32>
      tpu.vector_store_idx %arg9[%parallel_loop3A_991], %broadcast_in_dim3A_271 {add = true} : memref<2048xf32, #tpu.memory_space<vmem>>[vector<16xi32>], vector<16xf32>,
      %parallel_loop3A_992 = arith.index_cast %parallel_loop3A_970 : i32 to index
      %parallel_loop3A_993 = arith.constant 48 : index
      %parallel_loop3A_994 = tpu.vector_load %arg6[%parallel_loop3A_992, %parallel_loop3A_993] {strides = array<i32>} : memref<100x256xi32, #tpu.memory_space<vmem>>, vector<16xi32>,
      %parallel_loop3A_995 = arith.constant 4 : i32
      %parallel_loop3A_996 = vector.broadcast %parallel_loop3A_995 : i32 to vector<16xi32>
      %parallel_loop3A_997 = arith.shli %parallel_loop3A_994, %parallel_loop3A_996 : vector<16xi32>
      %parallel_loop3A_998 = arith.ori %parallel_loop3A_997, %add3A_283 : vector<16xi32>
      tpu.vector_store_idx %arg9[%parallel_loop3A_998], %broadcast_in_dim3A_271 {add = true} : memref<2048xf32, #tpu.memory_space<vmem>>[vector<16xi32>], vector<16xf32>,
      %parallel_loop3A_999 = arith.index_cast %parallel_loop3A_970 : i32 to index
      %parallel_loop3A_1000 = arith.constant 64 : index
      %parallel_loop3A_1001 = tpu.vector_load %arg6[%parallel_loop3A_999, %parallel_loop3A_1000] {strides = array<i32>} : memref<100x256xi32, #tpu.memory_space<vmem>>, vector<16xi32>,
      %parallel_loop3A_1002 = arith.constant 4 : i32
      %parallel_loop3A_1003 = vector.broadcast %parallel_loop3A_1002 : i32 to vector<16xi32>
      %parallel_loop3A_1004 = arith.shli %parallel_loop3A_1001, %parallel_loop3A_1003 : vector<16xi32>
      %parallel_loop3A_1005 = arith.ori %parallel_loop3A_1004, %add3A_286 : vector<16xi32>
      tpu.vector_store_idx %arg9[%parallel_loop3A_1005], %broadcast_in_dim3A_271 {add = true} : memref<2048xf32, #tpu.memory_space<vmem>>[vector<16xi32>], vector<16xf32>,
      %parallel_loop3A_1006 = arith.index_cast %parallel_loop3A_970 : i32 to index
      %parallel_loop3A_1007 = arith.constant 80 : index
      %parallel_loop3A_1008 = tpu.vector_load %arg6[%parallel_loop3A_1006, %parallel_loop3A_1007] {strides = array<i32>} : memref<100x256xi32, #tpu.memory_space<vmem>>, vector<16xi32>,
      %parallel_loop3A_1009 = arith.constant 4 : i32
      %parallel_loop3A_1010 = vector.broadcast %parallel_loop3A_1009 : i32 to vector<16xi32>
      %parallel_loop3A_1011 = arith.shli %parallel_loop3A_1008, %parallel_loop3A_1010 : vector<16xi32>
      %parallel_loop3A_1012 = arith.ori %parallel_loop3A_1011, %add3A_289 : vector<16xi32>
      tpu.vector_store_idx %arg9[%parallel_loop3A_1012], %broadcast_in_dim3A_271 {add = true} : memref<2048xf32, #tpu.memory_space<vmem>>[vector<16xi32>], vector<16xf32>,
      %parallel_loop3A_1013 = arith.index_cast %parallel_loop3A_970 : i32 to index
      %parallel_loop3A_1014 = arith.constant 96 : index
      %parallel_loop3A_1015 = tpu.vector_load %arg6[%parallel_loop3A_1013, %parallel_loop3A_1014] {strides = array<i32>} : memref<100x256xi32, #tpu.memory_space<vmem>>, vector<16xi32>,
      %parallel_loop3A_1016 = arith.constant 4 : i32
      %parallel_loop3A_1017 = vector.broadcast %parallel_loop3A_1016 : i32 to vector<16xi32>
      %parallel_loop3A_1018 = arith.shli %parallel_loop3A_1015, %parallel_loop3A_1017 : vector<16xi32>
      %parallel_loop3A_1019 = arith.ori %parallel_loop3A_1018, %add3A_292 : vector<16xi32>
      tpu.vector_store_idx %arg9[%parallel_loop3A_1019], %broadcast_in_dim3A_271 {add = true} : memref<2048xf32, #tpu.memory_space<vmem>>[vector<16xi32>], vector<16xf32>,
      %parallel_loop3A_1020 = arith.index_cast %parallel_loop3A_970 : i32 to index
      %parallel_loop3A_1021 = arith.constant 112 : index
      %parallel_loop3A_1022 = tpu.vector_load %arg6[%parallel_loop3A_1020, %parallel_loop3A_1021] {strides = array<i32>} : memref<100x256xi32, #tpu.memory_space<vmem>>, vector<16xi32>,
      %parallel_loop3A_1023 = arith.constant 4 : i32
      %parallel_loop3A_1024 = vector.broadcast %parallel_loop3A_1023 : i32 to vector<16xi32>
      %parallel_loop3A_1025 = arith.shli %parallel_loop3A_1022, %parallel_loop3A_1024 : vector<16xi32>
      %parallel_loop3A_1026 = arith.ori %parallel_loop3A_1025, %add3A_295 : vector<16xi32>
      tpu.vector_store_idx %arg9[%parallel_loop3A_1026], %broadcast_in_dim3A_271 {add = true} : memref<2048xf32, #tpu.memory_space<vmem>>[vector<16xi32>], vector<16xf32>,
      %parallel_loop3A_1027 = arith.index_cast %parallel_loop3A_970 : i32 to index
      %parallel_loop3A_1028 = arith.constant 128 : index
      %parallel_loop3A_1029 = tpu.vector_load %arg6[%parallel_loop3A_1027, %parallel_loop3A_1028] {strides = array<i32>} : memref<100x256xi32, #tpu.memory_space<vmem>>, vector<16xi32>,
      %parallel_loop3A_1030 = arith.constant 4 : i32
      %parallel_loop3A_1031 = vector.broadcast %parallel_loop3A_1030 : i32 to vector<16xi32>
      %parallel_loop3A_1032 = arith.shli %parallel_loop3A_1029, %parallel_loop3A_1031 : vector<16xi32>
      %parallel_loop3A_1033 = arith.ori %parallel_loop3A_1032, %add3A_298 : vector<16xi32>
      tpu.vector_store_idx %arg9[%parallel_loop3A_1033], %broadcast_in_dim3A_271 {add = true} : memref<2048xf32, #tpu.memory_space<vmem>>[vector<16xi32>], vector<16xf32>,
      %parallel_loop3A_1034 = arith.index_cast %parallel_loop3A_970 : i32 to index
      %parallel_loop3A_1035 = arith.constant 144 : index
      %parallel_loop3A_1036 = tpu.vector_load %arg6[%parallel_loop3A_1034, %parallel_loop3A_1035] {strides = array<i32>} : memref<100x256xi32, #tpu.memory_space<vmem>>, vector<16xi32>,
      %parallel_loop3A_1037 = arith.constant 4 : i32
      %parallel_loop3A_1038 = vector.broadcast %parallel_loop3A_1037 : i32 to vector<16xi32>
      %parallel_loop3A_1039 = arith.shli %parallel_loop3A_1036, %parallel_loop3A_1038 : vector<16xi32>
      %parallel_loop3A_1040 = arith.ori %parallel_loop3A_1039, %add3A_301 : vector<16xi32>
      tpu.vector_store_idx %arg9[%parallel_loop3A_1040], %broadcast_in_dim3A_271 {add = true} : memref<2048xf32, #tpu.memory_space<vmem>>[vector<16xi32>], vector<16xf32>,
      %parallel_loop3A_1041 = arith.index_cast %parallel_loop3A_970 : i32 to index
      %parallel_loop3A_1042 = arith.constant 160 : index
      %parallel_loop3A_1043 = tpu.vector_load %arg6[%parallel_loop3A_1041, %parallel_loop3A_1042] {strides = array<i32>} : memref<100x256xi32, #tpu.memory_space<vmem>>, vector<16xi32>,
      %parallel_loop3A_1044 = arith.constant 4 : i32
      %parallel_loop3A_1045 = vector.broadcast %parallel_loop3A_1044 : i32 to vector<16xi32>
      %parallel_loop3A_1046 = arith.shli %parallel_loop3A_1043, %parallel_loop3A_1045 : vector<16xi32>
      %parallel_loop3A_1047 = arith.ori %parallel_loop3A_1046, %add3A_304 : vector<16xi32>
      tpu.vector_store_idx %arg9[%parallel_loop3A_1047], %broadcast_in_dim3A_271 {add = true} : memref<2048xf32, #tpu.memory_space<vmem>>[vector<16xi32>], vector<16xf32>,
      %parallel_loop3A_1048 = arith.index_cast %parallel_loop3A_970 : i32 to index
      %parallel_loop3A_1049 = arith.constant 176 : index
      %parallel_loop3A_1050 = tpu.vector_load %arg6[%parallel_loop3A_1048, %parallel_loop3A_1049] {strides = array<i32>} : memref<100x256xi32, #tpu.memory_space<vmem>>, vector<16xi32>,
      %parallel_loop3A_1051 = arith.constant 4 : i32
      %parallel_loop3A_1052 = vector.broadcast %parallel_loop3A_1051 : i32 to vector<16xi32>
      %parallel_loop3A_1053 = arith.shli %parallel_loop3A_1050, %parallel_loop3A_1052 : vector<16xi32>
      %parallel_loop3A_1054 = arith.ori %parallel_loop3A_1053, %add3A_307 : vector<16xi32>
      tpu.vector_store_idx %arg9[%parallel_loop3A_1054], %broadcast_in_dim3A_271 {add = true} : memref<2048xf32, #tpu.memory_space<vmem>>[vector<16xi32>], vector<16xf32>,
      %parallel_loop3A_1055 = arith.index_cast %parallel_loop3A_970 : i32 to index
      %parallel_loop3A_1056 = arith.constant 192 : index
      %parallel_loop3A_1057 = tpu.vector_load %arg6[%parallel_loop3A_1055, %parallel_loop3A_1056] {strides = array<i32>} : memref<100x256xi32, #tpu.memory_space<vmem>>, vector<16xi32>,
      %parallel_loop3A_1058 = arith.constant 4 : i32
      %parallel_loop3A_1059 = vector.broadcast %parallel_loop3A_1058 : i32 to vector<16xi32>
      %parallel_loop3A_1060 = arith.shli %parallel_loop3A_1057, %parallel_loop3A_1059 : vector<16xi32>
      %parallel_loop3A_1061 = arith.ori %parallel_loop3A_1060, %add3A_310 : vector<16xi32>
      tpu.vector_store_idx %arg9[%parallel_loop3A_1061], %broadcast_in_dim3A_271 {add = true} : memref<2048xf32, #tpu.memory_space<vmem>>[vector<16xi32>], vector<16xf32>,
      %parallel_loop3A_1062 = arith.index_cast %parallel_loop3A_970 : i32 to index
      %parallel_loop3A_1063 = arith.constant 208 : index
      %parallel_loop3A_1064 = tpu.vector_load %arg6[%parallel_loop3A_1062, %parallel_loop3A_1063] {strides = array<i32>} : memref<100x256xi32, #tpu.memory_space<vmem>>, vector<16xi32>,
      %parallel_loop3A_1065 = arith.constant 4 : i32
      %parallel_loop3A_1066 = vector.broadcast %parallel_loop3A_1065 : i32 to vector<16xi32>
      %parallel_loop3A_1067 = arith.shli %parallel_loop3A_1064, %parallel_loop3A_1066 : vector<16xi32>
      %parallel_loop3A_1068 = arith.ori %parallel_loop3A_1067, %add3A_313 : vector<16xi32>
      tpu.vector_store_idx %arg9[%parallel_loop3A_1068], %broadcast_in_dim3A_271 {add = true} : memref<2048xf32, #tpu.memory_space<vmem>>[vector<16xi32>], vector<16xf32>,
      %parallel_loop3A_1069 = arith.index_cast %parallel_loop3A_970 : i32 to index
      %parallel_loop3A_1070 = arith.constant 224 : index
      %parallel_loop3A_1071 = tpu.vector_load %arg6[%parallel_loop3A_1069, %parallel_loop3A_1070] {strides = array<i32>} : memref<100x256xi32, #tpu.memory_space<vmem>>, vector<16xi32>,
      %parallel_loop3A_1072 = arith.constant 4 : i32
      %parallel_loop3A_1073 = vector.broadcast %parallel_loop3A_1072 : i32 to vector<16xi32>
      %parallel_loop3A_1074 = arith.shli %parallel_loop3A_1071, %parallel_loop3A_1073 : vector<16xi32>
      %parallel_loop3A_1075 = arith.ori %parallel_loop3A_1074, %add3A_316 : vector<16xi32>
      tpu.vector_store_idx %arg9[%parallel_loop3A_1075], %broadcast_in_dim3A_271 {add = true} : memref<2048xf32, #tpu.memory_space<vmem>>[vector<16xi32>], vector<16xf32>,
      %parallel_loop3A_1076 = arith.index_cast %parallel_loop3A_970 : i32 to index
      %parallel_loop3A_1077 = arith.constant 240 : index
      %parallel_loop3A_1078 = tpu.vector_load %arg6[%parallel_loop3A_1076, %parallel_loop3A_1077] {strides = array<i32>} : memref<100x256xi32, #tpu.memory_space<vmem>>, vector<16xi32>,
      %parallel_loop3A_1079 = arith.constant 4 : i32
      %parallel_loop3A_1080 = vector.broadcast %parallel_loop3A_1079 : i32 to vector<16xi32>
      %parallel_loop3A_1081 = arith.shli %parallel_loop3A_1078, %parallel_loop3A_1080 : vector<16xi32>
      %parallel_loop3A_1082 = arith.ori %parallel_loop3A_1081, %add3A_319 : vector<16xi32>
      tpu.vector_store_idx %arg9[%parallel_loop3A_1082], %broadcast_in_dim3A_271 {add = true} : memref<2048xf32, #tpu.memory_space<vmem>>[vector<16xi32>], vector<16xf32>,
    } {sc.loop_unroll_factor = 2 : i64, sc.parallel_access}
    %get3A = arith.constant 0 : i32
    %get3A_332 = arith.index_cast %get3A : i32 to index
    %get3A_333 = arith.constant 0 : index
    %get3A_334 = tpu.vector_load %arg7[%get3A_332, %get3A_333] {strides = array<i32>} : memref<10x20xf32, #tpu.memory_space<vmem>>, vector<16xf32>,
    %get3A_335 = arith.constant 0 : i32
    %get3A_336 = arith.index_cast %get3A_335 : i32 to index
    %get3A_337 = arith.constant 4 : index
    %get3A_338 = tpu.vector_load %arg7[%get3A_336, %get3A_337] {strides = array<i32>} : memref<10x20xf32, #tpu.memory_space<vmem>>, vector<16xf32>,
    %ge3A = arith.constant 12 : i32
    %ge3A_339 = vector.broadcast %ge3A : i32 to vector<16xi32>
    %ge3A_340 = arith.cmpi sge, %iota3A, %ge3A_339 : vector<16xi32>
    %jit3A = arith.constant 0.000000e+00 : f32
    %broadcast_in_dim3A_341 = vector.broadcast %jit3A : f32 to vector<16xf32>
    %select_n3A = arith.select %ge3A_340, %get3A_338, %broadcast_in_dim3A_341 : vector<16xi1>, vector<16xf32>
    %reduce_sum3A = arith.constant true
    %reduce_sum3A_342 = vector.broadcast %reduce_sum3A : i1 to vector<16xi1>
    %reduce_sum3A_343 = tpu.scan <sum>, %get3A_334 masked %reduce_sum3A_342 : vector<16xf32>, vector<16xi1> -> vector<16xf32>
    %reduce_sum3A_344 = vector.extract %reduce_sum3A_343[15] : f32 from vector<16xf32>
    %reduce_sum3A_345 = arith.constant true
    %reduce_sum3A_346 = vector.broadcast %reduce_sum3A_345 : i1 to vector<16xi1>
    %reduce_sum3A_347 = tpu.scan <sum>, %select_n3A masked %reduce_sum3A_346 : vector<16xf32>, vector<16xi1> -> vector<16xf32>
    %reduce_sum3A_348 = vector.extract %reduce_sum3A_347[15] : f32 from vector<16xf32>
    %add3A_349 = arith.addf %reduce_sum3A_344, %reduce_sum3A_348 : f32
    %get3A_350 = arith.constant 1 : i32
    %get3A_351 = arith.index_cast %get3A_350 : i32 to index
    %get3A_352 = arith.constant 0 : index
    %get3A_353 = tpu.vector_load %arg7[%get3A_351, %get3A_352] {strides = array<i32>} : memref<10x20xf32, #tpu.memory_space<vmem>>, vector<16xf32>,
    %get3A_354 = arith.constant 1 : i32
    %get3A_355 = arith.index_cast %get3A_354 : i32 to index
    %get3A_356 = arith.constant 4 : index
    %get3A_357 = tpu.vector_load %arg7[%get3A_355, %get3A_356] {strides = array<i32>} : memref<10x20xf32, #tpu.memory_space<vmem>>, vector<16xf32>,
    %ge3A_358 = arith.constant 12 : i32
    %ge3A_359 = vector.broadcast %ge3A_358 : i32 to vector<16xi32>
    %ge3A_360 = arith.cmpi sge, %iota3A, %ge3A_359 : vector<16xi32>
    %jit3A_361 = arith.constant 0.000000e+00 : f32
    %broadcast_in_dim3A_362 = vector.broadcast %jit3A_361 : f32 to vector<16xf32>
    %select_n3A_363 = arith.select %ge3A_360, %get3A_357, %broadcast_in_dim3A_362 : vector<16xi1>, vector<16xf32>
    %reduce_sum3A_364 = arith.constant true
    %reduce_sum3A_365 = vector.broadcast %reduce_sum3A_364 : i1 to vector<16xi1>
    %reduce_sum3A_366 = tpu.scan <sum>, %get3A_353 masked %reduce_sum3A_365 : vector<16xf32>, vector<16xi1> -> vector<16xf32>
    %reduce_sum3A_367 = vector.extract %reduce_sum3A_366[15] : f32 from vector<16xf32>
    %reduce_sum3A_368 = arith.constant true
    %reduce_sum3A_369 = vector.broadcast %reduce_sum3A_368 : i1 to vector<16xi1>
    %reduce_sum3A_370 = tpu.scan <sum>, %select_n3A_363 masked %reduce_sum3A_369 : vector<16xf32>, vector<16xi1> -> vector<16xf32>
    %reduce_sum3A_371 = vector.extract %reduce_sum3A_370[15] : f32 from vector<16xf32>
    %add3A_372 = arith.addf %reduce_sum3A_367, %reduce_sum3A_371 : f32
    %get3A_373 = arith.constant 2 : i32
    %get3A_374 = arith.index_cast %get3A_373 : i32 to index
    %get3A_375 = arith.constant 0 : index
    %get3A_376 = tpu.vector_load %arg7[%get3A_374, %get3A_375] {strides = array<i32>} : memref<10x20xf32, #tpu.memory_space<vmem>>, vector<16xf32>,
    %get3A_377 = arith.constant 2 : i32
    %get3A_378 = arith.index_cast %get3A_377 : i32 to index
    %get3A_379 = arith.constant 4 : index
    %get3A_380 = tpu.vector_load %arg7[%get3A_378, %get3A_379] {strides = array<i32>} : memref<10x20xf32, #tpu.memory_space<vmem>>, vector<16xf32>,
    %ge3A_381 = arith.constant 12 : i32
    %ge3A_382 = vector.broadcast %ge3A_381 : i32 to vector<16xi32>
    %ge3A_383 = arith.cmpi sge, %iota3A, %ge3A_382 : vector<16xi32>
    %jit3A_384 = arith.constant 0.000000e+00 : f32
    %broadcast_in_dim3A_385 = vector.broadcast %jit3A_384 : f32 to vector<16xf32>
    %select_n3A_386 = arith.select %ge3A_383, %get3A_380, %broadcast_in_dim3A_385 : vector<16xi1>, vector<16xf32>
    %reduce_sum3A_387 = arith.constant true
    %reduce_sum3A_388 = vector.broadcast %reduce_sum3A_387 : i1 to vector<16xi1>
    %reduce_sum3A_389 = tpu.scan <sum>, %get3A_376 masked %reduce_sum3A_388 : vector<16xf32>, vector<16xi1> -> vector<16xf32>
    %reduce_sum3A_390 = vector.extract %reduce_sum3A_389[15] : f32 from vector<16xf32>
    %reduce_sum3A_391 = arith.constant true
    %reduce_sum3A_392 = vector.broadcast %reduce_sum3A_391 : i1 to vector<16xi1>
    %reduce_sum3A_393 = tpu.scan <sum>, %select_n3A_386 masked %reduce_sum3A_392 : vector<16xf32>, vector<16xi1> -> vector<16xf32>
    %reduce_sum3A_394 = vector.extract %reduce_sum3A_393[15] : f32 from vector<16xf32>
    %add3A_395 = arith.addf %reduce_sum3A_390, %reduce_sum3A_394 : f32
    %get3A_396 = arith.constant 3 : i32
    %get3A_397 = arith.index_cast %get3A_396 : i32 to index
    %get3A_398 = arith.constant 0 : index
    %get3A_399 = tpu.vector_load %arg7[%get3A_397, %get3A_398] {strides = array<i32>} : memref<10x20xf32, #tpu.memory_space<vmem>>, vector<16xf32>,
    %get3A_400 = arith.constant 3 : i32
    %get3A_401 = arith.index_cast %get3A_400 : i32 to index
    %get3A_402 = arith.constant 4 : index
    %get3A_403 = tpu.vector_load %arg7[%get3A_401, %get3A_402] {strides = array<i32>} : memref<10x20xf32, #tpu.memory_space<vmem>>, vector<16xf32>,
    %ge3A_404 = arith.constant 12 : i32
    %ge3A_405 = vector.broadcast %ge3A_404 : i32 to vector<16xi32>
    %ge3A_406 = arith.cmpi sge, %iota3A, %ge3A_405 : vector<16xi32>
    %jit3A_407 = arith.constant 0.000000e+00 : f32
    %broadcast_in_dim3A_408 = vector.broadcast %jit3A_407 : f32 to vector<16xf32>
    %select_n3A_409 = arith.select %ge3A_406, %get3A_403, %broadcast_in_dim3A_408 : vector<16xi1>, vector<16xf32>
    %reduce_sum3A_410 = arith.constant true
    %reduce_sum3A_411 = vector.broadcast %reduce_sum3A_410 : i1 to vector<16xi1>
    %reduce_sum3A_412 = tpu.scan <sum>, %get3A_399 masked %reduce_sum3A_411 : vector<16xf32>, vector<16xi1> -> vector<16xf32>
    %reduce_sum3A_413 = vector.extract %reduce_sum3A_412[15] : f32 from vector<16xf32>
    %reduce_sum3A_414 = arith.constant true
    %reduce_sum3A_415 = vector.broadcast %reduce_sum3A_414 : i1 to vector<16xi1>
    %reduce_sum3A_416 = tpu.scan <sum>, %select_n3A_409 masked %reduce_sum3A_415 : vector<16xf32>, vector<16xi1> -> vector<16xf32>
    %reduce_sum3A_417 = vector.extract %reduce_sum3A_416[15] : f32 from vector<16xf32>
    %add3A_418 = arith.addf %reduce_sum3A_413, %reduce_sum3A_417 : f32
    %get3A_419 = arith.constant 4 : i32
    %get3A_420 = arith.index_cast %get3A_419 : i32 to index
    %get3A_421 = arith.constant 0 : index
    %get3A_422 = tpu.vector_load %arg7[%get3A_420, %get3A_421] {strides = array<i32>} : memref<10x20xf32, #tpu.memory_space<vmem>>, vector<16xf32>,
    %get3A_423 = arith.constant 4 : i32
    %get3A_424 = arith.index_cast %get3A_423 : i32 to index
    %get3A_425 = arith.constant 4 : index
    %get3A_426 = tpu.vector_load %arg7[%get3A_424, %get3A_425] {strides = array<i32>} : memref<10x20xf32, #tpu.memory_space<vmem>>, vector<16xf32>,
    %ge3A_427 = arith.constant 12 : i32
    %ge3A_428 = vector.broadcast %ge3A_427 : i32 to vector<16xi32>
    %ge3A_429 = arith.cmpi sge, %iota3A, %ge3A_428 : vector<16xi32>
    %jit3A_430 = arith.constant 0.000000e+00 : f32
    %broadcast_in_dim3A_431 = vector.broadcast %jit3A_430 : f32 to vector<16xf32>
    %select_n3A_432 = arith.select %ge3A_429, %get3A_426, %broadcast_in_dim3A_431 : vector<16xi1>, vector<16xf32>
    %reduce_sum3A_433 = arith.constant true
    %reduce_sum3A_434 = vector.broadcast %reduce_sum3A_433 : i1 to vector<16xi1>
    %reduce_sum3A_435 = tpu.scan <sum>, %get3A_422 masked %reduce_sum3A_434 : vector<16xf32>, vector<16xi1> -> vector<16xf32>
    %reduce_sum3A_436 = vector.extract %reduce_sum3A_435[15] : f32 from vector<16xf32>
    %reduce_sum3A_437 = arith.constant true
    %reduce_sum3A_438 = vector.broadcast %reduce_sum3A_437 : i1 to vector<16xi1>
    %reduce_sum3A_439 = tpu.scan <sum>, %select_n3A_432 masked %reduce_sum3A_438 : vector<16xf32>, vector<16xi1> -> vector<16xf32>
    %reduce_sum3A_440 = vector.extract %reduce_sum3A_439[15] : f32 from vector<16xf32>
    %add3A_441 = arith.addf %reduce_sum3A_436, %reduce_sum3A_440 : f32
    %get3A_442 = arith.constant 5 : i32
    %get3A_443 = arith.index_cast %get3A_442 : i32 to index
    %get3A_444 = arith.constant 0 : index
    %get3A_445 = tpu.vector_load %arg7[%get3A_443, %get3A_444] {strides = array<i32>} : memref<10x20xf32, #tpu.memory_space<vmem>>, vector<16xf32>,
    %get3A_446 = arith.constant 5 : i32
    %get3A_447 = arith.index_cast %get3A_446 : i32 to index
    %get3A_448 = arith.constant 4 : index
    %get3A_449 = tpu.vector_load %arg7[%get3A_447, %get3A_448] {strides = array<i32>} : memref<10x20xf32, #tpu.memory_space<vmem>>, vector<16xf32>,
    %ge3A_450 = arith.constant 12 : i32
    %ge3A_451 = vector.broadcast %ge3A_450 : i32 to vector<16xi32>
    %ge3A_452 = arith.cmpi sge, %iota3A, %ge3A_451 : vector<16xi32>
    %jit3A_453 = arith.constant 0.000000e+00 : f32
    %broadcast_in_dim3A_454 = vector.broadcast %jit3A_453 : f32 to vector<16xf32>
    %select_n3A_455 = arith.select %ge3A_452, %get3A_449, %broadcast_in_dim3A_454 : vector<16xi1>, vector<16xf32>
    %reduce_sum3A_456 = arith.constant true
    %reduce_sum3A_457 = vector.broadcast %reduce_sum3A_456 : i1 to vector<16xi1>
    %reduce_sum3A_458 = tpu.scan <sum>, %get3A_445 masked %reduce_sum3A_457 : vector<16xf32>, vector<16xi1> -> vector<16xf32>
    %reduce_sum3A_459 = vector.extract %reduce_sum3A_458[15] : f32 from vector<16xf32>
    %reduce_sum3A_460 = arith.constant true
    %reduce_sum3A_461 = vector.broadcast %reduce_sum3A_460 : i1 to vector<16xi1>
    %reduce_sum3A_462 = tpu.scan <sum>, %select_n3A_455 masked %reduce_sum3A_461 : vector<16xf32>, vector<16xi1> -> vector<16xf32>
    %reduce_sum3A_463 = vector.extract %reduce_sum3A_462[15] : f32 from vector<16xf32>
    %add3A_464 = arith.addf %reduce_sum3A_459, %reduce_sum3A_463 : f32
    %get3A_465 = arith.constant 6 : i32
    %get3A_466 = arith.index_cast %get3A_465 : i32 to index
    %get3A_467 = arith.constant 0 : index
    %get3A_468 = tpu.vector_load %arg7[%get3A_466, %get3A_467] {strides = array<i32>} : memref<10x20xf32, #tpu.memory_space<vmem>>, vector<16xf32>,
    %get3A_469 = arith.constant 6 : i32
    %get3A_470 = arith.index_cast %get3A_469 : i32 to index
    %get3A_471 = arith.constant 4 : index
    %get3A_472 = tpu.vector_load %arg7[%get3A_470, %get3A_471] {strides = array<i32>} : memref<10x20xf32, #tpu.memory_space<vmem>>, vector<16xf32>,
    %ge3A_473 = arith.constant 12 : i32
    %ge3A_474 = vector.broadcast %ge3A_473 : i32 to vector<16xi32>
    %ge3A_475 = arith.cmpi sge, %iota3A, %ge3A_474 : vector<16xi32>
    %jit3A_476 = arith.constant 0.000000e+00 : f32
    %broadcast_in_dim3A_477 = vector.broadcast %jit3A_476 : f32 to vector<16xf32>
    %select_n3A_478 = arith.select %ge3A_475, %get3A_472, %broadcast_in_dim3A_477 : vector<16xi1>, vector<16xf32>
    %reduce_sum3A_479 = arith.constant true
    %reduce_sum3A_480 = vector.broadcast %reduce_sum3A_479 : i1 to vector<16xi1>
    %reduce_sum3A_481 = tpu.scan <sum>, %get3A_468 masked %reduce_sum3A_480 : vector<16xf32>, vector<16xi1> -> vector<16xf32>
    %reduce_sum3A_482 = vector.extract %reduce_sum3A_481[15] : f32 from vector<16xf32>
    %reduce_sum3A_483 = arith.constant true
    %reduce_sum3A_484 = vector.broadcast %reduce_sum3A_483 : i1 to vector<16xi1>
    %reduce_sum3A_485 = tpu.scan <sum>, %select_n3A_478 masked %reduce_sum3A_484 : vector<16xf32>, vector<16xi1> -> vector<16xf32>
    %reduce_sum3A_486 = vector.extract %reduce_sum3A_485[15] : f32 from vector<16xf32>
    %add3A_487 = arith.addf %reduce_sum3A_482, %reduce_sum3A_486 : f32
    %get3A_488 = arith.constant 7 : i32
    %get3A_489 = arith.index_cast %get3A_488 : i32 to index
    %get3A_490 = arith.constant 0 : index
    %get3A_491 = tpu.vector_load %arg7[%get3A_489, %get3A_490] {strides = array<i32>} : memref<10x20xf32, #tpu.memory_space<vmem>>, vector<16xf32>,
    %get3A_492 = arith.constant 7 : i32
    %get3A_493 = arith.index_cast %get3A_492 : i32 to index
    %get3A_494 = arith.constant 4 : index
    %get3A_495 = tpu.vector_load %arg7[%get3A_493, %get3A_494] {strides = array<i32>} : memref<10x20xf32, #tpu.memory_space<vmem>>, vector<16xf32>,
    %ge3A_496 = arith.constant 12 : i32
    %ge3A_497 = vector.broadcast %ge3A_496 : i32 to vector<16xi32>
    %ge3A_498 = arith.cmpi sge, %iota3A, %ge3A_497 : vector<16xi32>
    %jit3A_499 = arith.constant 0.000000e+00 : f32
    %broadcast_in_dim3A_500 = vector.broadcast %jit3A_499 : f32 to vector<16xf32>
    %select_n3A_501 = arith.select %ge3A_498, %get3A_495, %broadcast_in_dim3A_500 : vector<16xi1>, vector<16xf32>
    %reduce_sum3A_502 = arith.constant true
    %reduce_sum3A_503 = vector.broadcast %reduce_sum3A_502 : i1 to vector<16xi1>
    %reduce_sum3A_504 = tpu.scan <sum>, %get3A_491 masked %reduce_sum3A_503 : vector<16xf32>, vector<16xi1> -> vector<16xf32>
    %reduce_sum3A_505 = vector.extract %reduce_sum3A_504[15] : f32 from vector<16xf32>
    %reduce_sum3A_506 = arith.constant true
    %reduce_sum3A_507 = vector.broadcast %reduce_sum3A_506 : i1 to vector<16xi1>
    %reduce_sum3A_508 = tpu.scan <sum>, %select_n3A_501 masked %reduce_sum3A_507 : vector<16xf32>, vector<16xi1> -> vector<16xf32>
    %reduce_sum3A_509 = vector.extract %reduce_sum3A_508[15] : f32 from vector<16xf32>
    %add3A_510 = arith.addf %reduce_sum3A_505, %reduce_sum3A_509 : f32
    %get3A_511 = arith.constant 8 : i32
    %get3A_512 = arith.index_cast %get3A_511 : i32 to index
    %get3A_513 = arith.constant 0 : index
    %get3A_514 = tpu.vector_load %arg7[%get3A_512, %get3A_513] {strides = array<i32>} : memref<10x20xf32, #tpu.memory_space<vmem>>, vector<16xf32>,
    %get3A_515 = arith.constant 8 : i32
    %get3A_516 = arith.index_cast %get3A_515 : i32 to index
    %get3A_517 = arith.constant 4 : index
    %get3A_518 = tpu.vector_load %arg7[%get3A_516, %get3A_517] {strides = array<i32>} : memref<10x20xf32, #tpu.memory_space<vmem>>, vector<16xf32>,
    %ge3A_519 = arith.constant 12 : i32
    %ge3A_520 = vector.broadcast %ge3A_519 : i32 to vector<16xi32>
    %ge3A_521 = arith.cmpi sge, %iota3A, %ge3A_520 : vector<16xi32>
    %jit3A_522 = arith.constant 0.000000e+00 : f32
    %broadcast_in_dim3A_523 = vector.broadcast %jit3A_522 : f32 to vector<16xf32>
    %select_n3A_524 = arith.select %ge3A_521, %get3A_518, %broadcast_in_dim3A_523 : vector<16xi1>, vector<16xf32>
    %reduce_sum3A_525 = arith.constant true
    %reduce_sum3A_526 = vector.broadcast %reduce_sum3A_525 : i1 to vector<16xi1>
    %reduce_sum3A_527 = tpu.scan <sum>, %get3A_514 masked %reduce_sum3A_526 : vector<16xf32>, vector<16xi1> -> vector<16xf32>
    %reduce_sum3A_528 = vector.extract %reduce_sum3A_527[15] : f32 from vector<16xf32>
    %reduce_sum3A_529 = arith.constant true
    %reduce_sum3A_530 = vector.broadcast %reduce_sum3A_529 : i1 to vector<16xi1>
    %reduce_sum3A_531 = tpu.scan <sum>, %select_n3A_524 masked %reduce_sum3A_530 : vector<16xf32>, vector<16xi1> -> vector<16xf32>
    %reduce_sum3A_532 = vector.extract %reduce_sum3A_531[15] : f32 from vector<16xf32>
    %add3A_533 = arith.addf %reduce_sum3A_528, %reduce_sum3A_532 : f32
    %get3A_534 = arith.constant 9 : i32
    %get3A_535 = arith.index_cast %get3A_534 : i32 to index
    %get3A_536 = arith.constant 0 : index
    %get3A_537 = tpu.vector_load %arg7[%get3A_535, %get3A_536] {strides = array<i32>} : memref<10x20xf32, #tpu.memory_space<vmem>>, vector<16xf32>,
    %get3A_538 = arith.constant 9 : i32
    %get3A_539 = arith.index_cast %get3A_538 : i32 to index
    %get3A_540 = arith.constant 4 : index
    %get3A_541 = tpu.vector_load %arg7[%get3A_539, %get3A_540] {strides = array<i32>} : memref<10x20xf32, #tpu.memory_space<vmem>>, vector<16xf32>,
    %ge3A_542 = arith.constant 12 : i32
    %ge3A_543 = vector.broadcast %ge3A_542 : i32 to vector<16xi32>
    %ge3A_544 = arith.cmpi sge, %iota3A, %ge3A_543 : vector<16xi32>
    %jit3A_545 = arith.constant 0.000000e+00 : f32
    %broadcast_in_dim3A_546 = vector.broadcast %jit3A_545 : f32 to vector<16xf32>
    %select_n3A_547 = arith.select %ge3A_544, %get3A_541, %broadcast_in_dim3A_546 : vector<16xi1>, vector<16xf32>
    %reduce_sum3A_548 = arith.constant true
    %reduce_sum3A_549 = vector.broadcast %reduce_sum3A_548 : i1 to vector<16xi1>
    %reduce_sum3A_550 = tpu.scan <sum>, %get3A_537 masked %reduce_sum3A_549 : vector<16xf32>, vector<16xi1> -> vector<16xf32>
    %reduce_sum3A_551 = vector.extract %reduce_sum3A_550[15] : f32 from vector<16xf32>
    %reduce_sum3A_552 = arith.constant true
    %reduce_sum3A_553 = vector.broadcast %reduce_sum3A_552 : i1 to vector<16xi1>
    %reduce_sum3A_554 = tpu.scan <sum>, %select_n3A_547 masked %reduce_sum3A_553 : vector<16xf32>, vector<16xi1> -> vector<16xf32>
    %reduce_sum3A_555 = vector.extract %reduce_sum3A_554[15] : f32 from vector<16xf32>
    %add3A_556 = arith.addf %reduce_sum3A_551, %reduce_sum3A_555 : f32
    %broadcast_in_dim3A_557 = arith.constant 0.000000e+00 : f32
    %broadcast_in_dim3A_558 = vector.broadcast %broadcast_in_dim3A_557 : f32 to vector<16xf32>
    %broadcast_in_dim3A_559 = arith.constant 0.000000e+00 : f32
    %broadcast_in_dim3A_560 = vector.broadcast %broadcast_in_dim3A_559 : f32 to vector<16xf32>
    %broadcast_in_dim3A_561 = arith.constant 0.000000e+00 : f32
    %broadcast_in_dim3A_562 = vector.broadcast %broadcast_in_dim3A_561 : f32 to vector<16xf32>
    %broadcast_in_dim3A_563 = arith.constant 0.000000e+00 : f32
    %broadcast_in_dim3A_564 = vector.broadcast %broadcast_in_dim3A_563 : f32 to vector<16xf32>
    %get3A_565 = arith.constant 0 : index
    %get3A_566 = tpu.vector_load %arg9[%get3A_565] {strides = array<i32>} : memref<2048xf32, #tpu.memory_space<vmem>>, vector<16xf32>,
    %mul3A_567 = vector.broadcast %add3A_349 : f32 to vector<16xf32>
    %mul3A_568 = arith.mulf %get3A_566, %mul3A_567 : vector<16xf32>
    %add3A_569 = arith.addf %broadcast_in_dim3A_558, %mul3A_568 : vector<16xf32>
    %get3A_570 = arith.constant 16 : index
    %get3A_571 = tpu.vector_load %arg9[%get3A_570] {strides = array<i32>} : memref<2048xf32, #tpu.memory_space<vmem>>, vector<16xf32>,
    %mul3A_572 = vector.broadcast %add3A_372 : f32 to vector<16xf32>
    %mul3A_573 = arith.mulf %get3A_571, %mul3A_572 : vector<16xf32>
    %add3A_574 = arith.addf %broadcast_in_dim3A_560, %mul3A_573 : vector<16xf32>
    %get3A_575 = arith.constant 32 : index
    %get3A_576 = tpu.vector_load %arg9[%get3A_575] {strides = array<i32>} : memref<2048xf32, #tpu.memory_space<vmem>>, vector<16xf32>,
    %mul3A_577 = vector.broadcast %add3A_395 : f32 to vector<16xf32>
    %mul3A_578 = arith.mulf %get3A_576, %mul3A_577 : vector<16xf32>
    %add3A_579 = arith.addf %broadcast_in_dim3A_562, %mul3A_578 : vector<16xf32>
    %get3A_580 = arith.constant 48 : index
    %get3A_581 = tpu.vector_load %arg9[%get3A_580] {strides = array<i32>} : memref<2048xf32, #tpu.memory_space<vmem>>, vector<16xf32>,
    %mul3A_582 = vector.broadcast %add3A_418 : f32 to vector<16xf32>
    %mul3A_583 = arith.mulf %get3A_581, %mul3A_582 : vector<16xf32>
    %add3A_584 = arith.addf %broadcast_in_dim3A_564, %mul3A_583 : vector<16xf32>
    %get3A_585 = arith.constant 64 : index
    %get3A_586 = tpu.vector_load %arg9[%get3A_585] {strides = array<i32>} : memref<2048xf32, #tpu.memory_space<vmem>>, vector<16xf32>,
    %mul3A_587 = vector.broadcast %add3A_441 : f32 to vector<16xf32>
    %mul3A_588 = arith.mulf %get3A_586, %mul3A_587 : vector<16xf32>
    %add3A_589 = arith.addf %add3A_569, %mul3A_588 : vector<16xf32>
    %get3A_590 = arith.constant 80 : index
    %get3A_591 = tpu.vector_load %arg9[%get3A_590] {strides = array<i32>} : memref<2048xf32, #tpu.memory_space<vmem>>, vector<16xf32>,
    %mul3A_592 = vector.broadcast %add3A_464 : f32 to vector<16xf32>
    %mul3A_593 = arith.mulf %get3A_591, %mul3A_592 : vector<16xf32>
    %add3A_594 = arith.addf %add3A_574, %mul3A_593 : vector<16xf32>
    %get3A_595 = arith.constant 96 : index
    %get3A_596 = tpu.vector_load %arg9[%get3A_595] {strides = array<i32>} : memref<2048xf32, #tpu.memory_space<vmem>>, vector<16xf32>,
    %mul3A_597 = vector.broadcast %add3A_487 : f32 to vector<16xf32>
    %mul3A_598 = arith.mulf %get3A_596, %mul3A_597 : vector<16xf32>
    %add3A_599 = arith.addf %add3A_579, %mul3A_598 : vector<16xf32>
    %get3A_600 = arith.constant 112 : index
    %get3A_601 = tpu.vector_load %arg9[%get3A_600] {strides = array<i32>} : memref<2048xf32, #tpu.memory_space<vmem>>, vector<16xf32>,
    %mul3A_602 = vector.broadcast %add3A_510 : f32 to vector<16xf32>
    %mul3A_603 = arith.mulf %get3A_601, %mul3A_602 : vector<16xf32>
    %add3A_604 = arith.addf %add3A_584, %mul3A_603 : vector<16xf32>
    %get3A_605 = arith.constant 128 : index
    %get3A_606 = tpu.vector_load %arg9[%get3A_605] {strides = array<i32>} : memref<2048xf32, #tpu.memory_space<vmem>>, vector<16xf32>,
    %mul3A_607 = vector.broadcast %add3A_533 : f32 to vector<16xf32>
    %mul3A_608 = arith.mulf %get3A_606, %mul3A_607 : vector<16xf32>
    %add3A_609 = arith.addf %add3A_589, %mul3A_608 : vector<16xf32>
    %get3A_610 = arith.constant 144 : index
    %get3A_611 = tpu.vector_load %arg9[%get3A_610] {strides = array<i32>} : memref<2048xf32, #tpu.memory_space<vmem>>, vector<16xf32>,
    %mul3A_612 = vector.broadcast %add3A_556 : f32 to vector<16xf32>
    %mul3A_613 = arith.mulf %get3A_611, %mul3A_612 : vector<16xf32>
    %add3A_614 = arith.addf %add3A_594, %mul3A_613 : vector<16xf32>
    %get3A_615 = arith.constant 256 : index
    %get3A_616 = tpu.vector_load %arg9[%get3A_615] {strides = array<i32>} : memref<2048xf32, #tpu.memory_space<vmem>>, vector<16xf32>,
    %mul3A_617 = vector.broadcast %add3A_349 : f32 to vector<16xf32>
    %mul3A_618 = arith.mulf %get3A_616, %mul3A_617 : vector<16xf32>
    %add3A_619 = arith.addf %add3A_599, %mul3A_618 : vector<16xf32>
    %get3A_620 = arith.constant 272 : index
    %get3A_621 = tpu.vector_load %arg9[%get3A_620] {strides = array<i32>} : memref<2048xf32, #tpu.memory_space<vmem>>, vector<16xf32>,
    %mul3A_622 = vector.broadcast %add3A_372 : f32 to vector<16xf32>
    %mul3A_623 = arith.mulf %get3A_621, %mul3A_622 : vector<16xf32>
    %add3A_624 = arith.addf %add3A_604, %mul3A_623 : vector<16xf32>
    %get3A_625 = arith.constant 288 : index
    %get3A_626 = tpu.vector_load %arg9[%get3A_625] {strides = array<i32>} : memref<2048xf32, #tpu.memory_space<vmem>>, vector<16xf32>,
    %mul3A_627 = vector.broadcast %add3A_395 : f32 to vector<16xf32>
    %mul3A_628 = arith.mulf %get3A_626, %mul3A_627 : vector<16xf32>
    %add3A_629 = arith.addf %add3A_609, %mul3A_628 : vector<16xf32>
    %get3A_630 = arith.constant 304 : index
    %get3A_631 = tpu.vector_load %arg9[%get3A_630] {strides = array<i32>} : memref<2048xf32, #tpu.memory_space<vmem>>, vector<16xf32>,
    %mul3A_632 = vector.broadcast %add3A_418 : f32 to vector<16xf32>
    %mul3A_633 = arith.mulf %get3A_631, %mul3A_632 : vector<16xf32>
    %add3A_634 = arith.addf %add3A_614, %mul3A_633 : vector<16xf32>
    %get3A_635 = arith.constant 320 : index
    %get3A_636 = tpu.vector_load %arg9[%get3A_635] {strides = array<i32>} : memref<2048xf32, #tpu.memory_space<vmem>>, vector<16xf32>,
    %mul3A_637 = vector.broadcast %add3A_441 : f32 to vector<16xf32>
    %mul3A_638 = arith.mulf %get3A_636, %mul3A_637 : vector<16xf32>
    %add3A_639 = arith.addf %add3A_619, %mul3A_638 : vector<16xf32>
    %get3A_640 = arith.constant 336 : index
    %get3A_641 = tpu.vector_load %arg9[%get3A_640] {strides = array<i32>} : memref<2048xf32, #tpu.memory_space<vmem>>, vector<16xf32>,
    %mul3A_642 = vector.broadcast %add3A_464 : f32 to vector<16xf32>
    %mul3A_643 = arith.mulf %get3A_641, %mul3A_642 : vector<16xf32>
    %add3A_644 = arith.addf %add3A_624, %mul3A_643 : vector<16xf32>
    %get3A_645 = arith.constant 352 : index
    %get3A_646 = tpu.vector_load %arg9[%get3A_645] {strides = array<i32>} : memref<2048xf32, #tpu.memory_space<vmem>>, vector<16xf32>,
    %mul3A_647 = vector.broadcast %add3A_487 : f32 to vector<16xf32>
    %mul3A_648 = arith.mulf %get3A_646, %mul3A_647 : vector<16xf32>
    %add3A_649 = arith.addf %add3A_629, %mul3A_648 : vector<16xf32>
    %get3A_650 = arith.constant 368 : index
    %get3A_651 = tpu.vector_load %arg9[%get3A_650] {strides = array<i32>} : memref<2048xf32, #tpu.memory_space<vmem>>, vector<16xf32>,
    %mul3A_652 = vector.broadcast %add3A_510 : f32 to vector<16xf32>
    %mul3A_653 = arith.mulf %get3A_651, %mul3A_652 : vector<16xf32>
    %add3A_654 = arith.addf %add3A_634, %mul3A_653 : vector<16xf32>
    %get3A_655 = arith.constant 384 : index
    %get3A_656 = tpu.vector_load %arg9[%get3A_655] {strides = array<i32>} : memref<2048xf32, #tpu.memory_space<vmem>>, vector<16xf32>,
    %mul3A_657 = vector.broadcast %add3A_533 : f32 to vector<16xf32>
    %mul3A_658 = arith.mulf %get3A_656, %mul3A_657 : vector<16xf32>
    %add3A_659 = arith.addf %add3A_639, %mul3A_658 : vector<16xf32>
    %get3A_660 = arith.constant 400 : index
    %get3A_661 = tpu.vector_load %arg9[%get3A_660] {strides = array<i32>} : memref<2048xf32, #tpu.memory_space<vmem>>, vector<16xf32>,
    %mul3A_662 = vector.broadcast %add3A_556 : f32 to vector<16xf32>
    %mul3A_663 = arith.mulf %get3A_661, %mul3A_662 : vector<16xf32>
    %add3A_664 = arith.addf %add3A_644, %mul3A_663 : vector<16xf32>
    %get3A_665 = arith.constant 512 : index
    %get3A_666 = tpu.vector_load %arg9[%get3A_665] {strides = array<i32>} : memref<2048xf32, #tpu.memory_space<vmem>>, vector<16xf32>,
    %mul3A_667 = vector.broadcast %add3A_349 : f32 to vector<16xf32>
    %mul3A_668 = arith.mulf %get3A_666, %mul3A_667 : vector<16xf32>
    %add3A_669 = arith.addf %add3A_649, %mul3A_668 : vector<16xf32>
    %get3A_670 = arith.constant 528 : index
    %get3A_671 = tpu.vector_load %arg9[%get3A_670] {strides = array<i32>} : memref<2048xf32, #tpu.memory_space<vmem>>, vector<16xf32>,
    %mul3A_672 = vector.broadcast %add3A_372 : f32 to vector<16xf32>
    %mul3A_673 = arith.mulf %get3A_671, %mul3A_672 : vector<16xf32>
    %add3A_674 = arith.addf %add3A_654, %mul3A_673 : vector<16xf32>
    %get3A_675 = arith.constant 544 : index
    %get3A_676 = tpu.vector_load %arg9[%get3A_675] {strides = array<i32>} : memref<2048xf32, #tpu.memory_space<vmem>>, vector<16xf32>,
    %mul3A_677 = vector.broadcast %add3A_395 : f32 to vector<16xf32>
    %mul3A_678 = arith.mulf %get3A_676, %mul3A_677 : vector<16xf32>
    %add3A_679 = arith.addf %add3A_659, %mul3A_678 : vector<16xf32>
    %get3A_680 = arith.constant 560 : index
    %get3A_681 = tpu.vector_load %arg9[%get3A_680] {strides = array<i32>} : memref<2048xf32, #tpu.memory_space<vmem>>, vector<16xf32>,
    %mul3A_682 = vector.broadcast %add3A_418 : f32 to vector<16xf32>
    %mul3A_683 = arith.mulf %get3A_681, %mul3A_682 : vector<16xf32>
    %add3A_684 = arith.addf %add3A_664, %mul3A_683 : vector<16xf32>
    %get3A_685 = arith.constant 576 : index
    %get3A_686 = tpu.vector_load %arg9[%get3A_685] {strides = array<i32>} : memref<2048xf32, #tpu.memory_space<vmem>>, vector<16xf32>,
    %mul3A_687 = vector.broadcast %add3A_441 : f32 to vector<16xf32>
    %mul3A_688 = arith.mulf %get3A_686, %mul3A_687 : vector<16xf32>
    %add3A_689 = arith.addf %add3A_669, %mul3A_688 : vector<16xf32>
    %get3A_690 = arith.constant 592 : index
    %get3A_691 = tpu.vector_load %arg9[%get3A_690] {strides = array<i32>} : memref<2048xf32, #tpu.memory_space<vmem>>, vector<16xf32>,
    %mul3A_692 = vector.broadcast %add3A_464 : f32 to vector<16xf32>
    %mul3A_693 = arith.mulf %get3A_691, %mul3A_692 : vector<16xf32>
    %add3A_694 = arith.addf %add3A_674, %mul3A_693 : vector<16xf32>
    %get3A_695 = arith.constant 608 : index
    %get3A_696 = tpu.vector_load %arg9[%get3A_695] {strides = array<i32>} : memref<2048xf32, #tpu.memory_space<vmem>>, vector<16xf32>,
    %mul3A_697 = vector.broadcast %add3A_487 : f32 to vector<16xf32>
    %mul3A_698 = arith.mulf %get3A_696, %mul3A_697 : vector<16xf32>
    %add3A_699 = arith.addf %add3A_679, %mul3A_698 : vector<16xf32>
    %get3A_700 = arith.constant 624 : index
    %get3A_701 = tpu.vector_load %arg9[%get3A_700] {strides = array<i32>} : memref<2048xf32, #tpu.memory_space<vmem>>, vector<16xf32>,
    %mul3A_702 = vector.broadcast %add3A_510 : f32 to vector<16xf32>
    %mul3A_703 = arith.mulf %get3A_701, %mul3A_702 : vector<16xf32>
    %add3A_704 = arith.addf %add3A_684, %mul3A_703 : vector<16xf32>
    %get3A_705 = arith.constant 640 : index
    %get3A_706 = tpu.vector_load %arg9[%get3A_705] {strides = array<i32>} : memref<2048xf32, #tpu.memory_space<vmem>>, vector<16xf32>,
    %mul3A_707 = vector.broadcast %add3A_533 : f32 to vector<16xf32>
    %mul3A_708 = arith.mulf %get3A_706, %mul3A_707 : vector<16xf32>
    %add3A_709 = arith.addf %add3A_689, %mul3A_708 : vector<16xf32>
    %get3A_710 = arith.constant 656 : index
    %get3A_711 = tpu.vector_load %arg9[%get3A_710] {strides = array<i32>} : memref<2048xf32, #tpu.memory_space<vmem>>, vector<16xf32>,
    %mul3A_712 = vector.broadcast %add3A_556 : f32 to vector<16xf32>
    %mul3A_713 = arith.mulf %get3A_711, %mul3A_712 : vector<16xf32>
    %add3A_714 = arith.addf %add3A_694, %mul3A_713 : vector<16xf32>
    %get3A_715 = arith.constant 768 : index
    %get3A_716 = tpu.vector_load %arg9[%get3A_715] {strides = array<i32>} : memref<2048xf32, #tpu.memory_space<vmem>>, vector<16xf32>,
    %mul3A_717 = vector.broadcast %add3A_349 : f32 to vector<16xf32>
    %mul3A_718 = arith.mulf %get3A_716, %mul3A_717 : vector<16xf32>
    %add3A_719 = arith.addf %add3A_699, %mul3A_718 : vector<16xf32>
    %get3A_720 = arith.constant 784 : index
    %get3A_721 = tpu.vector_load %arg9[%get3A_720] {strides = array<i32>} : memref<2048xf32, #tpu.memory_space<vmem>>, vector<16xf32>,
    %mul3A_722 = vector.broadcast %add3A_372 : f32 to vector<16xf32>
    %mul3A_723 = arith.mulf %get3A_721, %mul3A_722 : vector<16xf32>
    %add3A_724 = arith.addf %add3A_704, %mul3A_723 : vector<16xf32>
    %get3A_725 = arith.constant 800 : index
    %get3A_726 = tpu.vector_load %arg9[%get3A_725] {strides = array<i32>} : memref<2048xf32, #tpu.memory_space<vmem>>, vector<16xf32>,
    %mul3A_727 = vector.broadcast %add3A_395 : f32 to vector<16xf32>
    %mul3A_728 = arith.mulf %get3A_726, %mul3A_727 : vector<16xf32>
    %add3A_729 = arith.addf %add3A_709, %mul3A_728 : vector<16xf32>
    %get3A_730 = arith.constant 816 : index
    %get3A_731 = tpu.vector_load %arg9[%get3A_730] {strides = array<i32>} : memref<2048xf32, #tpu.memory_space<vmem>>, vector<16xf32>,
    %mul3A_732 = vector.broadcast %add3A_418 : f32 to vector<16xf32>
    %mul3A_733 = arith.mulf %get3A_731, %mul3A_732 : vector<16xf32>
    %add3A_734 = arith.addf %add3A_714, %mul3A_733 : vector<16xf32>
    %get3A_735 = arith.constant 832 : index
    %get3A_736 = tpu.vector_load %arg9[%get3A_735] {strides = array<i32>} : memref<2048xf32, #tpu.memory_space<vmem>>, vector<16xf32>,
    %mul3A_737 = vector.broadcast %add3A_441 : f32 to vector<16xf32>
    %mul3A_738 = arith.mulf %get3A_736, %mul3A_737 : vector<16xf32>
    %add3A_739 = arith.addf %add3A_719, %mul3A_738 : vector<16xf32>
    %get3A_740 = arith.constant 848 : index
    %get3A_741 = tpu.vector_load %arg9[%get3A_740] {strides = array<i32>} : memref<2048xf32, #tpu.memory_space<vmem>>, vector<16xf32>,
    %mul3A_742 = vector.broadcast %add3A_464 : f32 to vector<16xf32>
    %mul3A_743 = arith.mulf %get3A_741, %mul3A_742 : vector<16xf32>
    %add3A_744 = arith.addf %add3A_724, %mul3A_743 : vector<16xf32>
    %get3A_745 = arith.constant 864 : index
    %get3A_746 = tpu.vector_load %arg9[%get3A_745] {strides = array<i32>} : memref<2048xf32, #tpu.memory_space<vmem>>, vector<16xf32>,
    %mul3A_747 = vector.broadcast %add3A_487 : f32 to vector<16xf32>
    %mul3A_748 = arith.mulf %get3A_746, %mul3A_747 : vector<16xf32>
    %add3A_749 = arith.addf %add3A_729, %mul3A_748 : vector<16xf32>
    %get3A_750 = arith.constant 880 : index
    %get3A_751 = tpu.vector_load %arg9[%get3A_750] {strides = array<i32>} : memref<2048xf32, #tpu.memory_space<vmem>>, vector<16xf32>,
    %mul3A_752 = vector.broadcast %add3A_510 : f32 to vector<16xf32>
    %mul3A_753 = arith.mulf %get3A_751, %mul3A_752 : vector<16xf32>
    %add3A_754 = arith.addf %add3A_734, %mul3A_753 : vector<16xf32>
    %get3A_755 = arith.constant 896 : index
    %get3A_756 = tpu.vector_load %arg9[%get3A_755] {strides = array<i32>} : memref<2048xf32, #tpu.memory_space<vmem>>, vector<16xf32>,
    %mul3A_757 = vector.broadcast %add3A_533 : f32 to vector<16xf32>
    %mul3A_758 = arith.mulf %get3A_756, %mul3A_757 : vector<16xf32>
    %add3A_759 = arith.addf %add3A_739, %mul3A_758 : vector<16xf32>
    %get3A_760 = arith.constant 912 : index
    %get3A_761 = tpu.vector_load %arg9[%get3A_760] {strides = array<i32>} : memref<2048xf32, #tpu.memory_space<vmem>>, vector<16xf32>,
    %mul3A_762 = vector.broadcast %add3A_556 : f32 to vector<16xf32>
    %mul3A_763 = arith.mulf %get3A_761, %mul3A_762 : vector<16xf32>
    %add3A_764 = arith.addf %add3A_744, %mul3A_763 : vector<16xf32>
    %get3A_765 = arith.constant 1024 : index
    %get3A_766 = tpu.vector_load %arg9[%get3A_765] {strides = array<i32>} : memref<2048xf32, #tpu.memory_space<vmem>>, vector<16xf32>,
    %mul3A_767 = vector.broadcast %add3A_349 : f32 to vector<16xf32>
    %mul3A_768 = arith.mulf %get3A_766, %mul3A_767 : vector<16xf32>
    %add3A_769 = arith.addf %add3A_749, %mul3A_768 : vector<16xf32>
    %get3A_770 = arith.constant 1040 : index
    %get3A_771 = tpu.vector_load %arg9[%get3A_770] {strides = array<i32>} : memref<2048xf32, #tpu.memory_space<vmem>>, vector<16xf32>,
    %mul3A_772 = vector.broadcast %add3A_372 : f32 to vector<16xf32>
    %mul3A_773 = arith.mulf %get3A_771, %mul3A_772 : vector<16xf32>
    %add3A_774 = arith.addf %add3A_754, %mul3A_773 : vector<16xf32>
    %get3A_775 = arith.constant 1056 : index
    %get3A_776 = tpu.vector_load %arg9[%get3A_775] {strides = array<i32>} : memref<2048xf32, #tpu.memory_space<vmem>>, vector<16xf32>,
    %mul3A_777 = vector.broadcast %add3A_395 : f32 to vector<16xf32>
    %mul3A_778 = arith.mulf %get3A_776, %mul3A_777 : vector<16xf32>
    %add3A_779 = arith.addf %add3A_759, %mul3A_778 : vector<16xf32>
    %get3A_780 = arith.constant 1072 : index
    %get3A_781 = tpu.vector_load %arg9[%get3A_780] {strides = array<i32>} : memref<2048xf32, #tpu.memory_space<vmem>>, vector<16xf32>,
    %mul3A_782 = vector.broadcast %add3A_418 : f32 to vector<16xf32>
    %mul3A_783 = arith.mulf %get3A_781, %mul3A_782 : vector<16xf32>
    %add3A_784 = arith.addf %add3A_764, %mul3A_783 : vector<16xf32>
    %get3A_785 = arith.constant 1088 : index
    %get3A_786 = tpu.vector_load %arg9[%get3A_785] {strides = array<i32>} : memref<2048xf32, #tpu.memory_space<vmem>>, vector<16xf32>,
    %mul3A_787 = vector.broadcast %add3A_441 : f32 to vector<16xf32>
    %mul3A_788 = arith.mulf %get3A_786, %mul3A_787 : vector<16xf32>
    %add3A_789 = arith.addf %add3A_769, %mul3A_788 : vector<16xf32>
    %get3A_790 = arith.constant 1104 : index
    %get3A_791 = tpu.vector_load %arg9[%get3A_790] {strides = array<i32>} : memref<2048xf32, #tpu.memory_space<vmem>>, vector<16xf32>,
    %mul3A_792 = vector.broadcast %add3A_464 : f32 to vector<16xf32>
    %mul3A_793 = arith.mulf %get3A_791, %mul3A_792 : vector<16xf32>
    %add3A_794 = arith.addf %add3A_774, %mul3A_793 : vector<16xf32>
    %get3A_795 = arith.constant 1120 : index
    %get3A_796 = tpu.vector_load %arg9[%get3A_795] {strides = array<i32>} : memref<2048xf32, #tpu.memory_space<vmem>>, vector<16xf32>,
    %mul3A_797 = vector.broadcast %add3A_487 : f32 to vector<16xf32>
    %mul3A_798 = arith.mulf %get3A_796, %mul3A_797 : vector<16xf32>
    %add3A_799 = arith.addf %add3A_779, %mul3A_798 : vector<16xf32>
    %get3A_800 = arith.constant 1136 : index
    %get3A_801 = tpu.vector_load %arg9[%get3A_800] {strides = array<i32>} : memref<2048xf32, #tpu.memory_space<vmem>>, vector<16xf32>,
    %mul3A_802 = vector.broadcast %add3A_510 : f32 to vector<16xf32>
    %mul3A_803 = arith.mulf %get3A_801, %mul3A_802 : vector<16xf32>
    %add3A_804 = arith.addf %add3A_784, %mul3A_803 : vector<16xf32>
    %get3A_805 = arith.constant 1152 : index
    %get3A_806 = tpu.vector_load %arg9[%get3A_805] {strides = array<i32>} : memref<2048xf32, #tpu.memory_space<vmem>>, vector<16xf32>,
    %mul3A_807 = vector.broadcast %add3A_533 : f32 to vector<16xf32>
    %mul3A_808 = arith.mulf %get3A_806, %mul3A_807 : vector<16xf32>
    %add3A_809 = arith.addf %add3A_789, %mul3A_808 : vector<16xf32>
    %get3A_810 = arith.constant 1168 : index
    %get3A_811 = tpu.vector_load %arg9[%get3A_810] {strides = array<i32>} : memref<2048xf32, #tpu.memory_space<vmem>>, vector<16xf32>,
    %mul3A_812 = vector.broadcast %add3A_556 : f32 to vector<16xf32>
    %mul3A_813 = arith.mulf %get3A_811, %mul3A_812 : vector<16xf32>
    %add3A_814 = arith.addf %add3A_794, %mul3A_813 : vector<16xf32>
    %get3A_815 = arith.constant 1280 : index
    %get3A_816 = tpu.vector_load %arg9[%get3A_815] {strides = array<i32>} : memref<2048xf32, #tpu.memory_space<vmem>>, vector<16xf32>,
    %mul3A_817 = vector.broadcast %add3A_349 : f32 to vector<16xf32>
    %mul3A_818 = arith.mulf %get3A_816, %mul3A_817 : vector<16xf32>
    %add3A_819 = arith.addf %add3A_799, %mul3A_818 : vector<16xf32>
    %get3A_820 = arith.constant 1296 : index
    %get3A_821 = tpu.vector_load %arg9[%get3A_820] {strides = array<i32>} : memref<2048xf32, #tpu.memory_space<vmem>>, vector<16xf32>,
    %mul3A_822 = vector.broadcast %add3A_372 : f32 to vector<16xf32>
    %mul3A_823 = arith.mulf %get3A_821, %mul3A_822 : vector<16xf32>
    %add3A_824 = arith.addf %add3A_804, %mul3A_823 : vector<16xf32>
    %get3A_825 = arith.constant 1312 : index
    %get3A_826 = tpu.vector_load %arg9[%get3A_825] {strides = array<i32>} : memref<2048xf32, #tpu.memory_space<vmem>>, vector<16xf32>,
    %mul3A_827 = vector.broadcast %add3A_395 : f32 to vector<16xf32>
    %mul3A_828 = arith.mulf %get3A_826, %mul3A_827 : vector<16xf32>
    %add3A_829 = arith.addf %add3A_809, %mul3A_828 : vector<16xf32>
    %get3A_830 = arith.constant 1328 : index
    %get3A_831 = tpu.vector_load %arg9[%get3A_830] {strides = array<i32>} : memref<2048xf32, #tpu.memory_space<vmem>>, vector<16xf32>,
    %mul3A_832 = vector.broadcast %add3A_418 : f32 to vector<16xf32>
    %mul3A_833 = arith.mulf %get3A_831, %mul3A_832 : vector<16xf32>
    %add3A_834 = arith.addf %add3A_814, %mul3A_833 : vector<16xf32>
    %get3A_835 = arith.constant 1344 : index
    %get3A_836 = tpu.vector_load %arg9[%get3A_835] {strides = array<i32>} : memref<2048xf32, #tpu.memory_space<vmem>>, vector<16xf32>,
    %mul3A_837 = vector.broadcast %add3A_441 : f32 to vector<16xf32>
    %mul3A_838 = arith.mulf %get3A_836, %mul3A_837 : vector<16xf32>
    %add3A_839 = arith.addf %add3A_819, %mul3A_838 : vector<16xf32>
    %get3A_840 = arith.constant 1360 : index
    %get3A_841 = tpu.vector_load %arg9[%get3A_840] {strides = array<i32>} : memref<2048xf32, #tpu.memory_space<vmem>>, vector<16xf32>,
    %mul3A_842 = vector.broadcast %add3A_464 : f32 to vector<16xf32>
    %mul3A_843 = arith.mulf %get3A_841, %mul3A_842 : vector<16xf32>
    %add3A_844 = arith.addf %add3A_824, %mul3A_843 : vector<16xf32>
    %get3A_845 = arith.constant 1376 : index
    %get3A_846 = tpu.vector_load %arg9[%get3A_845] {strides = array<i32>} : memref<2048xf32, #tpu.memory_space<vmem>>, vector<16xf32>,
    %mul3A_847 = vector.broadcast %add3A_487 : f32 to vector<16xf32>
    %mul3A_848 = arith.mulf %get3A_846, %mul3A_847 : vector<16xf32>
    %add3A_849 = arith.addf %add3A_829, %mul3A_848 : vector<16xf32>
    %get3A_850 = arith.constant 1392 : index
    %get3A_851 = tpu.vector_load %arg9[%get3A_850] {strides = array<i32>} : memref<2048xf32, #tpu.memory_space<vmem>>, vector<16xf32>,
    %mul3A_852 = vector.broadcast %add3A_510 : f32 to vector<16xf32>
    %mul3A_853 = arith.mulf %get3A_851, %mul3A_852 : vector<16xf32>
    %add3A_854 = arith.addf %add3A_834, %mul3A_853 : vector<16xf32>
    %get3A_855 = arith.constant 1408 : index
    %get3A_856 = tpu.vector_load %arg9[%get3A_855] {strides = array<i32>} : memref<2048xf32, #tpu.memory_space<vmem>>, vector<16xf32>,
    %mul3A_857 = vector.broadcast %add3A_533 : f32 to vector<16xf32>
    %mul3A_858 = arith.mulf %get3A_856, %mul3A_857 : vector<16xf32>
    %add3A_859 = arith.addf %add3A_839, %mul3A_858 : vector<16xf32>
    %get3A_860 = arith.constant 1424 : index
    %get3A_861 = tpu.vector_load %arg9[%get3A_860] {strides = array<i32>} : memref<2048xf32, #tpu.memory_space<vmem>>, vector<16xf32>,
    %mul3A_862 = vector.broadcast %add3A_556 : f32 to vector<16xf32>
    %mul3A_863 = arith.mulf %get3A_861, %mul3A_862 : vector<16xf32>
    %add3A_864 = arith.addf %add3A_844, %mul3A_863 : vector<16xf32>
    %get3A_865 = arith.constant 1536 : index
    %get3A_866 = tpu.vector_load %arg9[%get3A_865] {strides = array<i32>} : memref<2048xf32, #tpu.memory_space<vmem>>, vector<16xf32>,
    %mul3A_867 = vector.broadcast %add3A_349 : f32 to vector<16xf32>
    %mul3A_868 = arith.mulf %get3A_866, %mul3A_867 : vector<16xf32>
    %add3A_869 = arith.addf %add3A_849, %mul3A_868 : vector<16xf32>
    %get3A_870 = arith.constant 1552 : index
    %get3A_871 = tpu.vector_load %arg9[%get3A_870] {strides = array<i32>} : memref<2048xf32, #tpu.memory_space<vmem>>, vector<16xf32>,
    %mul3A_872 = vector.broadcast %add3A_372 : f32 to vector<16xf32>
    %mul3A_873 = arith.mulf %get3A_871, %mul3A_872 : vector<16xf32>
    %add3A_874 = arith.addf %add3A_854, %mul3A_873 : vector<16xf32>
    %get3A_875 = arith.constant 1568 : index
    %get3A_876 = tpu.vector_load %arg9[%get3A_875] {strides = array<i32>} : memref<2048xf32, #tpu.memory_space<vmem>>, vector<16xf32>,
    %mul3A_877 = vector.broadcast %add3A_395 : f32 to vector<16xf32>
    %mul3A_878 = arith.mulf %get3A_876, %mul3A_877 : vector<16xf32>
    %add3A_879 = arith.addf %add3A_859, %mul3A_878 : vector<16xf32>
    %get3A_880 = arith.constant 1584 : index
    %get3A_881 = tpu.vector_load %arg9[%get3A_880] {strides = array<i32>} : memref<2048xf32, #tpu.memory_space<vmem>>, vector<16xf32>,
    %mul3A_882 = vector.broadcast %add3A_418 : f32 to vector<16xf32>
    %mul3A_883 = arith.mulf %get3A_881, %mul3A_882 : vector<16xf32>
    %add3A_884 = arith.addf %add3A_864, %mul3A_883 : vector<16xf32>
    %get3A_885 = arith.constant 1600 : index
    %get3A_886 = tpu.vector_load %arg9[%get3A_885] {strides = array<i32>} : memref<2048xf32, #tpu.memory_space<vmem>>, vector<16xf32>,
    %mul3A_887 = vector.broadcast %add3A_441 : f32 to vector<16xf32>
    %mul3A_888 = arith.mulf %get3A_886, %mul3A_887 : vector<16xf32>
    %add3A_889 = arith.addf %add3A_869, %mul3A_888 : vector<16xf32>
    %get3A_890 = arith.constant 1616 : index
    %get3A_891 = tpu.vector_load %arg9[%get3A_890] {strides = array<i32>} : memref<2048xf32, #tpu.memory_space<vmem>>, vector<16xf32>,
    %mul3A_892 = vector.broadcast %add3A_464 : f32 to vector<16xf32>
    %mul3A_893 = arith.mulf %get3A_891, %mul3A_892 : vector<16xf32>
    %add3A_894 = arith.addf %add3A_874, %mul3A_893 : vector<16xf32>
    %get3A_895 = arith.constant 1632 : index
    %get3A_896 = tpu.vector_load %arg9[%get3A_895] {strides = array<i32>} : memref<2048xf32, #tpu.memory_space<vmem>>, vector<16xf32>,
    %mul3A_897 = vector.broadcast %add3A_487 : f32 to vector<16xf32>
    %mul3A_898 = arith.mulf %get3A_896, %mul3A_897 : vector<16xf32>
    %add3A_899 = arith.addf %add3A_879, %mul3A_898 : vector<16xf32>
    %get3A_900 = arith.constant 1648 : index
    %get3A_901 = tpu.vector_load %arg9[%get3A_900] {strides = array<i32>} : memref<2048xf32, #tpu.memory_space<vmem>>, vector<16xf32>,
    %mul3A_902 = vector.broadcast %add3A_510 : f32 to vector<16xf32>
    %mul3A_903 = arith.mulf %get3A_901, %mul3A_902 : vector<16xf32>
    %add3A_904 = arith.addf %add3A_884, %mul3A_903 : vector<16xf32>
    %get3A_905 = arith.constant 1664 : index
    %get3A_906 = tpu.vector_load %arg9[%get3A_905] {strides = array<i32>} : memref<2048xf32, #tpu.memory_space<vmem>>, vector<16xf32>,
    %mul3A_907 = vector.broadcast %add3A_533 : f32 to vector<16xf32>
    %mul3A_908 = arith.mulf %get3A_906, %mul3A_907 : vector<16xf32>
    %add3A_909 = arith.addf %add3A_889, %mul3A_908 : vector<16xf32>
    %get3A_910 = arith.constant 1680 : index
    %get3A_911 = tpu.vector_load %arg9[%get3A_910] {strides = array<i32>} : memref<2048xf32, #tpu.memory_space<vmem>>, vector<16xf32>,
    %mul3A_912 = vector.broadcast %add3A_556 : f32 to vector<16xf32>
    %mul3A_913 = arith.mulf %get3A_911, %mul3A_912 : vector<16xf32>
    %add3A_914 = arith.addf %add3A_894, %mul3A_913 : vector<16xf32>
    %get3A_915 = arith.constant 1792 : index
    %get3A_916 = tpu.vector_load %arg9[%get3A_915] {strides = array<i32>} : memref<2048xf32, #tpu.memory_space<vmem>>, vector<16xf32>,
    %mul3A_917 = vector.broadcast %add3A_349 : f32 to vector<16xf32>
    %mul3A_918 = arith.mulf %get3A_916, %mul3A_917 : vector<16xf32>
    %add3A_919 = arith.addf %add3A_899, %mul3A_918 : vector<16xf32>
    %get3A_920 = arith.constant 1808 : index
    %get3A_921 = tpu.vector_load %arg9[%get3A_920] {strides = array<i32>} : memref<2048xf32, #tpu.memory_space<vmem>>, vector<16xf32>,
    %mul3A_922 = vector.broadcast %add3A_372 : f32 to vector<16xf32>
    %mul3A_923 = arith.mulf %get3A_921, %mul3A_922 : vector<16xf32>
    %add3A_924 = arith.addf %add3A_904, %mul3A_923 : vector<16xf32>
    %get3A_925 = arith.constant 1824 : index
    %get3A_926 = tpu.vector_load %arg9[%get3A_925] {strides = array<i32>} : memref<2048xf32, #tpu.memory_space<vmem>>, vector<16xf32>,
    %mul3A_927 = vector.broadcast %add3A_395 : f32 to vector<16xf32>
    %mul3A_928 = arith.mulf %get3A_926, %mul3A_927 : vector<16xf32>
    %add3A_929 = arith.addf %add3A_909, %mul3A_928 : vector<16xf32>
    %get3A_930 = arith.constant 1840 : index
    %get3A_931 = tpu.vector_load %arg9[%get3A_930] {strides = array<i32>} : memref<2048xf32, #tpu.memory_space<vmem>>, vector<16xf32>,
    %mul3A_932 = vector.broadcast %add3A_418 : f32 to vector<16xf32>
    %mul3A_933 = arith.mulf %get3A_931, %mul3A_932 : vector<16xf32>
    %add3A_934 = arith.addf %add3A_914, %mul3A_933 : vector<16xf32>
    %get3A_935 = arith.constant 1856 : index
    %get3A_936 = tpu.vector_load %arg9[%get3A_935] {strides = array<i32>} : memref<2048xf32, #tpu.memory_space<vmem>>, vector<16xf32>,
    %mul3A_937 = vector.broadcast %add3A_441 : f32 to vector<16xf32>
    %mul3A_938 = arith.mulf %get3A_936, %mul3A_937 : vector<16xf32>
    %add3A_939 = arith.addf %add3A_919, %mul3A_938 : vector<16xf32>
    %get3A_940 = arith.constant 1872 : index
    %get3A_941 = tpu.vector_load %arg9[%get3A_940] {strides = array<i32>} : memref<2048xf32, #tpu.memory_space<vmem>>, vector<16xf32>,
    %mul3A_942 = vector.broadcast %add3A_464 : f32 to vector<16xf32>
    %mul3A_943 = arith.mulf %get3A_941, %mul3A_942 : vector<16xf32>
    %add3A_944 = arith.addf %add3A_924, %mul3A_943 : vector<16xf32>
    %get3A_945 = arith.constant 1888 : index
    %get3A_946 = tpu.vector_load %arg9[%get3A_945] {strides = array<i32>} : memref<2048xf32, #tpu.memory_space<vmem>>, vector<16xf32>,
    %mul3A_947 = vector.broadcast %add3A_487 : f32 to vector<16xf32>
    %mul3A_948 = arith.mulf %get3A_946, %mul3A_947 : vector<16xf32>
    %add3A_949 = arith.addf %add3A_929, %mul3A_948 : vector<16xf32>
    %get3A_950 = arith.constant 1904 : index
    %get3A_951 = tpu.vector_load %arg9[%get3A_950] {strides = array<i32>} : memref<2048xf32, #tpu.memory_space<vmem>>, vector<16xf32>,
    %mul3A_952 = vector.broadcast %add3A_510 : f32 to vector<16xf32>
    %mul3A_953 = arith.mulf %get3A_951, %mul3A_952 : vector<16xf32>
    %add3A_954 = arith.addf %add3A_934, %mul3A_953 : vector<16xf32>
    %get3A_955 = arith.constant 1920 : index
    %get3A_956 = tpu.vector_load %arg9[%get3A_955] {strides = array<i32>} : memref<2048xf32, #tpu.memory_space<vmem>>, vector<16xf32>,
    %mul3A_957 = vector.broadcast %add3A_533 : f32 to vector<16xf32>
    %mul3A_958 = arith.mulf %get3A_956, %mul3A_957 : vector<16xf32>
    %add3A_959 = arith.addf %add3A_939, %mul3A_958 : vector<16xf32>
    %get3A_960 = arith.constant 1936 : index
    %get3A_961 = tpu.vector_load %arg9[%get3A_960] {strides = array<i32>} : memref<2048xf32, #tpu.memory_space<vmem>>, vector<16xf32>,
    %mul3A_962 = vector.broadcast %add3A_556 : f32 to vector<16xf32>
    %mul3A_963 = arith.mulf %get3A_961, %mul3A_962 : vector<16xf32>
    %add3A_964 = arith.addf %add3A_944, %mul3A_963 : vector<16xf32>
    %add3A_965 = arith.addf %add3A_949, %add3A_954 : vector<16xf32>
    %add3A_966 = arith.addf %add3A_959, %add3A_964 : vector<16xf32>
    %add3A_967 = arith.addf %add3A_965, %add3A_966 : vector<16xf32>
    %swap3A_968 = arith.constant 0 : index
    %swap3A_969 = tpu.vector_load %arg8[%swap3A_968] {strides = array<i32>} : memref<16xf32, #tpu.memory_space<vmem>>, vector<16xf32>,
    tpu.vector_store %arg8[%swap3A_968], %add3A_967 {strides = array<i32>} : memref<16xf32, #tpu.memory_space<vmem>>, vector<16xf32>,
    "tpu.region"() ({
      %run_scoped3A = tpu.sem_alloc : memref<!tpu.dma_semaphore, #tpu.memory_space<semaphore_mem>>
      %dma_start3A_970 = arith.constant 0 : i32
      %dma_start3A_971 = tpu.memref_slice %arg4[%add3A, %dma_start3A_970] : memref<32x16xf32, #tpu.memory_space<hbm>> -> memref<1x16xf32, #tpu.memory_space<hbm>>
      %dma_start3A_972 = tpu.memref_squeeze %dma_start3A_971 : memref<1x16xf32, #tpu.memory_space<hbm>> -> memref<16xf32, #tpu.memory_space<hbm>>
      %dma_start3A_973 = arith.constant 0 : i32
      %dma_start3A_974 = tpu.memref_slice %arg4[%add3A, %dma_start3A_973] : memref<32x16xf32, #tpu.memory_space<hbm>> -> memref<1x16xf32, #tpu.memory_space<hbm>>
      %dma_start3A_975 = tpu.memref_squeeze %dma_start3A_974 : memref<1x16xf32, #tpu.memory_space<hbm>> -> memref<16xf32, #tpu.memory_space<hbm>>
      tpu.enqueue_dma source(%arg8 : memref<16xf32, #tpu.memory_space<vmem>>) target(%dma_start3A_975 : memref<16xf32, #tpu.memory_space<hbm>>) target_semaphore(%run_scoped3A : memref<!tpu.dma_semaphore, #tpu.memory_space<semaphore_mem>>)
      %dma_wait3A_976 = arith.constant 0 : i32
      %dma_wait3A_977 = tpu.memref_slice %arg4[%add3A, %dma_wait3A_976] : memref<32x16xf32, #tpu.memory_space<hbm>> -> memref<1x16xf32, #tpu.memory_space<hbm>>
      %dma_wait3A_978 = tpu.memref_squeeze %dma_wait3A_977 : memref<1x16xf32, #tpu.memory_space<hbm>> -> memref<16xf32, #tpu.memory_space<hbm>>
      %dma_wait3A_979 = arith.constant 0 : i32
      %dma_wait3A_980 = tpu.memref_slice %arg4[%add3A, %dma_wait3A_979] : memref<32x16xf32, #tpu.memory_space<hbm>> -> memref<1x16xf32, #tpu.memory_space<hbm>>
      %dma_wait3A_981 = tpu.memref_squeeze %dma_wait3A_980 : memref<1x16xf32, #tpu.memory_space<hbm>> -> memref<16xf32, #tpu.memory_space<hbm>>
      tpu.wait_dma2 semaphore(%run_scoped3A : memref<!tpu.dma_semaphore, #tpu.memory_space<semaphore_mem>>) src(%arg8 : memref<16xf32, #tpu.memory_space<vmem>>) dst(%dma_wait3A_981 : memref<16xf32, #tpu.memory_space<hbm>>)
      tpu.yield
    }) : () -> ()
    return
  }
}

</mosaic_0001>

<sc_bundles>
// kernel: kernel.3.cloned.1.call-start
scs
__scs_entry_jumppad:
0x0: {  	(pc) =	sbr.rel $0x88, $3  }
0x1: {  	(tag) =	ssettag $0x0;
	lr =	simm.s32 $0x1  }
0x2: {  	[smem:$0x3F9F] =	sst lr;
	_ =	strace $0xD0000000  }
0x3: {  	_ = 	snop  }
0x4: {  	_ = 	snop  }
0x5: {  	_ = 	snop  }
0x6: {  	_ = 	snop  }
0x7: {  	_ = 	snop  }
__scs_overlays_trampoline_lowered:
0x8: {  	[smem:$0x3FAE] =	sst s0  }
0x9: {  	[smem:$0x3FAF] =	sst s1  }
0xa: {  	[smem:$0x3FB0] =	sst s2  }
0xb: {  	[smem:$0x3FB1] =	sst s3  }
0xc: {  	[smem:$0x3FB2] =	sst s4  }
0xd: {  	[smem:$0x3FB3] =	sst s5  }
0xe: {  	[smem:$0x3FB4] =	sst s6  }
0xf: {  	[smem:$0x3FB5] =	sst s7  }
0x10: {  	[smem:$0x3FB6] =	sst s8  }
0x11: {  	[smem:$0x3FB7] =	sst s9;
	s0 =	simm.s32 @!p0 $0x0  }
0x12: {  	s1 =	sld [smem:$0x3F9D];
	s0 =	simm.s32 @p0 $0x1  }
0x13: {  	[smem:$0x3FB8] =	sst s0;
	s0 =	simm.s32 @!p1 $0x0  }
0x14: {  	s2 =	sld [smem:$0x3F9C];
	s0 =	simm.s32 @p1 $0x1  }
0x15: {  	[smem:$0x3FB9] =	sst s0;
	s0 =	simm.s32 @!p2 $0x0  }
0x16: {  	s3 =	sld [smem:$0x3FDB];
	s0 =	simm.s32 @p2 $0x1  }
0x17: {  	s4 =	simm.s32 $0x1BF5;
	[smem:$0x3FBB] =	sst s0  }
0x18: {  	s0 =	sld [smem:$0x3F9E];
	_ =	swait.ge [sflag:s4], $0x0  }
0x19: {  	s7 =	sld [smem:$0x3F9F]  }
0x1a: {  	s8 =	sadd.s32 $0xFFFFE003, lr  }
0x1b: {  	s9 =	sadd.s32 $0xFFFFFEF7, lr;
	s5 =	simm.s32 $0xFFFFFFFF;
	p2 =	slt.u32 s8, $0xFFFFF086  }
0x1c: {  	p1 =	slt.u32 s9, $0xF7A;
	s5 =	simm.s32 @!p2 $0x0  }
0x1d: {  	s5 =	simm.s32 @p1 $0x1;
	p0 =	seq.s32 s7, s2  }
0x1e: {  	s7 =	smul.u32 @!p0 $0xF7A, s2;
	p2 =	seq.s32 @!p0 s5, $0x0  }
0x1f: {  	s9 =	smul.u32 $0xF7A, s1;
	s8 =	simm.s32 @!p0 $0x1BF5;
	p2 =	por !p2, p0  }
0x20: {  	[sflag:s8] =	ssyncset.s32 @!p0 $0xFFFFF086;
	s6 =	sadd.s32 @!p0 s3, s7;
	s7 =	simm.s32 @!p0 $0x108  }
0x21: {  	s3 =	sadd.s32 s3, s9;
	s6 =	sadd.s32 @!p0 $0x88, s6;
	s7 =	simm.s32 @p2 $0x1082  }
0x22: {  	[simem:s7], [sflag:s8] =	dma.local @!p0 [hbm:s6], $0xF7A  }
0x23: {  	s9 =	sor.u32 $0xD0000000, s2;
	s6 =	simm.s32 $0x108;
	_ =	swait.ge @!p0 [sflag:s8], $0x0  }
0x24: {  	s3 =	sadd.s32 $0x88, s3;
	s6 =	simm.s32 @!p1 $0x1082;
	[sflag:s4] =	ssyncset.s32 $0xFFFFF086  }
0x25: {  	[simem:s6], [sflag:s4] =	dma.local [hbm:s3], $0xF7A  }
0x26: {  	[smem:$0x3F9F] =	sst s1;
	(tag) =	ssettag s2;
	_ =	strace s9  }
0x27: {  	s1 =	sld [smem:$0x3FAF]  }
0x28: {  	s2 =	sld [smem:$0x3FB0]  }
0x29: {  	s4 =	sld [smem:$0x3FB2]  }
0x2a: {  	p0 =	seq.s32 s5, $0x0;
	s5 =	sld [smem:$0x3FB3]  }
0x2b: {  	s6 =	sld [smem:$0x3FB4]  }
0x2c: {  	s7 =	sld [smem:$0x3FB5]  }
0x2d: {  	s3 =	simm.s32 $0x108;
	s8 =	sld [smem:$0x3FB6]  }
0x2e: {  	s3 =	simm.s32 @!p0 $0x1082;
	s9 =	sld [smem:$0x3FB7]  }
0x2f: {  	lr =	sadd.s32 s0, s3;
	s0 =	sld [smem:$0x3FAE]  }
0x30: {  	s3 =	sld [smem:$0x3FB1]  }
0x31: {  	[smem:$0x3FBA] =	sst s10  }
0x32: {  	s10 =	sld [smem:$0x3FB8];
	_ =	sdelay $0x3  }
0x33: {  	p0 =	seq.s32 s10, $0x1;
	s10 =	sld [smem:$0x3FBA];
	_ =	sdelay $0x3  }
0x34: {  	[smem:$0x3FBA] =	sst s10  }
0x35: {  	s10 =	sld [smem:$0x3FB9];
	_ =	sdelay $0x3  }
0x36: {  	p1 =	seq.s32 s10, $0x1;
	s10 =	sld [smem:$0x3FBA];
	_ =	sdelay $0x3  }
0x37: {  	[smem:$0x3FBA] =	sst s10  }
0x38: {  	s10 =	sld [smem:$0x3FBB]  }
0x39: {  	_ = 	snop;
	(pc) =	sbr.ind lr, $3  }
0x3a: {  	_ = 	snop  }
0x3b: {  	_ = 	snop  }
0x3c: {  	p2 =	seq.s32 s10, $0x1;
	s10 =	sld [smem:$0x3FBA]  }
0x3d: {  	_ =	shalt  }
0x3e: {  	_ =	shalt  }
0x3f: {  	_ =	shalt  }
0x40: {  	_ =	shalt  }
0x41: {  	_ =	shalt  }
0x42: {  	_ =	shalt  }
0x43: {  	_ =	shalt  }
0x44: {  	_ =	shalt  }
0x45: {  	_ =	shalt  }
0x46: {  	_ =	shalt  }
0x47: {  	_ =	shalt  }
0x48: {  	_ =	shalt  }
0x49: {  	_ =	shalt  }
0x4a: {  	_ =	shalt  }
0x4b: {  	_ =	shalt  }
0x4c: {  	_ =	shalt  }
0x4d: {  	_ =	shalt  }
0x4e: {  	_ =	shalt  }
0x4f: {  	_ =	shalt  }
0x50: {  	_ =	shalt  }
0x51: {  	_ =	shalt  }
0x52: {  	_ =	shalt  }
0x53: {  	_ =	shalt  }
0x54: {  	_ =	shalt  }
0x55: {  	_ =	shalt  }
0x56: {  	_ =	shalt  }
0x57: {  	_ =	shalt  }
0x58: {  	_ =	shalt  }
0x59: {  	_ =	shalt  }
0x5a: {  	_ =	shalt  }
0x5b: {  	_ =	shalt  }
0x5c: {  	_ =	shalt  }
0x5d: {  	_ =	shalt  }
0x5e: {  	_ =	shalt  }
0x5f: {  	_ =	shalt  }
0x60: {  	_ =	shalt  }
0x61: {  	_ =	shalt  }
0x62: {  	_ =	shalt  }
0x63: {  	_ =	shalt  }
0x64: {  	_ =	shalt  }
0x65: {  	_ =	shalt  }
0x66: {  	_ =	shalt  }
0x67: {  	_ =	shalt  }
0x68: {  	_ =	shalt  }
0x69: {  	_ =	shalt  }
0x6a: {  	_ =	shalt  }
0x6b: {  	_ =	shalt  }
0x6c: {  	_ =	shalt  }
0x6d: {  	_ =	shalt  }
0x6e: {  	_ =	shalt  }
0x6f: {  	_ =	shalt  }
0x70: {  	_ =	shalt  }
0x71: {  	_ =	shalt  }
0x72: {  	_ =	shalt  }
0x73: {  	_ =	shalt  }
0x74: {  	_ =	shalt  }
0x75: {  	_ =	shalt  }
0x76: {  	_ =	shalt  }
0x77: {  	_ =	shalt  }
0x78: {  	_ =	shalt  }
0x79: {  	_ =	shalt  }
0x7a: {  	_ =	shalt  }
0x7b: {  	_ =	shalt  }
0x7c: {  	_ =	shalt  }
0x7d: {  	_ =	shalt  }
0x7e: {  	_ =	shalt  }
0x7f: {  	_ =	shalt  }
0x80: {  	_ =	shalt  }
0x81: {  	_ =	shalt  }
0x82: {  	_ =	shalt  }
0x83: {  	_ =	shalt  }
0x84: {  	_ =	shalt  }
0x85: {  	_ =	shalt  }
0x86: {  	_ =	shalt  }
0x87: {  	_ =	shalt  }
.Lfunc_end0:
.L_simem_size_0:
called_computation_lowered:
.L_overlay_start_0:
0x88: {  	s2 =	sld [smem:$0x3FD9]  }
0x89: {  	s3 =	sld [smem:$0x3FFE];
	_ =	sdelay $0x1  }
0x8a: {  	s1 =	srdreg.scid  }
0x8b: {  	s0 =	sand.u32 $0x1, s1  }
0x8c: {  	s17 =	sshll.u32 s0, $0xA;
	s2 =	sadd.s32 s3, s2  }
0x8d: {  	s2 =	sadd.s32 s2, s17  }
0x8e: {  	[smem:$0x3FC6] =	sst s2  }
0x8f: {  	_ = 	snop  }
0x90: {  	s2 =	sld [smem:$0x3FC9]  }
0x91: {  	s18 =	sld [smem:$0x3FC8];
	(tm) =	ssettm $0x1  }
0x92: {  	s4 =	sld [smem:$0x3FFB];
	_ =	sdelay $0x3  }
0x93: {  	_ =	strace s4  }
0x94: {  	s4 =	sld [smem:$0x3FFC];
	_ =	sdelay $0x3  }
0x95: {  	_ =	strace s4  }
0x96: {  	s4 =	sld [smem:$0x3FFD];
	_ =	sdelay $0x3  }
0x97: {  	_ =	strace s4  }
0x98: {  	_ =	strace $0x8FFFFFFF  }
0x99: {  	s19 =	sld [smem:$0x3FDB];
	_ =	sdelay $0x1  }
0x9a: {  	s5 =	simm.s32 $_scs_section_size  }
0x9b: {  	s6 =	simm.s32 $_size__tile_overlayer_lowered;
	s7 =	simm.s32 $_tile_overlayer_lowered  }
0x9c: {  	s22 =	simm.s32 $0x1BFF;
	s21 =	sshll.u32 s7, $0x1;
	s4 =	sadd.s32 s5, s19  }
0x9d: {  	s8 =	simm.s32 $0x0;
	s20 =	sshll.u32 s6, $0x1;
	s6 =	sadd.s32 s21, s4  }
0x9e: {  	[timem:s8], [sflag:s22] =	dma.local [hbm:s6], s20  }
0x9f: {  	_ =	swait.ge [sflag:s22], s20  }
0xa0: {  	s5 =	ssub.s32 $0x0, s20;
	[sflag:s22] =	ssyncset.done $0x0  }
0xa1: {  	[sflag:s22] =	ssyncadd.s32 s5;
	_ =	sdelay $0x1  }
0xa2: {  	s23 =	simm.s32 $0x1B8B  }
0xa3: {  	_ =	swait.ge [sflag:s23], $0x1  }
0xa4: {  	[sflag:s23] =	ssyncset.done $0x0  }
0xa5: {  	s25 =	simm.s32 $0x1B8E;
	s24 =	sld [smem:$0x3FFE];
	[sflag:s23] =	ssyncadd.s32 $0xFFFFFFFF  }
0xa6: {  	s26 =	simm.s32 $execute0_lowered;
	[smem:$0x3FD2] =	sst s25  }
0xa7: {  	s6 =	sshll.u32 s26, $0x1;
	_ =	strace $0x80000046;
	[dreg:$0x1] =	wrdreg $0xFFFFFFFF  }
0xa8: {  	s28 =	simm.s32 $_size_execute0_lowered;
	s4 =	sadd.s32 s4, s6;
	[dreg:$0x0] =	wrdreg $0x0  }
0xa9: {  	s6 =	sshll.u32 s28, $0x1;
	[dreg:$0x2] =	wrdreg s4  }
0xaa: {  	[dreg:$0x3] =	wrdreg s6  }
0xab: {  	[dreg:$0x4] =	wrdreg $0xC0  }
0xac: {  	_ =	task [dreg:s8], $0x5FFFF  }
0xad: {  	[dreg:$0x1] =	wrdreg $0xFFFFFFFF  }
0xae: {  	[dreg:$0x0] =	wrdreg $0x60  }
0xaf: {  	[dreg:$0x2] =	wrdreg s2  }
0xb0: {  	[dreg:$0x3] =	wrdreg s18  }
0xb1: {  	[dreg:$0x4] =	wrdreg s24  }
0xb2: {  	[dreg:$0x5] =	wrdreg $0x9  }
0xb3: {  	_ =	task.clear_ibuf [dreg:s8], $0x6FFFF;
	_ =	strace $0x90000046  }
0xb4: {  	s29 =	simm.s32 $0x9;
	_ =	strace $0x80000048  }
0xb5: {  	_ =	swait.ge [sflag:s29], $0x1  }
0xb6: {  	[sflag:s29] =	ssyncadd.s32 $0xFFFFFFFF  }
0xb7: {  	_ =	strace $0x90000048  }
0xb8: {  	_ =	sfence  }
0xb9: {  	s30 =	sld [smem:$0x0];
	_ =	sdelay $0x2  }
0xba: {  	s31 =	sshll.u32 s1, $0xD;
	s1 =	sshrl.u32 s1, $0x2  }
0xbb: {  	s3 =	sand.u32 $0x4000, s31;
	s1 =	sadd.s32 s1, s30  }
0xbc: {  	s0 =	sor.u32 s3, s0;
	s1 =	sshll.u32 s1, $0x11  }
0xbd: {  	s0 =	sor.u32 s1, s0  }
0xbe: {  	s0 =	sadd.s32 $0x8F2B, s0  }
0xbf: {  	[sflag:s0] =	ssyncadd.remote.s32 $0x1  }
0xc0: {  	_ =	sfence.sel $0xFFFF  }
0xc1: {  	[dreg:$0x0] =	wrdreg $0xFFFFFFFF;
	(pc) =	sbr.abs _section_cstart, $3  }
0xc2: {  	[dreg:$0x1] =	wrdreg $0xFFFFFFFF  }
0xc3: {  	_ =	task.clear_ibuf [dreg:s8], $0x2FFFF;
	_ =	strace $0x9FFFFFFF  }
0xc4: {  	(tm) =	ssettm $0x7FFFFFFF  }
0xc5: {  	_ =	shalt  }
tec
execute0_lowered:
.L_overlay_start_1:
0x0: {  	(tag) =	ssettag $0x1  }
0x1: {  	s4 =	rddreg [dreg:$0x0]  }
0x2: {  	s1 =	rddreg [dreg:$0x1]  }
0x3: {  	s6 =	rddreg [dreg:$0x2];
	s3 =	simm.s32 $0x0  }
0x4: {  	s2 =	srdreg.scid;
	s10 =	simm.s32 $0x6800;
	s11 =	simm.s32 $0xD000  }
0x5: {  	s12 =	simm.s32 $0x3;
	s13 =	simm.s32 $0x1;
	s14 =	simm.s32 $0xD880  }
0x6: {  	s15 =	simm.s32 $0x2;
	s16 =	simm.s32 $0xD800;
	s17 =	simm.s32 $0x0  }
0x7: {  	[smem:$0x7FF] =	sst s3;
	s5 =	sand.u32 $0x1, s2;
	s2 =	stileid.u32  }
0x8: {  	s7 =	ssub.s32 $0x2, s5;
	s5 =	sshll.u32 s5, $0x4;
	_ =	strace $0x80000047  }
0x9: {  	s9 =	sshll.u32 s2, $0x4;
	s8 =	sshrl.u32 s7, $0x1;
	s5 =	sor.u32 s2, s5  }
0xa: {  	v0 =	vimm.f32 $0.0e+00;
	v1 =	vlaneseq.u32;
	s9 =	sand.u32 $0x70, s9;
	s7 =	ssub.s32 s7, s8;
	s30 =	sshll.u32 s5, $0x9  }
0xb: {  	v2 =	vimm.f32 $1.000000000e+00;
	vm0 =	vmmov $0xfff;
	v3 =	vor.u32 $0x100, v1;
	s31 =	sshll.u32 s5, $0x4;
	s6 =	sadd.s32 s6, s9;
	s9 =	simm.s32 $0x20000  }
0xc: {  	v4 =	vor.u32 $0x200, v1;
	v5 =	vor.u32 $0x300, v1;
	v6 =	vor.u32 $0x400, v1;
	s4 =	sadd.s32 s4, s30;
	s8 =	sand.u32 $0x180, s31;
	s7 =	smax.u32 s7, $0x1  }
0xd: {  	v7 =	vor.u32 $0x500, v1;
	v8 =	vor.u32 $0x600, v1;
	v9 =	vor.u32 $0x700, v1;
	s5 =	sadd.s32 $0x100, s4;
	s6 =	sadd.s32 s8, s6;
	s8 =	simm.s32 $0x800  }
.LBB2_1:
0xe: {  	[tilespmem:s3], [sflag:$0x1] =	stream.strided.gather [hbm4b:s4+s8], $0x6800, s9, s8, $0x38;
	[tilespmem:$0xE080] =	vst v63  }
0xf: {  	_ = 	snop  }
0x10: {  	[tilespmem:s10], [sflag:$0x2] =	stream.strided.gather [hbm4b:s5+s8], $0x6800, s9, s8, $0x38;
	[tilespmem:$0xE080] =	vst v63  }
0x11: {  	_ = 	snop  }
0x12: {  	[tilespmem:s11], [sflag:$0x3] =	stream.linear.gather [hbm4b:s1+s3], $0x500, $0x38;
	[tilespmem:$0xE080] =	vst v63  }
0x13: {  	_ =	swait.ge [sflag:s12], $0x500  }
0x14: {  	[sflag:s12] =	ssyncset.done $0x0  }
0x15: {  	[sflag:s12] =	ssyncadd.s32 $0xFFFFFB00  }
0x16: {  	[tilespmem:$0xD880] =	vst v0  }
0x17: {  	[tilespmem:$0xD890] =	vst v0  }
0x18: {  	[tilespmem:$0xD8A0] =	vst v0  }
0x19: {  	[tilespmem:$0xD8B0] =	vst v0  }
0x1a: {  	[tilespmem:$0xD8C0] =	vst v0  }
0x1b: {  	[tilespmem:$0xD8D0] =	vst v0  }
0x1c: {  	[tilespmem:$0xD8E0] =	vst v0  }
0x1d: {  	[tilespmem:$0xD8F0] =	vst v0  }
0x1e: {  	[tilespmem:$0xD900] =	vst v0  }
0x1f: {  	[tilespmem:$0xD910] =	vst v0  }
0x20: {  	[tilespmem:$0xD920] =	vst v0  }
0x21: {  	[tilespmem:$0xD930] =	vst v0  }
0x22: {  	[tilespmem:$0xD940] =	vst v0  }
0x23: {  	[tilespmem:$0xD950] =	vst v0  }
0x24: {  	[tilespmem:$0xD960] =	vst v0  }
0x25: {  	[tilespmem:$0xD970] =	vst v0  }
0x26: {  	[tilespmem:$0xD980] =	vst v0  }
0x27: {  	[tilespmem:$0xD990] =	vst v0  }
0x28: {  	[tilespmem:$0xD9A0] =	vst v0  }
0x29: {  	[tilespmem:$0xD9B0] =	vst v0  }
0x2a: {  	[tilespmem:$0xD9C0] =	vst v0  }
0x2b: {  	[tilespmem:$0xD9D0] =	vst v0  }
0x2c: {  	[tilespmem:$0xD9E0] =	vst v0  }
0x2d: {  	[tilespmem:$0xD9F0] =	vst v0  }
0x2e: {  	[tilespmem:$0xDA00] =	vst v0  }
0x2f: {  	[tilespmem:$0xDA10] =	vst v0  }
0x30: {  	[tilespmem:$0xDA20] =	vst v0  }
0x31: {  	[tilespmem:$0xDA30] =	vst v0  }
0x32: {  	[tilespmem:$0xDA40] =	vst v0  }
0x33: {  	[tilespmem:$0xDA50] =	vst v0  }
0x34: {  	[tilespmem:$0xDA60] =	vst v0  }
0x35: {  	[tilespmem:$0xDA70] =	vst v0  }
0x36: {  	[tilespmem:$0xDA80] =	vst v0  }
0x37: {  	[tilespmem:$0xDA90] =	vst v0  }
0x38: {  	[tilespmem:$0xDAA0] =	vst v0  }
0x39: {  	[tilespmem:$0xDAB0] =	vst v0  }
0x3a: {  	[tilespmem:$0xDAC0] =	vst v0  }
0x3b: {  	[tilespmem:$0xDAD0] =	vst v0  }
0x3c: {  	[tilespmem:$0xDAE0] =	vst v0  }
0x3d: {  	[tilespmem:$0xDAF0] =	vst v0  }
0x3e: {  	[tilespmem:$0xDB00] =	vst v0  }
0x3f: {  	[tilespmem:$0xDB10] =	vst v0  }
0x40: {  	[tilespmem:$0xDB20] =	vst v0  }
0x41: {  	[tilespmem:$0xDB30] =	vst v0  }
0x42: {  	[tilespmem:$0xDB40] =	vst v0  }
0x43: {  	[tilespmem:$0xDB50] =	vst v0  }
0x44: {  	[tilespmem:$0xDB60] =	vst v0  }
0x45: {  	[tilespmem:$0xDB70] =	vst v0  }
0x46: {  	[tilespmem:$0xDB80] =	vst v0  }
0x47: {  	[tilespmem:$0xDB90] =	vst v0  }
0x48: {  	[tilespmem:$0xDBA0] =	vst v0  }
0x49: {  	[tilespmem:$0xDBB0] =	vst v0  }
0x4a: {  	[tilespmem:$0xDBC0] =	vst v0  }
0x4b: {  	[tilespmem:$0xDBD0] =	vst v0  }
0x4c: {  	[tilespmem:$0xDBE0] =	vst v0  }
0x4d: {  	[tilespmem:$0xDBF0] =	vst v0  }
0x4e: {  	[tilespmem:$0xDC00] =	vst v0  }
0x4f: {  	[tilespmem:$0xDC10] =	vst v0  }
0x50: {  	[tilespmem:$0xDC20] =	vst v0  }
0x51: {  	[tilespmem:$0xDC30] =	vst v0  }
0x52: {  	[tilespmem:$0xDC40] =	vst v0  }
0x53: {  	[tilespmem:$0xDC50] =	vst v0  }
0x54: {  	[tilespmem:$0xDC60] =	vst v0  }
0x55: {  	[tilespmem:$0xDC70] =	vst v0  }
0x56: {  	[tilespmem:$0xDC80] =	vst v0  }
0x57: {  	[tilespmem:$0xDC90] =	vst v0  }
0x58: {  	[tilespmem:$0xDCA0] =	vst v0  }
0x59: {  	[tilespmem:$0xDCB0] =	vst v0  }
0x5a: {  	[tilespmem:$0xDCC0] =	vst v0  }
0x5b: {  	[tilespmem:$0xDCD0] =	vst v0  }
0x5c: {  	[tilespmem:$0xDCE0] =	vst v0  }
0x5d: {  	[tilespmem:$0xDCF0] =	vst v0  }
0x5e: {  	[tilespmem:$0xDD00] =	vst v0  }
0x5f: {  	[tilespmem:$0xDD10] =	vst v0  }
0x60: {  	[tilespmem:$0xDD20] =	vst v0  }
0x61: {  	[tilespmem:$0xDD30] =	vst v0  }
0x62: {  	[tilespmem:$0xDD40] =	vst v0  }
0x63: {  	[tilespmem:$0xDD50] =	vst v0  }
0x64: {  	[tilespmem:$0xDD60] =	vst v0  }
0x65: {  	[tilespmem:$0xDD70] =	vst v0  }
0x66: {  	[tilespmem:$0xDD80] =	vst v0  }
0x67: {  	[tilespmem:$0xDD90] =	vst v0  }
0x68: {  	[tilespmem:$0xDDA0] =	vst v0  }
0x69: {  	[tilespmem:$0xDDB0] =	vst v0  }
0x6a: {  	[tilespmem:$0xDDC0] =	vst v0  }
0x6b: {  	[tilespmem:$0xDDD0] =	vst v0  }
0x6c: {  	[tilespmem:$0xDDE0] =	vst v0  }
0x6d: {  	[tilespmem:$0xDDF0] =	vst v0  }
0x6e: {  	[tilespmem:$0xDE00] =	vst v0  }
0x6f: {  	[tilespmem:$0xDE10] =	vst v0  }
0x70: {  	[tilespmem:$0xDE20] =	vst v0  }
0x71: {  	[tilespmem:$0xDE30] =	vst v0  }
0x72: {  	[tilespmem:$0xDE40] =	vst v0  }
0x73: {  	[tilespmem:$0xDE50] =	vst v0  }
0x74: {  	[tilespmem:$0xDE60] =	vst v0  }
0x75: {  	[tilespmem:$0xDE70] =	vst v0  }
0x76: {  	[tilespmem:$0xDE80] =	vst v0  }
0x77: {  	[tilespmem:$0xDE90] =	vst v0  }
0x78: {  	[tilespmem:$0xDEA0] =	vst v0  }
0x79: {  	[tilespmem:$0xDEB0] =	vst v0  }
0x7a: {  	[tilespmem:$0xDEC0] =	vst v0  }
0x7b: {  	[tilespmem:$0xDED0] =	vst v0  }
0x7c: {  	[tilespmem:$0xDEE0] =	vst v0  }
0x7d: {  	[tilespmem:$0xDEF0] =	vst v0  }
0x7e: {  	[tilespmem:$0xDF00] =	vst v0  }
0x7f: {  	[tilespmem:$0xDF10] =	vst v0  }
0x80: {  	[tilespmem:$0xDF20] =	vst v0  }
0x81: {  	[tilespmem:$0xDF30] =	vst v0  }
0x82: {  	[tilespmem:$0xDF40] =	vst v0  }
0x83: {  	[tilespmem:$0xDF50] =	vst v0  }
0x84: {  	[tilespmem:$0xDF60] =	vst v0  }
0x85: {  	[tilespmem:$0xDF70] =	vst v0  }
0x86: {  	[tilespmem:$0xDF80] =	vst v0  }
0x87: {  	[tilespmem:$0xDF90] =	vst v0  }
0x88: {  	[tilespmem:$0xDFA0] =	vst v0  }
0x89: {  	[tilespmem:$0xDFB0] =	vst v0  }
0x8a: {  	[tilespmem:$0xDFC0] =	vst v0  }
0x8b: {  	[tilespmem:$0xDFD0] =	vst v0  }
0x8c: {  	[tilespmem:$0xDFE0] =	vst v0  }
0x8d: {  	[tilespmem:$0xDFF0] =	vst v0  }
0x8e: {  	[tilespmem:$0xE000] =	vst v0  }
0x8f: {  	[tilespmem:$0xE010] =	vst v0  }
0x90: {  	[tilespmem:$0xE020] =	vst v0  }
0x91: {  	[tilespmem:$0xE030] =	vst v0  }
0x92: {  	[tilespmem:$0xE040] =	vst v0  }
0x93: {  	[tilespmem:$0xE050] =	vst v0  }
0x94: {  	[tilespmem:$0xE060] =	vst v0  }
0x95: {  	[tilespmem:$0xE070] =	vst v0  }
0x96: {  	_ =	swait.ge [sflag:s13], $0x6800  }
0x97: {  	s18 =	sand.u32 $0x7800, s3;
	s19 =	sand.u32 $0x300, s3;
	[sflag:s13] =	ssyncset.done $0x0  }
0x98: {  	s20 =	sor.u32 s19, s18;
	[sflag:s13] =	ssyncadd.s32 $0xFFFF9800  }
0x99: {  	v10 =	vld [tilespmem:s20+$0x80]  }
0x9a: {  	v11 =	vld [tilespmem:s20+$0x0];
	_ =	sdelay $0x3  }
0x9b: {  	v10 =	vshll.u32 v10, $0x4  }
0x9c: {  	v11 =	vshll.u32 v11, $0x4;
	v10 =	vor.u32 v1, v10  }
0x9d: {  	v11 =	vor.u32 v1, v11;
	_ =	sdelay $0x3  }
0x9e: {  	[tilespmem:v10+s14+$0x0] =	vst.idx.add.f32.msk $0xffff, v2  }
0x9f: {  	[tilespmem:v11+s14+$0x0] =	vst.idx.add.f32.msk $0xffff, v2  }
0xa0: {  	v10 =	vld [tilespmem:s20+$0x90]  }
0xa1: {  	v11 =	vld [tilespmem:s20+$0x10];
	_ =	sdelay $0x3  }
0xa2: {  	v10 =	vshll.u32 v10, $0x4  }
0xa3: {  	v11 =	vshll.u32 v11, $0x4;
	v10 =	vor.u32 v3, v10  }
0xa4: {  	v11 =	vor.u32 v3, v11;
	_ =	sdelay $0x3  }
0xa5: {  	[tilespmem:v10+s14+$0x0] =	vst.idx.add.f32.msk $0xffff, v2  }
0xa6: {  	[tilespmem:v11+s14+$0x0] =	vst.idx.add.f32.msk $0xffff, v2  }
0xa7: {  	v10 =	vld [tilespmem:s20+$0xA0]  }
0xa8: {  	v11 =	vld [tilespmem:s20+$0x20];
	_ =	sdelay $0x3  }
0xa9: {  	v10 =	vshll.u32 v10, $0x4  }
0xaa: {  	v11 =	vshll.u32 v11, $0x4;
	v10 =	vor.u32 v4, v10  }
0xab: {  	v11 =	vor.u32 v4, v11;
	_ =	sdelay $0x3  }
0xac: {  	[tilespmem:v10+s14+$0x0] =	vst.idx.add.f32.msk $0xffff, v2  }
0xad: {  	[tilespmem:v11+s14+$0x0] =	vst.idx.add.f32.msk $0xffff, v2  }
0xae: {  	v10 =	vld [tilespmem:s20+$0xB0]  }
0xaf: {  	v11 =	vld [tilespmem:s20+$0x30];
	_ =	sdelay $0x3  }
0xb0: {  	v10 =	vshll.u32 v10, $0x4  }
0xb1: {  	v11 =	vshll.u32 v11, $0x4;
	v10 =	vor.u32 v5, v10  }
0xb2: {  	v11 =	vor.u32 v5, v11;
	_ =	sdelay $0x3  }
0xb3: {  	[tilespmem:v10+s14+$0x0] =	vst.idx.add.f32.msk $0xffff, v2  }
0xb4: {  	[tilespmem:v11+s14+$0x0] =	vst.idx.add.f32.msk $0xffff, v2  }
0xb5: {  	v10 =	vld [tilespmem:s20+$0xC0]  }
0xb6: {  	v11 =	vld [tilespmem:s20+$0x40];
	_ =	sdelay $0x3  }
0xb7: {  	v10 =	vshll.u32 v10, $0x4  }
0xb8: {  	v11 =	vshll.u32 v11, $0x4;
	v10 =	vor.u32 v6, v10  }
0xb9: {  	v11 =	vor.u32 v6, v11;
	_ =	sdelay $0x3  }
0xba: {  	[tilespmem:v10+s14+$0x0] =	vst.idx.add.f32.msk $0xffff, v2  }
0xbb: {  	[tilespmem:v11+s14+$0x0] =	vst.idx.add.f32.msk $0xffff, v2  }
0xbc: {  	v10 =	vld [tilespmem:s20+$0xD0]  }
0xbd: {  	v11 =	vld [tilespmem:s20+$0x50]  }
0xbe: {  	s29 =	simm.s32 $0x100;
	s30 =	simm.s32 $0x200  }
0xbf: {  	s19 =	sand.u32 $0x7800, s30;
	s18 =	sand.u32 $0x300, s29  }
0xc0: {  	s18 =	sor.u32 s18, s19  }
0xc1: {  	v12 =	vld [tilespmem:s18+$0x80];
	v10 =	vshll.u32 v10, $0x4  }
0xc2: {  	v11 =	vshll.u32 v11, $0x4;
	v10 =	vor.u32 v7, v10  }
0xc3: {  	v13 =	vld [tilespmem:s18+$0x0];
	v11 =	vor.u32 v7, v11;
	_ =	sdelay $0x2  }
0xc4: {  	v12 =	vshll.u32 v12, $0x4  }
0xc5: {  	v12 =	vor.u32 v1, v12;
	[tilespmem:v10+s14+$0x0] =	vst.idx.add.f32.msk $0xffff, v2  }
0xc6: {  	v13 =	vshll.u32 v13, $0x4;
	[tilespmem:v11+s14+$0x0] =	vst.idx.add.f32.msk $0xffff, v2  }
0xc7: {  	v10 =	vor.u32 v1, v13;
	v13 =	vld [tilespmem:s20+$0xE0]  }
0xc8: {  	v11 =	vld [tilespmem:s20+$0x60];
	_ =	sdelay $0x1  }
0xc9: {  	[tilespmem:v12+s14+$0x0] =	vst.idx.add.f32.msk $0xffff, v2  }
0xca: {  	v12 =	vld [tilespmem:s18+$0x90]  }
0xcb: {  	[tilespmem:v10+s14+$0x0] =	vst.idx.add.f32.msk $0xffff, v2;
	v10 =	vshll.u32 v13, $0x4  }
0xcc: {  	v11 =	vshll.u32 v11, $0x4;
	v10 =	vor.u32 v8, v10  }
0xcd: {  	v13 =	vld [tilespmem:s18+$0x10];
	v11 =	vor.u32 v8, v11;
	_ =	sdelay $0x2  }
0xce: {  	v12 =	vshll.u32 v12, $0x4  }
0xcf: {  	v12 =	vor.u32 v3, v12;
	[tilespmem:v10+s14+$0x0] =	vst.idx.add.f32.msk $0xffff, v2  }
0xd0: {  	v13 =	vshll.u32 v13, $0x4;
	[tilespmem:v11+s14+$0x0] =	vst.idx.add.f32.msk $0xffff, v2  }
0xd1: {  	v10 =	vor.u32 v3, v13;
	v13 =	vld [tilespmem:s20+$0xF0]  }
0xd2: {  	v11 =	vld [tilespmem:s20+$0x70];
	_ =	sdelay $0x1  }
0xd3: {  	[tilespmem:v12+s14+$0x0] =	vst.idx.add.f32.msk $0xffff, v2  }
0xd4: {  	v12 =	vld [tilespmem:s18+$0xA0]  }
0xd5: {  	[tilespmem:v10+s14+$0x0] =	vst.idx.add.f32.msk $0xffff, v2;
	v10 =	vshll.u32 v13, $0x4  }
0xd6: {  	v11 =	vshll.u32 v11, $0x4;
	v10 =	vor.u32 v9, v10  }
0xd7: {  	v13 =	vld [tilespmem:s18+$0x20];
	v11 =	vor.u32 v9, v11;
	_ =	sdelay $0x2  }
0xd8: {  	v12 =	vshll.u32 v12, $0x4  }
0xd9: {  	v12 =	vor.u32 v4, v12;
	[tilespmem:v10+s14+$0x0] =	vst.idx.add.f32.msk $0xffff, v2  }
0xda: {  	v13 =	vshll.u32 v13, $0x4;
	[tilespmem:v11+s14+$0x0] =	vst.idx.add.f32.msk $0xffff, v2  }
0xdb: {  	v10 =	vor.u32 v4, v13;
	v13 =	vld [tilespmem:s20+$0x480]  }
0xdc: {  	v11 =	vld [tilespmem:s20+$0x400];
	_ =	sdelay $0x1  }
0xdd: {  	[tilespmem:v12+s14+$0x0] =	vst.idx.add.f32.msk $0xffff, v2  }
0xde: {  	v12 =	vld [tilespmem:s18+$0xB0]  }
0xdf: {  	[tilespmem:v10+s14+$0x0] =	vst.idx.add.f32.msk $0xffff, v2;
	v10 =	vshll.u32 v13, $0x4  }
0xe0: {  	v11 =	vshll.u32 v11, $0x4;
	v10 =	vor.u32 v1, v10  }
0xe1: {  	v13 =	vld [tilespmem:s18+$0x30];
	v11 =	vor.u32 v1, v11;
	_ =	sdelay $0x2  }
0xe2: {  	v12 =	vshll.u32 v12, $0x4  }
0xe3: {  	v12 =	vor.u32 v5, v12;
	[tilespmem:v10+s14+$0x0] =	vst.idx.add.f32.msk $0xffff, v2  }
0xe4: {  	v13 =	vshll.u32 v13, $0x4;
	[tilespmem:v11+s14+$0x0] =	vst.idx.add.f32.msk $0xffff, v2  }
0xe5: {  	v10 =	vor.u32 v5, v13;
	v13 =	vld [tilespmem:s20+$0x490]  }
0xe6: {  	v11 =	vld [tilespmem:s20+$0x410];
	_ =	sdelay $0x1  }
0xe7: {  	[tilespmem:v12+s14+$0x0] =	vst.idx.add.f32.msk $0xffff, v2  }
0xe8: {  	v12 =	vld [tilespmem:s18+$0xC0]  }
0xe9: {  	[tilespmem:v10+s14+$0x0] =	vst.idx.add.f32.msk $0xffff, v2;
	v10 =	vshll.u32 v13, $0x4  }
0xea: {  	v11 =	vshll.u32 v11, $0x4;
	v10 =	vor.u32 v3, v10  }
0xeb: {  	v13 =	vld [tilespmem:s18+$0x40];
	v11 =	vor.u32 v3, v11;
	_ =	sdelay $0x2  }
0xec: {  	v12 =	vshll.u32 v12, $0x4  }
0xed: {  	v12 =	vor.u32 v6, v12;
	[tilespmem:v10+s14+$0x0] =	vst.idx.add.f32.msk $0xffff, v2  }
0xee: {  	v13 =	vshll.u32 v13, $0x4;
	[tilespmem:v11+s14+$0x0] =	vst.idx.add.f32.msk $0xffff, v2  }
0xef: {  	v10 =	vor.u32 v6, v13;
	v13 =	vld [tilespmem:s20+$0x4A0]  }
0xf0: {  	v11 =	vld [tilespmem:s20+$0x420];
	_ =	sdelay $0x1  }
0xf1: {  	[tilespmem:v12+s14+$0x0] =	vst.idx.add.f32.msk $0xffff, v2  }
0xf2: {  	s31 =	simm.s32 $0x200;
	s21 =	simm.s32 $0x400;
	v12 =	vld [tilespmem:s18+$0xD0]  }
0xf3: {  	s21 =	sand.u32 $0x7800, s21;
	s19 =	sand.u32 $0x300, s31;
	[tilespmem:v10+s14+$0x0] =	vst.idx.add.f32.msk $0xffff, v2;
	v10 =	vshll.u32 v13, $0x4  }
0xf4: {  	s19 =	sor.u32 s19, s21;
	v13 =	vld [tilespmem:s18+$0x50];
	v11 =	vshll.u32 v11, $0x4;
	v10 =	vor.u32 v4, v10  }
0xf5: {  	v14 =	vld [tilespmem:s19+$0x80];
	v11 =	vor.u32 v4, v11;
	_ =	sdelay $0x1  }
0xf6: {  	v12 =	vshll.u32 v12, $0x4  }
0xf7: {  	v15 =	vld [tilespmem:s19+$0x0];
	v12 =	vor.u32 v7, v12  }
0xf8: {  	v13 =	vshll.u32 v13, $0x4;
	[tilespmem:v10+s14+$0x0] =	vst.idx.add.f32.msk $0xffff, v2  }
0xf9: {  	v14 =	vshll.u32 v14, $0x4;
	v10 =	vor.u32 v7, v13;
	[tilespmem:v11+s14+$0x0] =	vst.idx.add.f32.msk $0xffff, v2  }
0xfa: {  	v11 =	vor.u32 v1, v14;
	v13 =	vld [tilespmem:s20+$0x4B0]  }
0xfb: {  	v14 =	vld [tilespmem:s20+$0x430]  }
0xfc: {  	v15 =	vshll.u32 v15, $0x4;
	[tilespmem:v12+s14+$0x0] =	vst.idx.add.f32.msk $0xffff, v2  }
0xfd: {  	v12 =	vor.u32 v1, v15;
	v15 =	vld [tilespmem:s18+$0xE0]  }
0xfe: {  	[tilespmem:v10+s14+$0x0] =	vst.idx.add.f32.msk $0xffff, v2  }
0xff: {  	[tilespmem:v11+s14+$0x0] =	vst.idx.add.f32.msk $0xffff, v2;
	v10 =	vshll.u32 v13, $0x4  }
0x100: {  	v13 =	vld [tilespmem:s18+$0x60];
	v11 =	vshll.u32 v14, $0x4;
	v10 =	vor.u32 v5, v10  }
0x101: {  	v14 =	vld [tilespmem:s19+$0x90];
	v11 =	vor.u32 v5, v11;
	_ =	sdelay $0x1  }
0x102: {  	[tilespmem:v12+s14+$0x0] =	vst.idx.add.f32.msk $0xffff, v2;
	v12 =	vshll.u32 v15, $0x4  }
0x103: {  	v15 =	vld [tilespmem:s19+$0x10];
	v12 =	vor.u32 v8, v12  }
0x104: {  	v13 =	vshll.u32 v13, $0x4;
	[tilespmem:v10+s14+$0x0] =	vst.idx.add.f32.msk $0xffff, v2  }
0x105: {  	v14 =	vshll.u32 v14, $0x4;
	v10 =	vor.u32 v8, v13;
	[tilespmem:v11+s14+$0x0] =	vst.idx.add.f32.msk $0xffff, v2  }
0x106: {  	v11 =	vor.u32 v3, v14;
	v13 =	vld [tilespmem:s20+$0x4C0]  }
0x107: {  	v14 =	vld [tilespmem:s20+$0x440]  }
0x108: {  	v15 =	vshll.u32 v15, $0x4;
	[tilespmem:v12+s14+$0x0] =	vst.idx.add.f32.msk $0xffff, v2  }
0x109: {  	v12 =	vor.u32 v3, v15;
	v15 =	vld [tilespmem:s18+$0xF0]  }
0x10a: {  	[tilespmem:v10+s14+$0x0] =	vst.idx.add.f32.msk $0xffff, v2  }
0x10b: {  	[tilespmem:v11+s14+$0x0] =	vst.idx.add.f32.msk $0xffff, v2;
	v10 =	vshll.u32 v13, $0x4  }
0x10c: {  	v13 =	vld [tilespmem:s18+$0x70];
	v11 =	vshll.u32 v14, $0x4;
	v10 =	vor.u32 v6, v10  }
0x10d: {  	v14 =	vld [tilespmem:s19+$0xA0];
	v11 =	vor.u32 v6, v11;
	_ =	sdelay $0x1  }
0x10e: {  	[tilespmem:v12+s14+$0x0] =	vst.idx.add.f32.msk $0xffff, v2;
	v12 =	vshll.u32 v15, $0x4  }
0x10f: {  	v15 =	vld [tilespmem:s19+$0x20];
	v12 =	vor.u32 v9, v12  }
0x110: {  	v13 =	vshll.u32 v13, $0x4;
	[tilespmem:v10+s14+$0x0] =	vst.idx.add.f32.msk $0xffff, v2  }
0x111: {  	v14 =	vshll.u32 v14, $0x4;
	v10 =	vor.u32 v9, v13;
	[tilespmem:v11+s14+$0x0] =	vst.idx.add.f32.msk $0xffff, v2  }
0x112: {  	v11 =	vor.u32 v4, v14;
	v13 =	vld [tilespmem:s20+$0x4D0]  }
0x113: {  	v14 =	vld [tilespmem:s20+$0x450]  }
0x114: {  	v15 =	vshll.u32 v15, $0x4;
	[tilespmem:v12+s14+$0x0] =	vst.idx.add.f32.msk $0xffff, v2  }
0x115: {  	v12 =	vor.u32 v4, v15;
	v15 =	vld [tilespmem:s18+$0x480]  }
0x116: {  	[tilespmem:v10+s14+$0x0] =	vst.idx.add.f32.msk $0xffff, v2  }
0x117: {  	[tilespmem:v11+s14+$0x0] =	vst.idx.add.f32.msk $0xffff, v2;
	v10 =	vshll.u32 v13, $0x4  }
0x118: {  	v13 =	vld [tilespmem:s18+$0x400];
	v11 =	vshll.u32 v14, $0x4;
	v10 =	vor.u32 v7, v10  }
0x119: {  	v14 =	vld [tilespmem:s19+$0xB0];
	v11 =	vor.u32 v7, v11;
	_ =	sdelay $0x1  }
0x11a: {  	[tilespmem:v12+s14+$0x0] =	vst.idx.add.f32.msk $0xffff, v2;
	v12 =	vshll.u32 v15, $0x4  }
0x11b: {  	v15 =	vld [tilespmem:s19+$0x30];
	v12 =	vor.u32 v1, v12  }
0x11c: {  	v13 =	vshll.u32 v13, $0x4;
	[tilespmem:v10+s14+$0x0] =	vst.idx.add.f32.msk $0xffff, v2  }
0x11d: {  	v14 =	vshll.u32 v14, $0x4;
	v10 =	vor.u32 v1, v13;
	[tilespmem:v11+s14+$0x0] =	vst.idx.add.f32.msk $0xffff, v2  }
0x11e: {  	v11 =	vor.u32 v5, v14;
	v13 =	vld [tilespmem:s20+$0x4E0]  }
0x11f: {  	v14 =	vld [tilespmem:s20+$0x460]  }
0x120: {  	v15 =	vshll.u32 v15, $0x4;
	[tilespmem:v12+s14+$0x0] =	vst.idx.add.f32.msk $0xffff, v2  }
0x121: {  	v12 =	vor.u32 v5, v15;
	v15 =	vld [tilespmem:s18+$0x490]  }
0x122: {  	[tilespmem:v10+s14+$0x0] =	vst.idx.add.f32.msk $0xffff, v2  }
0x123: {  	[tilespmem:v11+s14+$0x0] =	vst.idx.add.f32.msk $0xffff, v2;
	v10 =	vshll.u32 v13, $0x4  }
0x124: {  	v13 =	vld [tilespmem:s18+$0x410];
	v11 =	vshll.u32 v14, $0x4;
	v10 =	vor.u32 v8, v10  }
0x125: {  	v14 =	vld [tilespmem:s19+$0xC0];
	v11 =	vor.u32 v8, v11  }
0x126: {  	[tilespmem:v12+s14+$0x0] =	vst.idx.add.f32.msk $0xffff, v2;
	v12 =	vshll.u32 v15, $0x4  }
0x127: {  	v12 =	vor.u32 v3, v12  }
0x128: {  	v15 =	vld [tilespmem:s19+$0x40]  }
0x129: {  	v13 =	vshll.u32 v13, $0x4;
	[tilespmem:v10+s14+$0x0] =	vst.idx.add.f32.msk $0xffff, v2  }
0x12a: {  	v14 =	vshll.u32 v14, $0x4;
	v10 =	vor.u32 v3, v13;
	[tilespmem:v11+s14+$0x0] =	vst.idx.add.f32.msk $0xffff, v2  }
0x12b: {  	v11 =	vor.u32 v6, v14;
	v13 =	vld [tilespmem:s20+$0x4F0]  }
0x12c: {  	[tilespmem:v12+s14+$0x0] =	vst.idx.add.f32.msk $0xffff, v2  }
0x12d: {  	v16 =	vld [tilespmem:s18+$0x4A0]  }
0x12e: {  	v15 =	vshll.u32 v15, $0x4;
	v14 =	vld [tilespmem:s20+$0x470]  }
0x12f: {  	v15 =	vor.u32 v6, v15;
	[tilespmem:v10+s14+$0x0] =	vst.idx.add.f32.msk $0xffff, v2  }
0x130: {  	[tilespmem:v11+s14+$0x0] =	vst.idx.add.f32.msk $0xffff, v2;
	v10 =	vshll.u32 v13, $0x4  }
0x131: {  	v12 =	vld [tilespmem:s18+$0x420];
	v11 =	vor.u32 v9, v10;
	_ =	sdelay $0x1  }
0x132: {  	v13 =	vshll.u32 v14, $0x4;
	v14 =	vld [tilespmem:s19+$0xD0]  }
0x133: {  	s22 =	simm.s32 $0x600;
	s21 =	simm.s32 $0x300;
	[tilespmem:v15+s14+$0x0] =	vst.idx.add.f32.msk $0xffff, v2;
	s20 =	simm.s32 $0x4;
	v10 =	vor.u32 v9, v13;
	v13 =	vshll.u32 v16, $0x4  }
.LBB2_2:
0x134: {  	s23 =	sand.u32 $0x7800, s22;
	s24 =	sand.u32 $0x300, s21;
	s20 =	sadd.s32 $0x2, s20;
	v15 =	vld [tilespmem:s19+$0x50];
	v13 =	vor.u32 v4, v13  }
0x135: {  	s23 =	sor.u32 s24, s23;
	p0 =	slt.u32 s20, $0x62;
	v12 =	vshll.u32 v12, $0x4;
	[tilespmem:v11+s14+$0x0] =	vst.idx.add.f32.msk $0xffff, v2  }
0x136: {  	v11 =	vld [tilespmem:s23+$0x80];
	v12 =	vor.u32 v4, v12  }
0x137: {  	v16 =	vld [tilespmem:s23+$0x0];
	v14 =	vshll.u32 v14, $0x4  }
0x138: {  	v14 =	vor.u32 v7, v14;
	[tilespmem:v10+s14+$0x0] =	vst.idx.add.f32.msk $0xffff, v2  }
0x139: {  	v10 =	vshll.u32 v15, $0x4;
	[tilespmem:v13+s14+$0x0] =	vst.idx.add.f32.msk $0xffff, v2  }
0x13a: {  	v10 =	vor.u32 v7, v10;
	v13 =	vld [tilespmem:s18+$0x4B0]  }
0x13b: {  	v11 =	vshll.u32 v11, $0x4;
	[tilespmem:v12+s14+$0x0] =	vst.idx.add.f32.msk $0xffff, v2  }
0x13c: {  	v12 =	vshll.u32 v16, $0x4;
	v11 =	vor.u32 v1, v11;
	v15 =	vld [tilespmem:s18+$0x430]  }
0x13d: {  	v12 =	vor.u32 v1, v12;
	[tilespmem:v14+s14+$0x0] =	vst.idx.add.f32.msk $0xffff, v2  }
0x13e: {  	v14 =	vld [tilespmem:s19+$0xE0]  }
0x13f: {  	[tilespmem:v10+s14+$0x0] =	vst.idx.add.f32.msk $0xffff, v2;
	v10 =	vshll.u32 v13, $0x4  }
0x140: {  	v13 =	vld [tilespmem:s19+$0x60];
	v10 =	vor.u32 v5, v10  }
0x141: {  	[tilespmem:v11+s14+$0x0] =	vst.idx.add.f32.msk $0xffff, v2;
	v11 =	vshll.u32 v15, $0x4  }
0x142: {  	v15 =	vld [tilespmem:s23+$0x90];
	v11 =	vor.u32 v5, v11  }
0x143: {  	[tilespmem:v12+s14+$0x0] =	vst.idx.add.f32.msk $0xffff, v2;
	v12 =	vshll.u32 v14, $0x4  }
0x144: {  	v14 =	vld [tilespmem:s23+$0x10];
	v12 =	vor.u32 v8, v12  }
0x145: {  	v13 =	vshll.u32 v13, $0x4;
	[tilespmem:v10+s14+$0x0] =	vst.idx.add.f32.msk $0xffff, v2  }
0x146: {  	v10 =	vor.u32 v8, v13;
	v13 =	vld [tilespmem:s18+$0x4C0]  }
0x147: {  	v15 =	vshll.u32 v15, $0x4;
	[tilespmem:v11+s14+$0x0] =	vst.idx.add.f32.msk $0xffff, v2  }
0x148: {  	v11 =	vor.u32 v3, v15;
	v15 =	vld [tilespmem:s18+$0x440]  }
0x149: {  	v14 =	vshll.u32 v14, $0x4;
	[tilespmem:v12+s14+$0x0] =	vst.idx.add.f32.msk $0xffff, v2  }
0x14a: {  	v12 =	vor.u32 v3, v14;
	v14 =	vld [tilespmem:s19+$0xF0]  }
0x14b: {  	[tilespmem:v10+s14+$0x0] =	vst.idx.add.f32.msk $0xffff, v2;
	v10 =	vshll.u32 v13, $0x4  }
0x14c: {  	v13 =	vld [tilespmem:s19+$0x70];
	v10 =	vor.u32 v6, v10  }
0x14d: {  	[tilespmem:v11+s14+$0x0] =	vst.idx.add.f32.msk $0xffff, v2;
	v11 =	vshll.u32 v15, $0x4  }
0x14e: {  	v15 =	vld [tilespmem:s23+$0xA0];
	v11 =	vor.u32 v6, v11  }
0x14f: {  	[tilespmem:v12+s14+$0x0] =	vst.idx.add.f32.msk $0xffff, v2;
	v12 =	vshll.u32 v14, $0x4  }
0x150: {  	v14 =	vld [tilespmem:s23+$0x20];
	v12 =	vor.u32 v9, v12  }
0x151: {  	v13 =	vshll.u32 v13, $0x4;
	[tilespmem:v10+s14+$0x0] =	vst.idx.add.f32.msk $0xffff, v2  }
0x152: {  	v10 =	vor.u32 v9, v13;
	v13 =	vld [tilespmem:s18+$0x4D0]  }
0x153: {  	v15 =	vshll.u32 v15, $0x4;
	[tilespmem:v11+s14+$0x0] =	vst.idx.add.f32.msk $0xffff, v2  }
0x154: {  	v11 =	vor.u32 v4, v15;
	v15 =	vld [tilespmem:s18+$0x450]  }
0x155: {  	v14 =	vshll.u32 v14, $0x4;
	[tilespmem:v12+s14+$0x0] =	vst.idx.add.f32.msk $0xffff, v2  }
0x156: {  	v12 =	vor.u32 v4, v14;
	v14 =	vld [tilespmem:s19+$0x480]  }
0x157: {  	[tilespmem:v10+s14+$0x0] =	vst.idx.add.f32.msk $0xffff, v2;
	v10 =	vshll.u32 v13, $0x4  }
0x158: {  	v13 =	vld [tilespmem:s19+$0x400];
	v10 =	vor.u32 v7, v10  }
0x159: {  	[tilespmem:v11+s14+$0x0] =	vst.idx.add.f32.msk $0xffff, v2;
	v11 =	vshll.u32 v15, $0x4  }
0x15a: {  	v15 =	vld [tilespmem:s23+$0xB0];
	v11 =	vor.u32 v7, v11  }
0x15b: {  	[tilespmem:v12+s14+$0x0] =	vst.idx.add.f32.msk $0xffff, v2;
	v12 =	vshll.u32 v14, $0x4  }
0x15c: {  	v14 =	vld [tilespmem:s23+$0x30];
	v12 =	vor.u32 v1, v12  }
0x15d: {  	v13 =	vshll.u32 v13, $0x4;
	[tilespmem:v10+s14+$0x0] =	vst.idx.add.f32.msk $0xffff, v2  }
0x15e: {  	v10 =	vor.u32 v1, v13;
	v13 =	vld [tilespmem:s18+$0x4E0]  }
0x15f: {  	v15 =	vshll.u32 v15, $0x4;
	[tilespmem:v11+s14+$0x0] =	vst.idx.add.f32.msk $0xffff, v2  }
0x160: {  	v11 =	vor.u32 v5, v15;
	v15 =	vld [tilespmem:s18+$0x460]  }
0x161: {  	v14 =	vshll.u32 v14, $0x4;
	[tilespmem:v12+s14+$0x0] =	vst.idx.add.f32.msk $0xffff, v2  }
0x162: {  	v12 =	vor.u32 v5, v14;
	v14 =	vld [tilespmem:s19+$0x490]  }
0x163: {  	[tilespmem:v10+s14+$0x0] =	vst.idx.add.f32.msk $0xffff, v2;
	v10 =	vshll.u32 v13, $0x4  }
0x164: {  	v13 =	vld [tilespmem:s19+$0x410];
	v10 =	vor.u32 v8, v10  }
0x165: {  	[tilespmem:v11+s14+$0x0] =	vst.idx.add.f32.msk $0xffff, v2;
	v11 =	vshll.u32 v15, $0x4  }
0x166: {  	v15 =	vld [tilespmem:s23+$0xC0];
	v11 =	vor.u32 v8, v11  }
0x167: {  	[tilespmem:v12+s14+$0x0] =	vst.idx.add.f32.msk $0xffff, v2;
	v12 =	vshll.u32 v14, $0x4  }
0x168: {  	v14 =	vld [tilespmem:s23+$0x40];
	v12 =	vor.u32 v3, v12  }
0x169: {  	v13 =	vshll.u32 v13, $0x4;
	[tilespmem:v10+s14+$0x0] =	vst.idx.add.f32.msk $0xffff, v2  }
0x16a: {  	v10 =	vor.u32 v3, v13;
	v13 =	vld [tilespmem:s18+$0x4F0]  }
0x16b: {  	v15 =	vshll.u32 v15, $0x4;
	[tilespmem:v11+s14+$0x0] =	vst.idx.add.f32.msk $0xffff, v2  }
0x16c: {  	v15 =	vor.u32 v6, v15;
	v16 =	vld [tilespmem:s18+$0x470];
	s18 =	smov.u32 s19;
	s19 =	smov.u32 s23  }
0x16d: {  	v11 =	vshll.u32 v14, $0x4;
	[tilespmem:v12+s14+$0x0] =	vst.idx.add.f32.msk $0xffff, v2  }
0x16e: {  	v17 =	vor.u32 v6, v11;
	v18 =	vld [tilespmem:s18+$0x4A0]  }
.Ltmp0:
0x16f: {  	[tilespmem:v10+s14+$0x0] =	vst.idx.add.f32.msk $0xffff, v2;
	v10 =	vshll.u32 v13, $0x4;
	(pc) =	sbr.rel @p0 .LBB2_2-.Ltmp0, $4  }
0x170: {  	v12 =	vld [tilespmem:s18+$0x420];
	v11 =	vor.u32 v9, v10  }
0x171: {  	[tilespmem:v15+s14+$0x0] =	vst.idx.add.f32.msk $0xffff, v2;
	v10 =	vshll.u32 v16, $0x4  }
0x172: {  	v14 =	vld [tilespmem:s19+$0xD0];
	v10 =	vor.u32 v9, v10  }
0x173: {  	s21 =	sadd.s32 $0x100, s21;
	s22 =	sadd.s32 $0x200, s22;
	[tilespmem:v17+s14+$0x0] =	vst.idx.add.f32.msk $0xffff, v2;
	v13 =	vshll.u32 v18, $0x4  }
0x174: {  	v15 =	vld [tilespmem:s19+$0x50];
	_ =	sdelay $0x2  }
0x175: {  	v14 =	vshll.u32 v14, $0x4  }
0x176: {  	v14 =	vor.u32 v7, v14  }
0x177: {  	v15 =	vshll.u32 v15, $0x4  }
0x178: {  	v15 =	vor.u32 v7, v15;
	_ =	sdelay $0x2  }
0x179: {  	[tilespmem:v14+s14+$0x0] =	vst.idx.add.f32.msk $0xffff, v2  }
0x17a: {  	v14 =	vld [tilespmem:s19+$0xE0]  }
0x17b: {  	[tilespmem:v15+s14+$0x0] =	vst.idx.add.f32.msk $0xffff, v2  }
0x17c: {  	v15 =	vld [tilespmem:s19+$0x60];
	_ =	sdelay $0x2  }
0x17d: {  	v14 =	vshll.u32 v14, $0x4  }
0x17e: {  	v14 =	vor.u32 v8, v14  }
0x17f: {  	v15 =	vshll.u32 v15, $0x4  }
0x180: {  	v15 =	vor.u32 v8, v15;
	_ =	sdelay $0x2  }
0x181: {  	[tilespmem:v14+s14+$0x0] =	vst.idx.add.f32.msk $0xffff, v2  }
0x182: {  	v14 =	vld [tilespmem:s19+$0xF0]  }
0x183: {  	[tilespmem:v15+s14+$0x0] =	vst.idx.add.f32.msk $0xffff, v2  }
0x184: {  	v15 =	vld [tilespmem:s19+$0x70];
	_ =	sdelay $0x2  }
0x185: {  	v14 =	vshll.u32 v14, $0x4  }
0x186: {  	v14 =	vor.u32 v9, v14  }
0x187: {  	v15 =	vshll.u32 v15, $0x4  }
0x188: {  	v15 =	vor.u32 v9, v15;
	_ =	sdelay $0x2  }
0x189: {  	[tilespmem:v14+s14+$0x0] =	vst.idx.add.f32.msk $0xffff, v2  }
0x18a: {  	v14 =	vld [tilespmem:s19+$0x480]  }
0x18b: {  	[tilespmem:v15+s14+$0x0] =	vst.idx.add.f32.msk $0xffff, v2  }
0x18c: {  	v15 =	vld [tilespmem:s19+$0x400];
	_ =	sdelay $0x2  }
0x18d: {  	v14 =	vshll.u32 v14, $0x4  }
0x18e: {  	v14 =	vor.u32 v1, v14  }
0x18f: {  	v15 =	vshll.u32 v15, $0x4  }
0x190: {  	v15 =	vor.u32 v1, v15;
	_ =	sdelay $0x2  }
0x191: {  	[tilespmem:v14+s14+$0x0] =	vst.idx.add.f32.msk $0xffff, v2  }
0x192: {  	v14 =	vld [tilespmem:s19+$0x490]  }
0x193: {  	[tilespmem:v15+s14+$0x0] =	vst.idx.add.f32.msk $0xffff, v2  }
0x194: {  	v15 =	vld [tilespmem:s19+$0x410];
	_ =	sdelay $0x2  }
0x195: {  	v14 =	vshll.u32 v14, $0x4  }
0x196: {  	v14 =	vor.u32 v3, v14  }
0x197: {  	v15 =	vshll.u32 v15, $0x4  }
0x198: {  	v15 =	vor.u32 v3, v15;
	_ =	sdelay $0x2  }
0x199: {  	v12 =	vshll.u32 v12, $0x4;
	[tilespmem:v14+s14+$0x0] =	vst.idx.add.f32.msk $0xffff, v2  }
0x19a: {  	v12 =	vor.u32 v4, v12;
	v14 =	vld [tilespmem:s19+$0x4A0]  }
0x19b: {  	[tilespmem:v15+s14+$0x0] =	vst.idx.add.f32.msk $0xffff, v2  }
0x19c: {  	v13 =	vor.u32 v4, v13;
	v15 =	vld [tilespmem:s19+$0x420];
	_ =	sdelay $0x2  }
0x19d: {  	[tilespmem:v12+s14+$0x0] =	vst.idx.add.f32.msk $0xffff, v2;
	v14 =	vshll.u32 v14, $0x4  }
0x19e: {  	v12 =	vld [tilespmem:s18+$0x430];
	v14 =	vor.u32 v4, v14  }
0x19f: {  	[tilespmem:v13+s14+$0x0] =	vst.idx.add.f32.msk $0xffff, v2;
	v13 =	vshll.u32 v15, $0x4  }
0x1a0: {  	v15 =	vld [tilespmem:s18+$0x4B0];
	v13 =	vor.u32 v4, v13;
	_ =	sdelay $0x2  }
0x1a1: {  	v12 =	vshll.u32 v12, $0x4;
	[tilespmem:v14+s14+$0x0] =	vst.idx.add.f32.msk $0xffff, v2  }
0x1a2: {  	v12 =	vor.u32 v5, v12;
	v14 =	vld [tilespmem:s19+$0x4B0]  }
0x1a3: {  	v15 =	vshll.u32 v15, $0x4;
	[tilespmem:v13+s14+$0x0] =	vst.idx.add.f32.msk $0xffff, v2  }
0x1a4: {  	v13 =	vor.u32 v5, v15;
	v15 =	vld [tilespmem:s19+$0x430];
	_ =	sdelay $0x2  }
0x1a5: {  	[tilespmem:v12+s14+$0x0] =	vst.idx.add.f32.msk $0xffff, v2;
	v14 =	vshll.u32 v14, $0x4  }
0x1a6: {  	v12 =	vld [tilespmem:s18+$0x440];
	v14 =	vor.u32 v5, v14  }
0x1a7: {  	[tilespmem:v13+s14+$0x0] =	vst.idx.add.f32.msk $0xffff, v2;
	v13 =	vshll.u32 v15, $0x4  }
0x1a8: {  	v15 =	vld [tilespmem:s18+$0x4C0];
	v13 =	vor.u32 v5, v13;
	_ =	sdelay $0x2  }
0x1a9: {  	v12 =	vshll.u32 v12, $0x4;
	[tilespmem:v14+s14+$0x0] =	vst.idx.add.f32.msk $0xffff, v2  }
0x1aa: {  	v12 =	vor.u32 v6, v12;
	v14 =	vld [tilespmem:s19+$0x4C0]  }
0x1ab: {  	v15 =	vshll.u32 v15, $0x4;
	[tilespmem:v13+s14+$0x0] =	vst.idx.add.f32.msk $0xffff, v2  }
0x1ac: {  	v13 =	vor.u32 v6, v15;
	v15 =	vld [tilespmem:s19+$0x440];
	_ =	sdelay $0x2  }
0x1ad: {  	[tilespmem:v12+s14+$0x0] =	vst.idx.add.f32.msk $0xffff, v2;
	v14 =	vshll.u32 v14, $0x4  }
0x1ae: {  	v12 =	vld [tilespmem:s18+$0x450];
	v14 =	vor.u32 v6, v14  }
0x1af: {  	[tilespmem:v13+s14+$0x0] =	vst.idx.add.f32.msk $0xffff, v2;
	v13 =	vshll.u32 v15, $0x4  }
0x1b0: {  	v15 =	vld [tilespmem:s18+$0x4D0];
	v13 =	vor.u32 v6, v13;
	_ =	sdelay $0x2  }
0x1b1: {  	[tilespmem:v14+s14+$0x0] =	vst.idx.add.f32.msk $0xffff, v2  }
0x1b2: {  	v12 =	vshll.u32 v12, $0x4;
	v14 =	vld [tilespmem:s19+$0x4D0]  }
0x1b3: {  	v12 =	vor.u32 v7, v12;
	v15 =	vshll.u32 v15, $0x4;
	[tilespmem:v13+s14+$0x0] =	vst.idx.add.f32.msk $0xffff, v2  }
0x1b4: {  	v13 =	vor.u32 v7, v15;
	v15 =	vld [tilespmem:s19+$0x450];
	_ =	sdelay $0x2  }
0x1b5: {  	v14 =	vshll.u32 v14, $0x4  }
0x1b6: {  	[tilespmem:v12+s14+$0x0] =	vst.idx.add.f32.msk $0xffff, v2;
	v14 =	vor.u32 v7, v14  }
0x1b7: {  	[tilespmem:v13+s14+$0x0] =	vst.idx.add.f32.msk $0xffff, v2;
	v13 =	vshll.u32 v15, $0x4  }
0x1b8: {  	v15 =	vld [tilespmem:s18+$0x4E0];
	v13 =	vor.u32 v7, v13  }
0x1b9: {  	v12 =	vld [tilespmem:s18+$0x460];
	_ =	sdelay $0x1  }
0x1ba: {  	[tilespmem:v14+s14+$0x0] =	vst.idx.add.f32.msk $0xffff, v2  }
0x1bb: {  	v14 =	vld [tilespmem:s19+$0x4E0]  }
0x1bc: {  	v15 =	vshll.u32 v15, $0x4;
	[tilespmem:v13+s14+$0x0] =	vst.idx.add.f32.msk $0xffff, v2  }
0x1bd: {  	v12 =	vshll.u32 v12, $0x4;
	v13 =	vor.u32 v8, v15;
	v15 =	vld [tilespmem:s19+$0x460]  }
0x1be: {  	v12 =	vor.u32 v8, v12;
	_ =	sdelay $0x1  }
0x1bf: {  	v14 =	vshll.u32 v14, $0x4  }
0x1c0: {  	v14 =	vor.u32 v8, v14  }
0x1c1: {  	[tilespmem:v13+s14+$0x0] =	vst.idx.add.f32.msk $0xffff, v2;
	v13 =	vshll.u32 v15, $0x4  }
0x1c2: {  	[tilespmem:v12+s14+$0x0] =	vst.idx.add.f32.msk $0xffff, v2;
	v13 =	vor.u32 v8, v13  }
0x1c3: {  	v12 =	vld [tilespmem:s18+$0x470]  }
0x1c4: {  	v15 =	vld [tilespmem:s18+$0x4F0]  }
0x1c5: {  	[tilespmem:v14+s14+$0x0] =	vst.idx.add.f32.msk $0xffff, v2  }
0x1c6: {  	v14 =	vld [tilespmem:s19+$0x4F0]  }
0x1c7: {  	[tilespmem:v13+s14+$0x0] =	vst.idx.add.f32.msk $0xffff, v2  }
0x1c8: {  	v13 =	vld [tilespmem:s19+$0x470];
	_ =	sdelay $0x1  }
0x1c9: {  	v12 =	vshll.u32 v12, $0x4  }
0x1ca: {  	v12 =	vor.u32 v9, v12;
	v15 =	vshll.u32 v15, $0x4  }
0x1cb: {  	v15 =	vor.u32 v9, v15;
	v14 =	vshll.u32 v14, $0x4  }
0x1cc: {  	v14 =	vor.u32 v9, v14;
	v13 =	vshll.u32 v13, $0x4  }
0x1cd: {  	[tilespmem:v11+s14+$0x0] =	vst.idx.add.f32.msk $0xffff, v2;
	v11 =	vor.u32 v9, v13  }
0x1ce: {  	[tilespmem:v10+s14+$0x0] =	vst.idx.add.f32.msk $0xffff, v2  }
0x1cf: {  	[tilespmem:v12+s14+$0x0] =	vst.idx.add.f32.msk $0xffff, v2  }
0x1d0: {  	[tilespmem:v15+s14+$0x0] =	vst.idx.add.f32.msk $0xffff, v2  }
0x1d1: {  	[tilespmem:v14+s14+$0x0] =	vst.idx.add.f32.msk $0xffff, v2  }
0x1d2: {  	[tilespmem:v11+s14+$0x0] =	vst.idx.add.f32.msk $0xffff, v2  }
0x1d3: {  	s26 =	simm.s32 $0x0;
	_ =	swait.ge [sflag:s15], $0x6800  }
0x1d4: {  	s28 =	sand.u32 $0x7800, s26;
	s18 =	sand.u32 $0x300, s26;
	[sflag:s15] =	ssyncset.done $0x0  }
0x1d5: {  	s20 =	sor.u32 s18, s28;
	[sflag:s15] =	ssyncadd.s32 $0xFFFF9800  }
0x1d6: {  	v10 =	vld [tilespmem:s20+$0x6880]  }
0x1d7: {  	v11 =	vld [tilespmem:s20+$0x6800];
	_ =	sdelay $0x3  }
0x1d8: {  	v10 =	vshll.u32 v10, $0x4  }
0x1d9: {  	v11 =	vshll.u32 v11, $0x4;
	v10 =	vor.u32 v1, v10  }
0x1da: {  	v11 =	vor.u32 v1, v11;
	_ =	sdelay $0x3  }
0x1db: {  	[tilespmem:v10+s14+$0x0] =	vst.idx.add.f32.msk $0xffff, v2  }
0x1dc: {  	[tilespmem:v11+s14+$0x0] =	vst.idx.add.f32.msk $0xffff, v2  }
0x1dd: {  	v10 =	vld [tilespmem:s20+$0x6890]  }
0x1de: {  	v11 =	vld [tilespmem:s20+$0x6810];
	_ =	sdelay $0x3  }
0x1df: {  	v10 =	vshll.u32 v10, $0x4  }
0x1e0: {  	v11 =	vshll.u32 v11, $0x4;
	v10 =	vor.u32 v3, v10  }
0x1e1: {  	v11 =	vor.u32 v3, v11;
	_ =	sdelay $0x3  }
0x1e2: {  	[tilespmem:v10+s14+$0x0] =	vst.idx.add.f32.msk $0xffff, v2  }
0x1e3: {  	[tilespmem:v11+s14+$0x0] =	vst.idx.add.f32.msk $0xffff, v2  }
0x1e4: {  	v10 =	vld [tilespmem:s20+$0x68A0]  }
0x1e5: {  	v11 =	vld [tilespmem:s20+$0x6820];
	_ =	sdelay $0x3  }
0x1e6: {  	v10 =	vshll.u32 v10, $0x4  }
0x1e7: {  	v11 =	vshll.u32 v11, $0x4;
	v10 =	vor.u32 v4, v10  }
0x1e8: {  	v11 =	vor.u32 v4, v11;
	_ =	sdelay $0x3  }
0x1e9: {  	[tilespmem:v10+s14+$0x0] =	vst.idx.add.f32.msk $0xffff, v2  }
0x1ea: {  	[tilespmem:v11+s14+$0x0] =	vst.idx.add.f32.msk $0xffff, v2  }
0x1eb: {  	v10 =	vld [tilespmem:s20+$0x68B0]  }
0x1ec: {  	v11 =	vld [tilespmem:s20+$0x6830];
	_ =	sdelay $0x3  }
0x1ed: {  	v10 =	vshll.u32 v10, $0x4  }
0x1ee: {  	v11 =	vshll.u32 v11, $0x4;
	v10 =	vor.u32 v5, v10  }
0x1ef: {  	v11 =	vor.u32 v5, v11;
	_ =	sdelay $0x3  }
0x1f0: {  	[tilespmem:v10+s14+$0x0] =	vst.idx.add.f32.msk $0xffff, v2  }
0x1f1: {  	[tilespmem:v11+s14+$0x0] =	vst.idx.add.f32.msk $0xffff, v2  }
0x1f2: {  	v10 =	vld [tilespmem:s20+$0x68C0]  }
0x1f3: {  	v11 =	vld [tilespmem:s20+$0x6840];
	_ =	sdelay $0x3  }
0x1f4: {  	v10 =	vshll.u32 v10, $0x4  }
0x1f5: {  	v11 =	vshll.u32 v11, $0x4;
	v10 =	vor.u32 v6, v10  }
0x1f6: {  	v11 =	vor.u32 v6, v11;
	_ =	sdelay $0x3  }
0x1f7: {  	[tilespmem:v10+s14+$0x0] =	vst.idx.add.f32.msk $0xffff, v2  }
0x1f8: {  	[tilespmem:v11+s14+$0x0] =	vst.idx.add.f32.msk $0xffff, v2  }
0x1f9: {  	v10 =	vld [tilespmem:s20+$0x68D0]  }
0x1fa: {  	v11 =	vld [tilespmem:s20+$0x6850]  }
0x1fb: {  	s29 =	simm.s32 $0x100;
	s30 =	simm.s32 $0x200  }
0x1fc: {  	s18 =	sand.u32 $0x300, s29;
	s19 =	sand.u32 $0x7800, s30  }
0x1fd: {  	s18 =	sor.u32 s18, s19  }
0x1fe: {  	v12 =	vld [tilespmem:s18+$0x6880];
	v10 =	vshll.u32 v10, $0x4  }
0x1ff: {  	v11 =	vshll.u32 v11, $0x4;
	v10 =	vor.u32 v7, v10  }
0x200: {  	v13 =	vld [tilespmem:s18+$0x6800];
	v11 =	vor.u32 v7, v11;
	_ =	sdelay $0x2  }
0x201: {  	v12 =	vshll.u32 v12, $0x4  }
0x202: {  	v12 =	vor.u32 v1, v12;
	[tilespmem:v10+s14+$0x0] =	vst.idx.add.f32.msk $0xffff, v2  }
0x203: {  	v13 =	vshll.u32 v13, $0x4;
	[tilespmem:v11+s14+$0x0] =	vst.idx.add.f32.msk $0xffff, v2  }
0x204: {  	v10 =	vor.u32 v1, v13;
	v13 =	vld [tilespmem:s20+$0x68E0]  }
0x205: {  	v11 =	vld [tilespmem:s20+$0x6860];
	_ =	sdelay $0x1  }
0x206: {  	[tilespmem:v12+s14+$0x0] =	vst.idx.add.f32.msk $0xffff, v2  }
0x207: {  	v12 =	vld [tilespmem:s18+$0x6890]  }
0x208: {  	[tilespmem:v10+s14+$0x0] =	vst.idx.add.f32.msk $0xffff, v2;
	v10 =	vshll.u32 v13, $0x4  }
0x209: {  	v11 =	vshll.u32 v11, $0x4;
	v10 =	vor.u32 v8, v10  }
0x20a: {  	v13 =	vld [tilespmem:s18+$0x6810];
	v11 =	vor.u32 v8, v11;
	_ =	sdelay $0x2  }
0x20b: {  	v12 =	vshll.u32 v12, $0x4  }
0x20c: {  	v12 =	vor.u32 v3, v12;
	[tilespmem:v10+s14+$0x0] =	vst.idx.add.f32.msk $0xffff, v2  }
0x20d: {  	v13 =	vshll.u32 v13, $0x4;
	[tilespmem:v11+s14+$0x0] =	vst.idx.add.f32.msk $0xffff, v2  }
0x20e: {  	v10 =	vor.u32 v3, v13;
	v13 =	vld [tilespmem:s20+$0x68F0]  }
0x20f: {  	v11 =	vld [tilespmem:s20+$0x6870];
	_ =	sdelay $0x1  }
0x210: {  	[tilespmem:v12+s14+$0x0] =	vst.idx.add.f32.msk $0xffff, v2  }
0x211: {  	v12 =	vld [tilespmem:s18+$0x68A0]  }
0x212: {  	[tilespmem:v10+s14+$0x0] =	vst.idx.add.f32.msk $0xffff, v2;
	v10 =	vshll.u32 v13, $0x4  }
0x213: {  	v11 =	vshll.u32 v11, $0x4;
	v10 =	vor.u32 v9, v10  }
0x214: {  	v13 =	vld [tilespmem:s18+$0x6820];
	v11 =	vor.u32 v9, v11;
	_ =	sdelay $0x2  }
0x215: {  	v12 =	vshll.u32 v12, $0x4  }
0x216: {  	v12 =	vor.u32 v4, v12;
	[tilespmem:v10+s14+$0x0] =	vst.idx.add.f32.msk $0xffff, v2  }
0x217: {  	v13 =	vshll.u32 v13, $0x4;
	[tilespmem:v11+s14+$0x0] =	vst.idx.add.f32.msk $0xffff, v2  }
0x218: {  	v10 =	vor.u32 v4, v13;
	v13 =	vld [tilespmem:s20+$0x6C80]  }
0x219: {  	v11 =	vld [tilespmem:s20+$0x6C00];
	_ =	sdelay $0x1  }
0x21a: {  	[tilespmem:v12+s14+$0x0] =	vst.idx.add.f32.msk $0xffff, v2  }
0x21b: {  	v12 =	vld [tilespmem:s18+$0x68B0]  }
0x21c: {  	[tilespmem:v10+s14+$0x0] =	vst.idx.add.f32.msk $0xffff, v2;
	v10 =	vshll.u32 v13, $0x4  }
0x21d: {  	v11 =	vshll.u32 v11, $0x4;
	v10 =	vor.u32 v1, v10  }
0x21e: {  	v13 =	vld [tilespmem:s18+$0x6830];
	v11 =	vor.u32 v1, v11;
	_ =	sdelay $0x2  }
0x21f: {  	v12 =	vshll.u32 v12, $0x4  }
0x220: {  	v12 =	vor.u32 v5, v12;
	[tilespmem:v10+s14+$0x0] =	vst.idx.add.f32.msk $0xffff, v2  }
0x221: {  	v13 =	vshll.u32 v13, $0x4;
	[tilespmem:v11+s14+$0x0] =	vst.idx.add.f32.msk $0xffff, v2  }
0x222: {  	v10 =	vor.u32 v5, v13;
	v13 =	vld [tilespmem:s20+$0x6C90]  }
0x223: {  	v11 =	vld [tilespmem:s20+$0x6C10];
	_ =	sdelay $0x1  }
0x224: {  	[tilespmem:v12+s14+$0x0] =	vst.idx.add.f32.msk $0xffff, v2  }
0x225: {  	v12 =	vld [tilespmem:s18+$0x68C0]  }
0x226: {  	[tilespmem:v10+s14+$0x0] =	vst.idx.add.f32.msk $0xffff, v2;
	v10 =	vshll.u32 v13, $0x4  }
0x227: {  	v11 =	vshll.u32 v11, $0x4;
	v10 =	vor.u32 v3, v10  }
0x228: {  	v13 =	vld [tilespmem:s18+$0x6840];
	v11 =	vor.u32 v3, v11;
	_ =	sdelay $0x2  }
0x229: {  	v12 =	vshll.u32 v12, $0x4  }
0x22a: {  	v12 =	vor.u32 v6, v12;
	[tilespmem:v10+s14+$0x0] =	vst.idx.add.f32.msk $0xffff, v2  }
0x22b: {  	v13 =	vshll.u32 v13, $0x4;
	[tilespmem:v11+s14+$0x0] =	vst.idx.add.f32.msk $0xffff, v2  }
0x22c: {  	v10 =	vor.u32 v6, v13;
	v13 =	vld [tilespmem:s20+$0x6CA0]  }
0x22d: {  	v11 =	vld [tilespmem:s20+$0x6C20];
	_ =	sdelay $0x1  }
0x22e: {  	[tilespmem:v12+s14+$0x0] =	vst.idx.add.f32.msk $0xffff, v2  }
0x22f: {  	s31 =	simm.s32 $0x200;
	s21 =	simm.s32 $0x400;
	v12 =	vld [tilespmem:s18+$0x68D0]  }
0x230: {  	s21 =	sand.u32 $0x7800, s21;
	s19 =	sand.u32 $0x300, s31;
	[tilespmem:v10+s14+$0x0] =	vst.idx.add.f32.msk $0xffff, v2;
	v10 =	vshll.u32 v13, $0x4  }
0x231: {  	s19 =	sor.u32 s19, s21;
	v13 =	vld [tilespmem:s18+$0x6850];
	v11 =	vshll.u32 v11, $0x4;
	v10 =	vor.u32 v4, v10  }
0x232: {  	v14 =	vld [tilespmem:s19+$0x6880];
	v11 =	vor.u32 v4, v11;
	_ =	sdelay $0x1  }
0x233: {  	v12 =	vshll.u32 v12, $0x4  }
0x234: {  	v15 =	vld [tilespmem:s19+$0x6800];
	v12 =	vor.u32 v7, v12  }
0x235: {  	v13 =	vshll.u32 v13, $0x4;
	[tilespmem:v10+s14+$0x0] =	vst.idx.add.f32.msk $0xffff, v2  }
0x236: {  	v14 =	vshll.u32 v14, $0x4;
	v10 =	vor.u32 v7, v13;
	[tilespmem:v11+s14+$0x0] =	vst.idx.add.f32.msk $0xffff, v2  }
0x237: {  	v11 =	vor.u32 v1, v14;
	v13 =	vld [tilespmem:s20+$0x6CB0]  }
0x238: {  	v14 =	vld [tilespmem:s20+$0x6C30]  }
0x239: {  	v15 =	vshll.u32 v15, $0x4;
	[tilespmem:v12+s14+$0x0] =	vst.idx.add.f32.msk $0xffff, v2  }
0x23a: {  	v12 =	vor.u32 v1, v15;
	v15 =	vld [tilespmem:s18+$0x68E0]  }
0x23b: {  	[tilespmem:v10+s14+$0x0] =	vst.idx.add.f32.msk $0xffff, v2  }
0x23c: {  	[tilespmem:v11+s14+$0x0] =	vst.idx.add.f32.msk $0xffff, v2;
	v10 =	vshll.u32 v13, $0x4  }
0x23d: {  	v13 =	vld [tilespmem:s18+$0x6860];
	v11 =	vshll.u32 v14, $0x4;
	v10 =	vor.u32 v5, v10  }
0x23e: {  	v14 =	vld [tilespmem:s19+$0x6890];
	v11 =	vor.u32 v5, v11;
	_ =	sdelay $0x1  }
0x23f: {  	[tilespmem:v12+s14+$0x0] =	vst.idx.add.f32.msk $0xffff, v2;
	v12 =	vshll.u32 v15, $0x4  }
0x240: {  	v15 =	vld [tilespmem:s19+$0x6810];
	v12 =	vor.u32 v8, v12  }
0x241: {  	v13 =	vshll.u32 v13, $0x4;
	[tilespmem:v10+s14+$0x0] =	vst.idx.add.f32.msk $0xffff, v2  }
0x242: {  	v14 =	vshll.u32 v14, $0x4;
	v10 =	vor.u32 v8, v13;
	[tilespmem:v11+s14+$0x0] =	vst.idx.add.f32.msk $0xffff, v2  }
0x243: {  	v11 =	vor.u32 v3, v14;
	v13 =	vld [tilespmem:s20+$0x6CC0]  }
0x244: {  	v14 =	vld [tilespmem:s20+$0x6C40]  }
0x245: {  	v15 =	vshll.u32 v15, $0x4;
	[tilespmem:v12+s14+$0x0] =	vst.idx.add.f32.msk $0xffff, v2  }
0x246: {  	v12 =	vor.u32 v3, v15;
	v15 =	vld [tilespmem:s18+$0x68F0]  }
0x247: {  	[tilespmem:v10+s14+$0x0] =	vst.idx.add.f32.msk $0xffff, v2  }
0x248: {  	[tilespmem:v11+s14+$0x0] =	vst.idx.add.f32.msk $0xffff, v2;
	v10 =	vshll.u32 v13, $0x4  }
0x249: {  	v13 =	vld [tilespmem:s18+$0x6870];
	v11 =	vshll.u32 v14, $0x4;
	v10 =	vor.u32 v6, v10  }
0x24a: {  	v14 =	vld [tilespmem:s19+$0x68A0];
	v11 =	vor.u32 v6, v11;
	_ =	sdelay $0x1  }
0x24b: {  	[tilespmem:v12+s14+$0x0] =	vst.idx.add.f32.msk $0xffff, v2;
	v12 =	vshll.u32 v15, $0x4  }
0x24c: {  	v15 =	vld [tilespmem:s19+$0x6820];
	v12 =	vor.u32 v9, v12  }
0x24d: {  	v13 =	vshll.u32 v13, $0x4;
	[tilespmem:v10+s14+$0x0] =	vst.idx.add.f32.msk $0xffff, v2  }
0x24e: {  	v14 =	vshll.u32 v14, $0x4;
	v10 =	vor.u32 v9, v13;
	[tilespmem:v11+s14+$0x0] =	vst.idx.add.f32.msk $0xffff, v2  }
0x24f: {  	v11 =	vor.u32 v4, v14;
	v13 =	vld [tilespmem:s20+$0x6CD0]  }
0x250: {  	v14 =	vld [tilespmem:s20+$0x6C50]  }
0x251: {  	v15 =	vshll.u32 v15, $0x4;
	[tilespmem:v12+s14+$0x0] =	vst.idx.add.f32.msk $0xffff, v2  }
0x252: {  	v12 =	vor.u32 v4, v15;
	v15 =	vld [tilespmem:s18+$0x6C80]  }
0x253: {  	[tilespmem:v10+s14+$0x0] =	vst.idx.add.f32.msk $0xffff, v2  }
0x254: {  	[tilespmem:v11+s14+$0x0] =	vst.idx.add.f32.msk $0xffff, v2;
	v10 =	vshll.u32 v13, $0x4  }
0x255: {  	v13 =	vld [tilespmem:s18+$0x6C00];
	v11 =	vshll.u32 v14, $0x4;
	v10 =	vor.u32 v7, v10  }
0x256: {  	v14 =	vld [tilespmem:s19+$0x68B0];
	v11 =	vor.u32 v7, v11;
	_ =	sdelay $0x1  }
0x257: {  	[tilespmem:v12+s14+$0x0] =	vst.idx.add.f32.msk $0xffff, v2;
	v12 =	vshll.u32 v15, $0x4  }
0x258: {  	v15 =	vld [tilespmem:s19+$0x6830];
	v12 =	vor.u32 v1, v12  }
0x259: {  	v13 =	vshll.u32 v13, $0x4;
	[tilespmem:v10+s14+$0x0] =	vst.idx.add.f32.msk $0xffff, v2  }
0x25a: {  	v14 =	vshll.u32 v14, $0x4;
	v10 =	vor.u32 v1, v13;
	[tilespmem:v11+s14+$0x0] =	vst.idx.add.f32.msk $0xffff, v2  }
0x25b: {  	v11 =	vor.u32 v5, v14;
	v13 =	vld [tilespmem:s20+$0x6CE0]  }
0x25c: {  	v14 =	vld [tilespmem:s20+$0x6C60]  }
0x25d: {  	v15 =	vshll.u32 v15, $0x4;
	[tilespmem:v12+s14+$0x0] =	vst.idx.add.f32.msk $0xffff, v2  }
0x25e: {  	v12 =	vor.u32 v5, v15;
	v15 =	vld [tilespmem:s18+$0x6C90]  }
0x25f: {  	[tilespmem:v10+s14+$0x0] =	vst.idx.add.f32.msk $0xffff, v2  }
0x260: {  	[tilespmem:v11+s14+$0x0] =	vst.idx.add.f32.msk $0xffff, v2;
	v10 =	vshll.u32 v13, $0x4  }
0x261: {  	v13 =	vld [tilespmem:s18+$0x6C10];
	v11 =	vshll.u32 v14, $0x4;
	v10 =	vor.u32 v8, v10  }
0x262: {  	v14 =	vld [tilespmem:s19+$0x68C0];
	v11 =	vor.u32 v8, v11  }
0x263: {  	[tilespmem:v12+s14+$0x0] =	vst.idx.add.f32.msk $0xffff, v2;
	v12 =	vshll.u32 v15, $0x4  }
0x264: {  	v12 =	vor.u32 v3, v12  }
0x265: {  	v15 =	vld [tilespmem:s19+$0x6840]  }
0x266: {  	v13 =	vshll.u32 v13, $0x4;
	[tilespmem:v10+s14+$0x0] =	vst.idx.add.f32.msk $0xffff, v2  }
0x267: {  	v14 =	vshll.u32 v14, $0x4;
	v10 =	vor.u32 v3, v13;
	[tilespmem:v11+s14+$0x0] =	vst.idx.add.f32.msk $0xffff, v2  }
0x268: {  	v11 =	vor.u32 v6, v14;
	v13 =	vld [tilespmem:s20+$0x6CF0]  }
0x269: {  	[tilespmem:v12+s14+$0x0] =	vst.idx.add.f32.msk $0xffff, v2  }
0x26a: {  	v16 =	vld [tilespmem:s18+$0x6CA0]  }
0x26b: {  	v15 =	vshll.u32 v15, $0x4;
	v14 =	vld [tilespmem:s20+$0x6C70]  }
0x26c: {  	v15 =	vor.u32 v6, v15;
	[tilespmem:v10+s14+$0x0] =	vst.idx.add.f32.msk $0xffff, v2  }
0x26d: {  	[tilespmem:v11+s14+$0x0] =	vst.idx.add.f32.msk $0xffff, v2;
	v10 =	vshll.u32 v13, $0x4  }
0x26e: {  	v12 =	vld [tilespmem:s18+$0x6C20];
	v11 =	vor.u32 v9, v10;
	_ =	sdelay $0x1  }
0x26f: {  	v13 =	vshll.u32 v14, $0x4;
	v14 =	vld [tilespmem:s19+$0x68D0]  }
0x270: {  	s22 =	simm.s32 $0x600;
	s21 =	simm.s32 $0x300;
	[tilespmem:v15+s14+$0x0] =	vst.idx.add.f32.msk $0xffff, v2;
	s20 =	simm.s32 $0x4;
	v10 =	vor.u32 v9, v13;
	v13 =	vshll.u32 v16, $0x4  }
.LBB2_4:
0x271: {  	s23 =	sand.u32 $0x7800, s22;
	s24 =	sand.u32 $0x300, s21;
	s20 =	sadd.s32 $0x2, s20;
	v15 =	vld [tilespmem:s19+$0x6850];
	v13 =	vor.u32 v4, v13  }
0x272: {  	s23 =	sor.u32 s24, s23;
	p0 =	slt.u32 s20, $0x62;
	v12 =	vshll.u32 v12, $0x4;
	[tilespmem:v11+s14+$0x0] =	vst.idx.add.f32.msk $0xffff, v2  }
0x273: {  	v11 =	vld [tilespmem:s23+$0x6880];
	v12 =	vor.u32 v4, v12  }
0x274: {  	v16 =	vld [tilespmem:s23+$0x6800];
	v14 =	vshll.u32 v14, $0x4  }
0x275: {  	v14 =	vor.u32 v7, v14;
	[tilespmem:v10+s14+$0x0] =	vst.idx.add.f32.msk $0xffff, v2  }
0x276: {  	v10 =	vshll.u32 v15, $0x4;
	[tilespmem:v13+s14+$0x0] =	vst.idx.add.f32.msk $0xffff, v2  }
0x277: {  	v10 =	vor.u32 v7, v10;
	v13 =	vld [tilespmem:s18+$0x6CB0]  }
0x278: {  	v11 =	vshll.u32 v11, $0x4;
	[tilespmem:v12+s14+$0x0] =	vst.idx.add.f32.msk $0xffff, v2  }
0x279: {  	v12 =	vshll.u32 v16, $0x4;
	v11 =	vor.u32 v1, v11;
	v15 =	vld [tilespmem:s18+$0x6C30]  }
0x27a: {  	v12 =	vor.u32 v1, v12;
	[tilespmem:v14+s14+$0x0] =	vst.idx.add.f32.msk $0xffff, v2  }
0x27b: {  	v14 =	vld [tilespmem:s19+$0x68E0]  }
0x27c: {  	[tilespmem:v10+s14+$0x0] =	vst.idx.add.f32.msk $0xffff, v2;
	v10 =	vshll.u32 v13, $0x4  }
0x27d: {  	v13 =	vld [tilespmem:s19+$0x6860];
	v10 =	vor.u32 v5, v10  }
0x27e: {  	[tilespmem:v11+s14+$0x0] =	vst.idx.add.f32.msk $0xffff, v2;
	v11 =	vshll.u32 v15, $0x4  }
0x27f: {  	v15 =	vld [tilespmem:s23+$0x6890];
	v11 =	vor.u32 v5, v11  }
0x280: {  	[tilespmem:v12+s14+$0x0] =	vst.idx.add.f32.msk $0xffff, v2;
	v12 =	vshll.u32 v14, $0x4  }
0x281: {  	v14 =	vld [tilespmem:s23+$0x6810];
	v12 =	vor.u32 v8, v12  }
0x282: {  	v13 =	vshll.u32 v13, $0x4;
	[tilespmem:v10+s14+$0x0] =	vst.idx.add.f32.msk $0xffff, v2  }
0x283: {  	v10 =	vor.u32 v8, v13;
	v13 =	vld [tilespmem:s18+$0x6CC0]  }
0x284: {  	v15 =	vshll.u32 v15, $0x4;
	[tilespmem:v11+s14+$0x0] =	vst.idx.add.f32.msk $0xffff, v2  }
0x285: {  	v11 =	vor.u32 v3, v15;
	v15 =	vld [tilespmem:s18+$0x6C40]  }
0x286: {  	v14 =	vshll.u32 v14, $0x4;
	[tilespmem:v12+s14+$0x0] =	vst.idx.add.f32.msk $0xffff, v2  }
0x287: {  	v12 =	vor.u32 v3, v14;
	v14 =	vld [tilespmem:s19+$0x68F0]  }
0x288: {  	[tilespmem:v10+s14+$0x0] =	vst.idx.add.f32.msk $0xffff, v2;
	v10 =	vshll.u32 v13, $0x4  }
0x289: {  	v13 =	vld [tilespmem:s19+$0x6870];
	v10 =	vor.u32 v6, v10  }
0x28a: {  	[tilespmem:v11+s14+$0x0] =	vst.idx.add.f32.msk $0xffff, v2;
	v11 =	vshll.u32 v15, $0x4  }
0x28b: {  	v15 =	vld [tilespmem:s23+$0x68A0];
	v11 =	vor.u32 v6, v11  }
0x28c: {  	[tilespmem:v12+s14+$0x0] =	vst.idx.add.f32.msk $0xffff, v2;
	v12 =	vshll.u32 v14, $0x4  }
0x28d: {  	v14 =	vld [tilespmem:s23+$0x6820];
	v12 =	vor.u32 v9, v12  }
0x28e: {  	v13 =	vshll.u32 v13, $0x4;
	[tilespmem:v10+s14+$0x0] =	vst.idx.add.f32.msk $0xffff, v2  }
0x28f: {  	v10 =	vor.u32 v9, v13;
	v13 =	vld [tilespmem:s18+$0x6CD0]  }
0x290: {  	v15 =	vshll.u32 v15, $0x4;
	[tilespmem:v11+s14+$0x0] =	vst.idx.add.f32.msk $0xffff, v2  }
0x291: {  	v11 =	vor.u32 v4, v15;
	v15 =	vld [tilespmem:s18+$0x6C50]  }
0x292: {  	v14 =	vshll.u32 v14, $0x4;
	[tilespmem:v12+s14+$0x0] =	vst.idx.add.f32.msk $0xffff, v2  }
0x293: {  	v12 =	vor.u32 v4, v14;
	v14 =	vld [tilespmem:s19+$0x6C80]  }
0x294: {  	[tilespmem:v10+s14+$0x0] =	vst.idx.add.f32.msk $0xffff, v2;
	v10 =	vshll.u32 v13, $0x4  }
0x295: {  	v13 =	vld [tilespmem:s19+$0x6C00];
	v10 =	vor.u32 v7, v10  }
0x296: {  	[tilespmem:v11+s14+$0x0] =	vst.idx.add.f32.msk $0xffff, v2;
	v11 =	vshll.u32 v15, $0x4  }
0x297: {  	v15 =	vld [tilespmem:s23+$0x68B0];
	v11 =	vor.u32 v7, v11  }
0x298: {  	[tilespmem:v12+s14+$0x0] =	vst.idx.add.f32.msk $0xffff, v2;
	v12 =	vshll.u32 v14, $0x4  }
0x299: {  	v14 =	vld [tilespmem:s23+$0x6830];
	v12 =	vor.u32 v1, v12  }
0x29a: {  	v13 =	vshll.u32 v13, $0x4;
	[tilespmem:v10+s14+$0x0] =	vst.idx.add.f32.msk $0xffff, v2  }
0x29b: {  	v10 =	vor.u32 v1, v13;
	v13 =	vld [tilespmem:s18+$0x6CE0]  }
0x29c: {  	v15 =	vshll.u32 v15, $0x4;
	[tilespmem:v11+s14+$0x0] =	vst.idx.add.f32.msk $0xffff, v2  }
0x29d: {  	v11 =	vor.u32 v5, v15;
	v15 =	vld [tilespmem:s18+$0x6C60]  }
0x29e: {  	v14 =	vshll.u32 v14, $0x4;
	[tilespmem:v12+s14+$0x0] =	vst.idx.add.f32.msk $0xffff, v2  }
0x29f: {  	v12 =	vor.u32 v5, v14;
	v14 =	vld [tilespmem:s19+$0x6C90]  }
0x2a0: {  	[tilespmem:v10+s14+$0x0] =	vst.idx.add.f32.msk $0xffff, v2;
	v10 =	vshll.u32 v13, $0x4  }
0x2a1: {  	v13 =	vld [tilespmem:s19+$0x6C10];
	v10 =	vor.u32 v8, v10  }
0x2a2: {  	[tilespmem:v11+s14+$0x0] =	vst.idx.add.f32.msk $0xffff, v2;
	v11 =	vshll.u32 v15, $0x4  }
0x2a3: {  	v15 =	vld [tilespmem:s23+$0x68C0];
	v11 =	vor.u32 v8, v11  }
0x2a4: {  	[tilespmem:v12+s14+$0x0] =	vst.idx.add.f32.msk $0xffff, v2;
	v12 =	vshll.u32 v14, $0x4  }
0x2a5: {  	v14 =	vld [tilespmem:s23+$0x6840];
	v12 =	vor.u32 v3, v12  }
0x2a6: {  	v13 =	vshll.u32 v13, $0x4;
	[tilespmem:v10+s14+$0x0] =	vst.idx.add.f32.msk $0xffff, v2  }
0x2a7: {  	v10 =	vor.u32 v3, v13;
	v13 =	vld [tilespmem:s18+$0x6CF0]  }
0x2a8: {  	v15 =	vshll.u32 v15, $0x4;
	[tilespmem:v11+s14+$0x0] =	vst.idx.add.f32.msk $0xffff, v2  }
0x2a9: {  	v15 =	vor.u32 v6, v15;
	v16 =	vld [tilespmem:s18+$0x6C70];
	s18 =	smov.u32 s19;
	s19 =	smov.u32 s23  }
0x2aa: {  	v11 =	vshll.u32 v14, $0x4;
	[tilespmem:v12+s14+$0x0] =	vst.idx.add.f32.msk $0xffff, v2  }
0x2ab: {  	v17 =	vor.u32 v6, v11;
	v18 =	vld [tilespmem:s18+$0x6CA0]  }
.Ltmp1:
0x2ac: {  	[tilespmem:v10+s14+$0x0] =	vst.idx.add.f32.msk $0xffff, v2;
	v10 =	vshll.u32 v13, $0x4;
	(pc) =	sbr.rel @p0 .LBB2_4-.Ltmp1, $4  }
0x2ad: {  	v12 =	vld [tilespmem:s18+$0x6C20];
	v11 =	vor.u32 v9, v10  }
0x2ae: {  	[tilespmem:v15+s14+$0x0] =	vst.idx.add.f32.msk $0xffff, v2;
	v10 =	vshll.u32 v16, $0x4  }
0x2af: {  	v14 =	vld [tilespmem:s19+$0x68D0];
	v10 =	vor.u32 v9, v10  }
0x2b0: {  	s21 =	sadd.s32 $0x100, s21;
	s22 =	sadd.s32 $0x200, s22;
	[tilespmem:v17+s14+$0x0] =	vst.idx.add.f32.msk $0xffff, v2;
	v13 =	vshll.u32 v18, $0x4  }
0x2b1: {  	v15 =	vld [tilespmem:s19+$0x6850];
	_ =	sdelay $0x2  }
0x2b2: {  	v14 =	vshll.u32 v14, $0x4  }
0x2b3: {  	v14 =	vor.u32 v7, v14  }
0x2b4: {  	v15 =	vshll.u32 v15, $0x4  }
0x2b5: {  	v15 =	vor.u32 v7, v15;
	_ =	sdelay $0x2  }
0x2b6: {  	[tilespmem:v14+s14+$0x0] =	vst.idx.add.f32.msk $0xffff, v2  }
0x2b7: {  	v14 =	vld [tilespmem:s19+$0x68E0]  }
0x2b8: {  	[tilespmem:v15+s14+$0x0] =	vst.idx.add.f32.msk $0xffff, v2  }
0x2b9: {  	v15 =	vld [tilespmem:s19+$0x6860];
	_ =	sdelay $0x2  }
0x2ba: {  	v14 =	vshll.u32 v14, $0x4  }
0x2bb: {  	v14 =	vor.u32 v8, v14  }
0x2bc: {  	v15 =	vshll.u32 v15, $0x4  }
0x2bd: {  	v15 =	vor.u32 v8, v15;
	_ =	sdelay $0x2  }
0x2be: {  	[tilespmem:v14+s14+$0x0] =	vst.idx.add.f32.msk $0xffff, v2  }
0x2bf: {  	v14 =	vld [tilespmem:s19+$0x68F0]  }
0x2c0: {  	[tilespmem:v15+s14+$0x0] =	vst.idx.add.f32.msk $0xffff, v2  }
0x2c1: {  	v15 =	vld [tilespmem:s19+$0x6870];
	_ =	sdelay $0x2  }
0x2c2: {  	v14 =	vshll.u32 v14, $0x4  }
0x2c3: {  	v14 =	vor.u32 v9, v14  }
0x2c4: {  	v15 =	vshll.u32 v15, $0x4  }
0x2c5: {  	v15 =	vor.u32 v9, v15;
	_ =	sdelay $0x2  }
0x2c6: {  	[tilespmem:v14+s14+$0x0] =	vst.idx.add.f32.msk $0xffff, v2  }
0x2c7: {  	v14 =	vld [tilespmem:s19+$0x6C80]  }
0x2c8: {  	[tilespmem:v15+s14+$0x0] =	vst.idx.add.f32.msk $0xffff, v2  }
0x2c9: {  	v15 =	vld [tilespmem:s19+$0x6C00];
	_ =	sdelay $0x2  }
0x2ca: {  	v14 =	vshll.u32 v14, $0x4  }
0x2cb: {  	v14 =	vor.u32 v1, v14  }
0x2cc: {  	v15 =	vshll.u32 v15, $0x4  }
0x2cd: {  	v15 =	vor.u32 v1, v15;
	_ =	sdelay $0x2  }
0x2ce: {  	[tilespmem:v14+s14+$0x0] =	vst.idx.add.f32.msk $0xffff, v2  }
0x2cf: {  	v14 =	vld [tilespmem:s19+$0x6C90]  }
0x2d0: {  	[tilespmem:v15+s14+$0x0] =	vst.idx.add.f32.msk $0xffff, v2  }
0x2d1: {  	v15 =	vld [tilespmem:s19+$0x6C10];
	_ =	sdelay $0x2  }
0x2d2: {  	v14 =	vshll.u32 v14, $0x4  }
0x2d3: {  	v14 =	vor.u32 v3, v14  }
0x2d4: {  	v15 =	vshll.u32 v15, $0x4  }
0x2d5: {  	v15 =	vor.u32 v3, v15;
	_ =	sdelay $0x2  }
0x2d6: {  	[tilespmem:v14+s14+$0x0] =	vst.idx.add.f32.msk $0xffff, v2  }
0x2d7: {  	v14 =	vld [tilespmem:s19+$0x6CA0]  }
0x2d8: {  	v13 =	vor.u32 v4, v13;
	v12 =	vshll.u32 v12, $0x4;
	[tilespmem:v15+s14+$0x0] =	vst.idx.add.f32.msk $0xffff, v2  }
0x2d9: {  	v12 =	vor.u32 v4, v12;
	v15 =	vld [tilespmem:s19+$0x6C20];
	_ =	sdelay $0x2  }
0x2da: {  	v14 =	vshll.u32 v14, $0x4  }
0x2db: {  	[tilespmem:v13+s14+$0x0] =	vst.idx.add.f32.msk $0xffff, v2;
	v14 =	vor.u32 v4, v14  }
0x2dc: {  	[tilespmem:v12+s14+$0x0] =	vst.idx.add.f32.msk $0xffff, v2;
	v62 =	vshll.u32 v15, $0x4  }
0x2dd: {  	v12 =	vld [tilespmem:s18+$0x6C30];
	v13 =	vor.u32 v4, v62;
	_ =	sdelay $0x1  }
0x2de: {  	v63 =	vld [tilespmem:s18+$0x6CB0]  }
0x2df: {  	[tilespmem:v14+s14+$0x0] =	vst.idx.add.f32.msk $0xffff, v2  }
0x2e0: {  	v14 =	vld [tilespmem:s19+$0x6CB0]  }
0x2e1: {  	v12 =	vshll.u32 v12, $0x4;
	[tilespmem:v13+s14+$0x0] =	vst.idx.add.f32.msk $0xffff, v2  }
0x2e2: {  	v12 =	vor.u32 v5, v12;
	v19 =	vld [tilespmem:s19+$0x6C30]  }
0x2e3: {  	v15 =	vshll.u32 v63, $0x4  }
0x2e4: {  	v18 =	vor.u32 v5, v15  }
0x2e5: {  	v14 =	vshll.u32 v14, $0x4  }
0x2e6: {  	v14 =	vor.u32 v5, v14  }
0x2e7: {  	[tilespmem:v12+s14+$0x0] =	vst.idx.add.f32.msk $0xffff, v2;
	v20 =	vshll.u32 v19, $0x4  }
0x2e8: {  	v12 =	vld [tilespmem:s18+$0x6C40];
	v13 =	vor.u32 v5, v20  }
0x2e9: {  	[tilespmem:v18+s14+$0x0] =	vst.idx.add.f32.msk $0xffff, v2  }
0x2ea: {  	v21 =	vld [tilespmem:s18+$0x6CC0]  }
0x2eb: {  	[tilespmem:v14+s14+$0x0] =	vst.idx.add.f32.msk $0xffff, v2  }
0x2ec: {  	v14 =	vld [tilespmem:s19+$0x6CC0]  }
0x2ed: {  	v12 =	vshll.u32 v12, $0x4;
	[tilespmem:v13+s14+$0x0] =	vst.idx.add.f32.msk $0xffff, v2  }
0x2ee: {  	v12 =	vor.u32 v6, v12;
	v23 =	vld [tilespmem:s19+$0x6C40]  }
0x2ef: {  	v15 =	vshll.u32 v21, $0x4  }
0x2f0: {  	v22 =	vor.u32 v6, v15  }
0x2f1: {  	v14 =	vshll.u32 v14, $0x4  }
0x2f2: {  	v14 =	vor.u32 v6, v14  }
0x2f3: {  	[tilespmem:v12+s14+$0x0] =	vst.idx.add.f32.msk $0xffff, v2;
	v24 =	vshll.u32 v23, $0x4  }
0x2f4: {  	v12 =	vld [tilespmem:s18+$0x6C50];
	v13 =	vor.u32 v6, v24  }
0x2f5: {  	[tilespmem:v22+s14+$0x0] =	vst.idx.add.f32.msk $0xffff, v2  }
0x2f6: {  	v25 =	vld [tilespmem:s18+$0x6CD0]  }
0x2f7: {  	[tilespmem:v14+s14+$0x0] =	vst.idx.add.f32.msk $0xffff, v2  }
0x2f8: {  	v14 =	vld [tilespmem:s19+$0x6CD0]  }
0x2f9: {  	v12 =	vshll.u32 v12, $0x4;
	[tilespmem:v13+s14+$0x0] =	vst.idx.add.f32.msk $0xffff, v2  }
0x2fa: {  	v12 =	vor.u32 v7, v12;
	v27 =	vld [tilespmem:s19+$0x6C50]  }
0x2fb: {  	v15 =	vshll.u32 v25, $0x4  }
0x2fc: {  	v26 =	vor.u32 v7, v15  }
0x2fd: {  	v14 =	vshll.u32 v14, $0x4  }
0x2fe: {  	v14 =	vor.u32 v7, v14  }
0x2ff: {  	[tilespmem:v12+s14+$0x0] =	vst.idx.add.f32.msk $0xffff, v2;
	v28 =	vshll.u32 v27, $0x4  }
0x300: {  	v12 =	vld [tilespmem:s18+$0x6C60];
	v13 =	vor.u32 v7, v28  }
0x301: {  	[tilespmem:v26+s14+$0x0] =	vst.idx.add.f32.msk $0xffff, v2  }
0x302: {  	v29 =	vld [tilespmem:s18+$0x6CE0]  }
0x303: {  	[tilespmem:v14+s14+$0x0] =	vst.idx.add.f32.msk $0xffff, v2  }
0x304: {  	v14 =	vld [tilespmem:s19+$0x6CE0]  }
0x305: {  	v12 =	vshll.u32 v12, $0x4;
	[tilespmem:v13+s14+$0x0] =	vst.idx.add.f32.msk $0xffff, v2  }
0x306: {  	v12 =	vor.u32 v8, v12;
	v31 =	vld [tilespmem:s19+$0x6C60]  }
0x307: {  	v15 =	vshll.u32 v29, $0x4  }
0x308: {  	v30 =	vor.u32 v8, v15  }
0x309: {  	v14 =	vshll.u32 v14, $0x4  }
0x30a: {  	v14 =	vor.u32 v8, v14  }
0x30b: {  	[tilespmem:v12+s14+$0x0] =	vst.idx.add.f32.msk $0xffff, v2;
	v32 =	vshll.u32 v31, $0x4  }
0x30c: {  	v12 =	vld [tilespmem:s18+$0x6C70];
	v13 =	vor.u32 v8, v32  }
0x30d: {  	[tilespmem:v30+s14+$0x0] =	vst.idx.add.f32.msk $0xffff, v2  }
0x30e: {  	v33 =	vld [tilespmem:s18+$0x6CF0]  }
0x30f: {  	[tilespmem:v14+s14+$0x0] =	vst.idx.add.f32.msk $0xffff, v2  }
0x310: {  	v14 =	vld [tilespmem:s19+$0x6CF0]  }
0x311: {  	[tilespmem:v13+s14+$0x0] =	vst.idx.add.f32.msk $0xffff, v2  }
0x312: {  	v13 =	vld [tilespmem:s19+$0x6C70];
	_ =	sdelay $0x1  }
0x313: {  	v12 =	vshll.u32 v12, $0x4  }
0x314: {  	v12 =	vor.u32 v9, v12;
	v15 =	vshll.u32 v33, $0x4  }
0x315: {  	v15 =	vor.u32 v9, v15;
	v14 =	vshll.u32 v14, $0x4  }
0x316: {  	v14 =	vor.u32 v9, v14;
	v13 =	vshll.u32 v13, $0x4  }
0x317: {  	[tilespmem:v11+s14+$0x0] =	vst.idx.add.f32.msk $0xffff, v2;
	v11 =	vor.u32 v9, v13  }
0x318: {  	[tilespmem:v10+s14+$0x0] =	vst.idx.add.f32.msk $0xffff, v2  }
0x319: {  	[tilespmem:v12+s14+$0x0] =	vst.idx.add.f32.msk $0xffff, v2  }
0x31a: {  	[tilespmem:v15+s14+$0x0] =	vst.idx.add.f32.msk $0xffff, v2  }
0x31b: {  	[tilespmem:v14+s14+$0x0] =	vst.idx.add.f32.msk $0xffff, v2  }
0x31c: {  	[tilespmem:v11+s14+$0x0] =	vst.idx.add.f32.msk $0xffff, v2  }
0x31d: {  	v10 =	vld [tilespmem:$0xD000]  }
0x31e: {  	v11 =	vld [tilespmem:$0xD004]  }
0x31f: {  	v12 =	vld [tilespmem:$0xD080]  }
0x320: {  	v34 =	vld [tilespmem:$0xD084]  }
0x321: {  	v14 =	vld [tilespmem:$0xD100]  }
0x322: {  	v15 =	vld [tilespmem:$0xD104]  }
0x323: {  	v16 =	vld [tilespmem:$0xD180]  }
0x324: {  	v17 =	vld [tilespmem:$0xD184]  }
0x325: {  	v18 =	vld [tilespmem:$0xD200]  }
0x326: {  	v19 =	vld [tilespmem:$0xD204]  }
0x327: {  	v35 =	vld [tilespmem:$0xD300]  }
0x328: {  	v36 =	vld [tilespmem:$0xD304]  }
0x329: {  	v37 =	vld [tilespmem:$0xD380]  }
0x32a: {  	v38 =	vld [tilespmem:$0xD384];
	v11 =	vsel vm0, $0x0, v11;
	(xrf2) =	vadd.scan.msk.f32 $0xffff, v10  }
0x32b: {  	v39 =	vld [tilespmem:$0xD400];
	(xrf2) =	vadd.scan.msk.f32 $0xffff, v11  }
0x32c: {  	v40 =	vld [tilespmem:$0xD404];
	v13 =	vsel vm0, $0x0, v34;
	(xrf2) =	vadd.scan.msk.f32 $0xffff, v12  }
0x32d: {  	v41 =	vld [tilespmem:$0xD480];
	(xrf2) =	vadd.scan.msk.f32 $0xffff, v13  }
0x32e: {  	v10 =	vld [tilespmem:$0xD280];
	v15 =	vsel vm0, $0x0, v15;
	(xrf2) =	vadd.scan.msk.f32 $0xffff, v14  }
0x32f: {  	v11 =	vld [tilespmem:$0xD284];
	(xrf2) =	vadd.scan.msk.f32 $0xffff, v15  }
0x330: {  	v42 =	vld [tilespmem:$0xD484];
	v17 =	vsel vm0, $0x0, v17;
	(xrf2) =	vadd.scan.msk.f32 $0xffff, v16  }
0x331: {  	v45 =	vld [tilespmem:$0xD8A0];
	(xrf2) =	vadd.scan.msk.f32 $0xffff, v17  }
0x332: {  	v47 =	vld [tilespmem:$0xD8B0];
	v19 =	vsel vm0, $0x0, v19;
	(xrf2) =	vadd.scan.msk.f32 $0xffff, v18  }
0x333: {  	v53 =	vld [tilespmem:$0xD8F0];
	(xrf2) =	vadd.scan.msk.f32 $0xffff, v19  }
0x334: {  	v55 =	vld [tilespmem:$0xD900];
	v11 =	vsel vm0, $0x0, v11;
	v20, _, _ =	vpop (xrf2);
	(xrf2) =	vadd.scan.msk.f32 $0xffff, v10  }
0x335: {  	v57 =	vld [tilespmem:$0xD910];
	(v2sf) =	vpush v20, $0xF;
	v43, _, _ =	vpop (xrf2);
	(xrf2) =	vadd.scan.msk.f32 $0xffff, v11  }
0x336: {  	v58 =	vld [tilespmem:$0xD980];
	v13 =	vsel vm0, $0x0, v36;
	(v2sf) =	vpush v43, $0xF;
	v44, _, _ =	vpop (xrf2);
	(xrf2) =	vadd.scan.msk.f32 $0xffff, v35  }
0x337: {  	v59 =	vld [tilespmem:$0xD990];
	(v2sf) =	vpush v44, $0xF;
	v46, _, _ =	vpop (xrf2);
	(xrf2) =	vadd.scan.msk.f32 $0xffff, v13  }
0x338: {  	v60 =	vld [tilespmem:$0xD9A0];
	v15 =	vsel vm0, $0x0, v38;
	(v2sf) =	vpush v46, $0xF;
	v49, _, _ =	vpop (xrf2);
	(xrf2) =	vadd.scan.msk.f32 $0xffff, v37  }
0x339: {  	v61 =	vld [tilespmem:$0xD9B0];
	(v2sf) =	vpush v49, $0xF;
	v50, _, _ =	vpop (xrf2);
	(xrf2) =	vadd.scan.msk.f32 $0xffff, v15  }
0x33a: {  	v62 =	vld [tilespmem:$0xD9C0];
	v17 =	vsel vm0, $0x0, v40;
	(v2sf) =	vpush v50, $0xF;
	v51, _, _ =	vpop (xrf2);
	(xrf2) =	vadd.scan.msk.f32 $0xffff, v39  }
0x33b: {  	v63 =	vld [tilespmem:$0xD9D0];
	(v2sf) =	vpush v51, $0xF;
	v52, _, _ =	vpop (xrf2);
	(xrf2) =	vadd.scan.msk.f32 $0xffff, v17  }
0x33c: {  	v48 =	vld [tilespmem:$0xD9E0];
	(v2sf) =	vpush v52, $0xF;
	v54, _, _ =	vpop (xrf2)  }
0x33d: {  	v30 =	vld [tilespmem:$0xDA10];
	v19 =	vsel vm0, $0x0, v42;
	(xrf2) =	vadd.scan.msk.f32 $0xffff, v41;
	(v2sf) =	vpush v54, $0xF;
	v56, _, _ =	vpop (xrf2)  }
0x33e: {  	v31 =	vld [tilespmem:$0xDA90];
	(xrf2) =	vadd.scan.msk.f32 $0xffff, v19;
	v21, _, _ =	vpop (xrf2);
	(v2sf) =	vpush v56, $0xF  }
0x33f: {  	v32 =	vld [tilespmem:$0xDAA0];
	v22, _, _ =	vpop (xrf2);
	(v2sf) =	vpush v21, $0xF  }
0x340: {  	v33 =	vld [tilespmem:$0xDAB0];
	v23, _, _ =	vpop (xrf2);
	(v2sf) =	vpush v22, $0xF  }
0x341: {  	v34 =	vld [tilespmem:$0xDAC0];
	v24, _, _ =	vpop (xrf2);
	(v2sf) =	vpush v23, $0xF  }
0x342: {  	v36 =	vld [tilespmem:$0xDAE0];
	v25, _, _ =	vpop (xrf2);
	(v2sf) =	vpush v24, $0xF  }
0x343: {  	v14 =	vld [tilespmem:$0xD8C0];
	v26, _, _ =	vpop (xrf2);
	(v2sf) =	vpush v25, $0xF  }
0x344: {  	v38 =	vld [tilespmem:$0xDB00];
	v27, _, _ =	vpop (xrf2);
	s31 =	spop (v2sf);
	(v2sf) =	vpush v26, $0xF  }
0x345: {  	v16 =	vld [tilespmem:$0xD8E0];
	v28, _, _ =	vpop (xrf2);
	s0 =	spop (v2sf);
	(v2sf) =	vpush v27, $0xF  }
0x346: {  	v40 =	vld [tilespmem:$0xDB80];
	s20 =	spop (v2sf);
	(v2sf) =	vpush v28, $0xF  }
0x347: {  	v18 =	vld [tilespmem:$0xDC90];
	v29, _, _ =	vpop (xrf2);
	s21 =	spop (v2sf)  }
0x348: {  	v42 =	vld [tilespmem:$0xDBA0];
	(v2sf) =	vpush v29, $0xF;
	v51, _, _ =	vpop (xrf2);
	s22 =	spop (v2sf)  }
0x349: {  	v10 =	vld [tilespmem:$0xD880];
	(v2sf) =	vpush v51, $0xF;
	s23 =	spop (v2sf)  }
0x34a: {  	v11 =	vld [tilespmem:$0xD890];
	s24 =	spop (v2sf)  }
0x34b: {  	v20 =	vld [tilespmem:$0xDCA0];
	s25 =	spop (v2sf)  }
0x34c: {  	v35 =	vld [tilespmem:$0xDAD0];
	s26 =	spop (v2sf)  }
0x34d: {  	v43 =	vld [tilespmem:$0xDBB0];
	s18 =	sadd.f32 s0, s31;
	s28 =	spop (v2sf)  }
0x34e: {  	v15 =	vld [tilespmem:$0xD8D0];
	s19 =	sadd.f32 s21, s20;
	s29 =	spop (v2sf)  }
0x34f: {  	v44 =	vld [tilespmem:$0xDBC0];
	s20 =	sadd.f32 s23, s22;
	s30 =	spop (v2sf)  }
0x350: {  	v37 =	vld [tilespmem:$0xDAF0];
	v10 =	vmul.f32 s18, v10;
	v11 =	vmul.f32 s19, v11;
	s21 =	sadd.f32 s25, s24;
	s31 =	spop (v2sf)  }
0x351: {  	v46 =	vld [tilespmem:$0xDBE0];
	v56 =	vmul.f32 s19, v59;
	v31 =	vmul.f32 s19, v31;
	s23 =	sadd.f32 s30, s29;
	s0 =	spop (v2sf)  }
0x352: {  	v49 =	vld [tilespmem:$0xD9F0];
	v18 =	vmul.f32 s19, v18;
	v12 =	vmul.f32 s20, v45;
	s22 =	sadd.f32 s28, s26;
	s25 =	spop (v2sf)  }
0x353: {  	v50 =	vld [tilespmem:$0xDA00];
	v11 =	vadd.f32 $0.0e+00, v11;
	v13 =	vmul.f32 s21, v47;
	s24 =	sadd.f32 s0, s31;
	v15 =	vmul.f32 s23, v15;
	s26 =	spop (v2sf)  }
0x354: {  	v39 =	vld [tilespmem:$0xDB10];
	v47 =	vmul.f32 s20, v32;
	v14 =	vmul.f32 s22, v14;
	s28 =	spop (v2sf);
	s25 =	sadd.f32 s26, s25  }
0x355: {  	v59 =	vmul.f32 s22, v62;
	v16 =	vmul.f32 s24, v16;
	v11 =	vadd.f32 v15, v11;
	v15 =	vld [tilespmem:$0xDBF0];
	s30 =	spop (v2sf)  }
0x356: {  	v52 =	vld [tilespmem:$0xDA80];
	v51 =	vmul.f32 s24, v36;
	s26 =	sadd.f32 s30, s28;
	v17 =	vmul.f32 s25, v53  }
0x357: {  	v41 =	vld [tilespmem:$0xDB90];
	v10 =	vadd.f32 $0.0e+00, v10;
	s31 =	spop (v2sf);
	v62 =	vmul.f32 s25, v49;
	v49 =	vmul.f32 s22, v34  }
0x358: {  	v19 =	vld [tilespmem:$0xDC10];
	v12 =	vadd.f32 $0.0e+00, v12;
	s30 =	spop (v2sf);
	v53 =	vmul.f32 s26, v55;
	v55 =	vmul.f32 s18, v58  }
0x359: {  	v21 =	vld [tilespmem:$0xDC80];
	v13 =	vadd.f32 $0.0e+00, v13;
	s31 =	sadd.f32 s30, s31;
	v58 =	vmul.f32 s21, v61;
	v61 =	vmul.f32 s24, v48  }
0x35a: {  	v22 =	vld [tilespmem:$0xDCD0];
	v10 =	vadd.f32 v14, v10;
	v48 =	vmul.f32 s21, v33;
	v15 =	vmul.f32 s25, v15  }
0x35b: {  	v23 =	vld [tilespmem:$0xDCB0];
	v12 =	vadd.f32 v16, v12;
	v54 =	vmul.f32 s31, v57;
	v57 =	vmul.f32 s20, v60  }
0x35c: {  	v24 =	vld [tilespmem:$0xDCE0];
	v13 =	vadd.f32 v17, v13;
	v60 =	vmul.f32 s23, v63;
	v63 =	vmul.f32 s26, v50  }
0x35d: {  	v25 =	vld [tilespmem:$0xDCC0];
	v10 =	vadd.f32 v53, v10;
	v28 =	vmul.f32 s31, v30;
	v30 =	vmul.f32 s18, v52  }
0x35e: {  	v27 =	vld [tilespmem:$0xDCF0];
	v12 =	vadd.f32 v55, v12;
	v50 =	vmul.f32 s23, v35;
	v53 =	vmul.f32 s25, v37  }
0x35f: {  	v29 =	vld [tilespmem:$0xDD00];
	v13 =	vadd.f32 v56, v13;
	v55 =	vmul.f32 s31, v39;
	v56 =	vmul.f32 s18, v40  }
0x360: {  	v45 =	vld [tilespmem:$0xDBD0];
	v37 =	vmul.f32 s31, v19;
	v39 =	vmul.f32 s18, v21  }
0x361: {  	v17 =	vld [tilespmem:$0xDC00];
	v11 =	vadd.f32 v54, v11;
	v10 =	vadd.f32 v57, v10;
	v54 =	vmul.f32 s26, v38  }
0x362: {  	v52 =	vld [tilespmem:$0xDD10];
	v12 =	vadd.f32 v59, v12;
	v57 =	vmul.f32 s19, v41;
	v59 =	vmul.f32 s21, v43  }
0x363: {  	v32 =	vld [tilespmem:$0xDDC0];
	v13 =	vadd.f32 v60, v13;
	v60 =	vmul.f32 s22, v44;
	v41 =	vmul.f32 s20, v20  }
0x364: {  	v36 =	vld [tilespmem:$0xDDE0];
	v44 =	vmul.f32 s22, v25;
	v11 =	vadd.f32 v58, v11;
	v10 =	vadd.f32 v61, v10  }
0x365: {  	v34 =	vld [tilespmem:$0xDDF0];
	v12 =	vadd.f32 v63, v12;
	v58 =	vmul.f32 s20, v42;
	v61 =	vmul.f32 s23, v45  }
0x366: {  	v33 =	vld [tilespmem:$0xDDA0];
	v13 =	vadd.f32 v28, v13;
	v63 =	vmul.f32 s26, v17;
	v42 =	vmul.f32 s21, v23  }
0x367: {  	v35 =	vld [tilespmem:$0xDDD0];
	v52 =	vmul.f32 s31, v52;
	v11 =	vadd.f32 v62, v11;
	v10 =	vadd.f32 v30, v10  }
0x368: {  	v28 =	vld [tilespmem:$0xDD80];
	v12 =	vadd.f32 v47, v12;
	v13 =	vadd.f32 v48, v13;
	v62 =	vmul.f32 s24, v46  }
0x369: {  	v40 =	vld [tilespmem:$0xDE10];
	v46 =	vmul.f32 s23, v22;
	v11 =	vadd.f32 v31, v11;
	v10 =	vadd.f32 v49, v10  }
0x36a: {  	v48 =	vmul.f32 s24, v24;
	v12 =	vadd.f32 v51, v12;
	v31 =	vld [tilespmem:$0xDD90];
	v13 =	vadd.f32 v53, v13  }
0x36b: {  	v38 =	vld [tilespmem:$0xDE00];
	v49 =	vmul.f32 s25, v27;
	v11 =	vadd.f32 v50, v11;
	v10 =	vadd.f32 v54, v10  }
0x36c: {  	v47 =	vld [tilespmem:$0xDEA0];
	v51 =	vmul.f32 s26, v29;
	v12 =	vadd.f32 v56, v12;
	v13 =	vadd.f32 v57, v13  }
0x36d: {  	v30 =	vld [tilespmem:$0xDDB0];
	v54 =	vmul.f32 s18, v28;
	v11 =	vadd.f32 v55, v11;
	v10 =	vadd.f32 v58, v10  }
0x36e: {  	v43 =	vld [tilespmem:$0xDE80];
	v13 =	vadd.f32 v61, v13;
	v58 =	vmul.f32 s20, v33;
	v61 =	vmul.f32 s22, v32  }
0x36f: {  	v45 =	vld [tilespmem:$0xDE90];
	v12 =	vadd.f32 v60, v12;
	v33 =	vmul.f32 s25, v34;
	v56 =	vmul.f32 s19, v31  }
0x370: {  	v57 =	vld [tilespmem:$0xDEE0];
	v31 =	vmul.f32 s24, v36;
	v36 =	vmul.f32 s31, v40;
	v11 =	vadd.f32 v59, v11  }
0x371: {  	v50 =	vld [tilespmem:$0xDEB0];
	v40 =	vmul.f32 s20, v47;
	v10 =	vadd.f32 v62, v10;
	v12 =	vadd.f32 v63, v12  }
0x372: {  	v53 =	vld [tilespmem:$0xDEC0];
	v13 =	vadd.f32 v37, v13;
	v59 =	vmul.f32 s21, v30;
	v62 =	vmul.f32 s23, v35  }
0x373: {  	v55 =	vld [tilespmem:$0xDED0];
	v35 =	vmul.f32 s26, v38;
	v11 =	vadd.f32 v15, v11;
	v10 =	vadd.f32 v39, v10  }
0x374: {  	v60 =	vld [tilespmem:$0xDEF0];
	v38 =	vmul.f32 s18, v43;
	v12 =	vadd.f32 v41, v12;
	v13 =	vadd.f32 v42, v13  }
0x375: {  	v63 =	vld [tilespmem:$0xDF00];
	v47 =	vmul.f32 s24, v57;
	v11 =	vadd.f32 v18, v11;
	v10 =	vadd.f32 v44, v10  }
0x376: {  	v37 =	vld [tilespmem:$0xDF90];
	v42 =	vmul.f32 s21, v50;
	v12 =	vadd.f32 v48, v12;
	v13 =	vadd.f32 v49, v13  }
0x377: {  	v34 =	vld [tilespmem:$0xDF80];
	v18 =	vmul.f32 s19, v45;
	v44 =	vmul.f32 s22, v53;
	v11 =	vadd.f32 v46, v11  }
0x378: {  	v39 =	vld [tilespmem:$0xDFA0];
	v45 =	vmul.f32 s23, v55;
	v10 =	vadd.f32 v51, v10;
	v12 =	vadd.f32 v54, v12  }
0x379: {  	v41 =	vld [tilespmem:$0xDFB0];
	v48 =	vmul.f32 s25, v60;
	v13 =	vadd.f32 v56, v13;
	v11 =	vadd.f32 v52, v11  }
0x37a: {  	v32 =	vld [tilespmem:$0xDF10];
	v50 =	vmul.f32 s26, v63;
	v10 =	vadd.f32 v58, v10;
	v12 =	vadd.f32 v61, v12  }
0x37b: {  	v43 =	vld [tilespmem:$0xDFC0];
	v55 =	vmul.f32 s19, v37;
	v13 =	vadd.f32 v62, v13;
	v11 =	vadd.f32 v59, v11  }
0x37c: {  	v49 =	vld [tilespmem:$0xDFE0];
	v54 =	vmul.f32 s18, v34;
	v10 =	vadd.f32 v31, v10;
	v12 =	vadd.f32 v35, v12  }
0x37d: {  	v53 =	vld [tilespmem:$0xE000];
	v57 =	vmul.f32 s20, v39;
	v13 =	vadd.f32 v36, v13;
	v11 =	vadd.f32 v33, v11  }
0x37e: {  	v46 =	vld [tilespmem:$0xDFD0];
	v16 =	vmul.f32 s21, v41;
	v10 =	vadd.f32 v38, v10;
	v12 =	vadd.f32 v40, v12  }
0x37f: {  	v51 =	vld [tilespmem:$0xDFF0];
	v52 =	vmul.f32 s31, v32;
	v13 =	vadd.f32 v42, v13;
	v11 =	vadd.f32 v18, v11  }
0x380: {  	v56 =	vld [tilespmem:$0xE010];
	v58 =	vmul.f32 s22, v43;
	v10 =	vadd.f32 v44, v10;
	v12 =	vadd.f32 v47, v12  }
0x381: {  	v60 =	vmul.f32 s24, v49;
	v13 =	vadd.f32 v48, v13;
	v11 =	vadd.f32 v45, v11  }
0x382: {  	v62 =	vmul.f32 s26, v53;
	v10 =	vadd.f32 v50, v10;
	v12 =	vadd.f32 v54, v12  }
0x383: {  	v59 =	vmul.f32 s23, v46;
	v13 =	vadd.f32 v55, v13;
	v11 =	vadd.f32 v52, v11  }
0x384: {  	v61 =	vmul.f32 s25, v51;
	v10 =	vadd.f32 v57, v10;
	v12 =	vadd.f32 v58, v12  }
0x385: {  	v63 =	vmul.f32 s31, v56;
	v13 =	vadd.f32 v59, v13;
	v11 =	vadd.f32 v16, v11  }
0x386: {  	v10 =	vadd.f32 v60, v10;
	v12 =	vadd.f32 v62, v12  }
0x387: {  	v13 =	vadd.f32 v63, v13;
	v11 =	vadd.f32 v61, v11;
	_ =	sdelay $0x1  }
0x388: {  	v10 =	vadd.f32 v11, v10;
	v11 =	vadd.f32 v13, v12;
	_ =	sdelay $0x1  }
0x389: {  	s17 =	sadd.s32 $0x1, s17;
	v10 =	vadd.f32 v11, v10  }
0x38a: {  	p0 =	sne.s32 s17, s7  }
.Ltmp2:
0x38b: {  	[tilespmem:$0xD800] =	vst v10;
	(pc) =	sbr.rel @p0 .LBB2_1-.Ltmp2, $4  }
0x38c: {  	[hbm4b:s6+s3] =	stream.linear.scatter [tilespmem:s16], [sflag:$0x3], $0x80, $0x38;
	[tilespmem:$0xE080] =	vst v63  }
0x38d: {  	_ =	swait.ge [sflag:s12], $0x80  }
0x38e: {  	[sflag:s12] =	ssyncset.done $0x0  }
0x38f: {  	[sflag:s12] =	ssyncadd.s32 $0xFFFFFF80  }
0x390: {  	_ =	sfence.sel $0x180000  }
0x391: {  	[bflag:$0x0] =	sbarrier.arrive $0xFFFF  }
0x392: {  	_ =	strace $0x90000047  }
0x393: {  	[bflag:$0x2] =	sbarrier.arrive $0xFFFF  }
0x394: {  	p0 =	sne.s32 s2, $0x0;
	s0 =	rddreg [dreg:$0x3]  }
0x395: {  	s0 =	sadd.s32 @!p0 $0x100000, s0  }
0x396: {  	[sflag:s0] =	ssyncadd.tile.s32 @!p0 $0x1;
	_ =	shalt  }
.Lfunc_end2:
_tile_overlayer_lowered:
.L_overlay_start_2:
0x397: {  	(tag) =	ssettag $0x2  }
0x398: {  	s0 =	rddreg [dreg:$0x0];
	s2 =	stileid.u32  }
0x399: {  	s1 =	rddreg [dreg:$0x1];
	p0 =	sne.s32 s2, $0x0  }
0x39a: {  	s3 =	rddreg [dreg:$0x2];
	[bflag:$0x3] =	sbarrier.arrive $0xFFFF;
	s2 =	simm.s32 @!p0 $0x1C03  }
0x39b: {  	[timem:s3], [sflag:s2] =	dma.local @!p0 [hbm:s0], s1  }
0x39c: {  	s0 =	simm.s32 @!p0 $0x3  }
0x39d: {  	_ =	swait.ge @!p0 [sflag:s0], s1  }
0x39e: {  	s1 =	ssub.s32 @!p0 $0x0, s1;
	[sflag:s0] =	ssyncset.done @!p0 $0x0  }
0x39f: {  	[sflag:s0] =	ssyncadd.s32 @!p0 s1  }
0x3a0: {  	[bflag:$0x3] =	sbarrier.arrive $0xFFFF  }
0x3a1: {  	_ =	shalt  }

</sc_bundles>
